<compile_context>
chip_gen: v7x
topology: tpu7x:2x2x1
jax: 0.10.2.dev20260603
libtpu: 0.0.44.dev20260713+nightly
codegen_flags: <defaults>
</compile_context>

<pallas_src>
import jax
import jax.numpy as jnp
from jax import lax
from jax.experimental import pallas as pl
from jax.experimental.pallas import tpu as pltpu
from jax.experimental.pallas import tpu_sc as plsc

N = 10000
E = 320000
D = 128
H = 64
C = 64

B = 128
EPW = 20480
CH = EPW // B
EPAD = 16 * EPW
NPAD = 10240
RPT = NPAD // 16
TAIL = N - 15 * RPT
NBUF = 4
PREF = 2

_mesh = plsc.VectorSubcoreMesh(core_axis_name="c", subcore_axis_name="s")


def _make_agg_kernel(with_deg):
  outs = [jax.ShapeDtypeStruct((2, N, H), jnp.float32)]
  if with_deg:
    outs.append(jax.ShapeDtypeStruct((2, N, 16), jnp.float32))
  scratch = [
      pltpu.VMEM((CH, B), jnp.int32),
      pltpu.VMEM((CH, B), jnp.int32),
      pltpu.VMEM((NBUF, B, H), jnp.float32),
      pltpu.VMEM((B, 16), jnp.float32),
      pltpu.VMEM_SHARED((NPAD, H), jnp.float32),
  ]
  if with_deg:
    scratch.append(pltpu.VMEM_SHARED((NPAD, 16), jnp.float32))
  scratch.extend([pltpu.SemaphoreType.DMA] * NBUF)

  def body(yt_hbm, src_hbm, dst_hbm, *rest):
    if with_deg:
      (agg_out, deg_out, src_v, dst_v, rows_v, b16_v, agg_sh, deg_sh,
       *gsem) = rest
    else:
      (agg_out, src_v, dst_v, rows_v, b16_v, agg_sh, *gsem) = rest
      deg_out = deg_sh = None

    cid = lax.axis_index("c")
    sid = lax.axis_index("s")
    base = sid * RPT

    z_v = rows_v.at[0]

    @pl.loop(0, B)
    def _(r):
      @pl.loop(0, H, step=16)
      def _(cc):
        z_v[r, pl.ds(cc, 16)] = jnp.zeros((16,), jnp.float32)

    for k in range(RPT // B):
      pltpu.sync_copy(z_v, agg_sh.at[pl.ds(base + k * B, B)])

    if with_deg:
      @pl.loop(0, B)
      def _(r):
        b16_v[r, pl.ds(0, 16)] = jnp.zeros((16,), jnp.float32)

      for k in range(RPT // B):
        pltpu.sync_copy(b16_v, deg_sh.at[pl.ds(base + k * B, B)])

      @pl.loop(0, B)
      def _(r):
        b16_v[r, pl.ds(0, 16)] = jnp.ones((16,), jnp.float32)

    pltpu.sync_copy(src_hbm.at[cid, sid], src_v)
    pltpu.sync_copy(dst_hbm.at[sid], dst_v)

    plsc.subcore_barrier()

    for b in range(NBUF):
      pltpu.async_copy(yt_hbm.at[src_v.at[b]], rows_v.at[b], gsem[b])

    @pl.loop(0, CH, step=NBUF)
    def _(j):
      for b in range(NBUF):
        c = j + b
        pltpu.make_async_copy(
            yt_hbm.at[src_v.at[c]], rows_v.at[b], gsem[b]).wait()
        pltpu.sync_copy(rows_v.at[b], agg_sh.at[dst_v.at[c]], add=True)
        if with_deg:
          @pl.when(lax.rem(c, 2) == cid)
          def _():
            pltpu.sync_copy(b16_v, deg_sh.at[dst_v.at[c]], add=True)

        @pl.when(c + NBUF < CH)
        def _():
          pltpu.async_copy(
              yt_hbm.at[src_v.at[c + NBUF]], rows_v.at[b], gsem[b])

    plsc.subcore_barrier()

    @pl.when(sid < 15)
    def _():
      pltpu.sync_copy(agg_sh.at[pl.ds(base, RPT)],
                      agg_out.at[cid, pl.ds(base, RPT)])
      if with_deg:
        pltpu.sync_copy(deg_sh.at[pl.ds(base, RPT)],
                        deg_out.at[cid, pl.ds(base, RPT)])

    @pl.when(sid == 15)
    def _():
      pltpu.sync_copy(agg_sh.at[pl.ds(15 * RPT, TAIL)],
                      agg_out.at[cid, pl.ds(15 * RPT, TAIL)])
      if with_deg:
        pltpu.sync_copy(deg_sh.at[pl.ds(15 * RPT, TAIL)],
                        deg_out.at[cid, pl.ds(15 * RPT, TAIL)])

  return pl.kernel(
      body, out_type=outs, mesh=_mesh, scratch_types=scratch,
      compiler_params=pltpu.CompilerParams(use_tc_tiling_on_sc=False))


_agg_with_deg = _make_agg_kernel(True)


B1 = 80
CH1 = 125
NBUF1 = 2
RFULL = 632
RLAST = N - 15 * RFULL


def _make_agg_edge():
  scratch = [
      pltpu.VMEM((CH1, B1), jnp.int32),
      pltpu.VMEM((80, B1), jnp.int32),
      pltpu.VMEM_SHARED((N, D), jnp.float32),
  ]
  scratch.extend([pltpu.VMEM((B1, D), jnp.float32)] * NBUF1)
  scratch.extend([pltpu.SemaphoreType.DMA] * NBUF1)

  def body(y_hbm, src_hbm, dst_hbm, agg_out, src_v, dst_v, agg_sh, *rest):
    rows = rest[:NBUF1]
    gsem = rest[NBUF1:]
    cid = lax.axis_index("c")
    sid = lax.axis_index("s")
    base = sid * RFULL

    z_v = rows[0]

    @pl.loop(0, B1)
    def _(r):
      @pl.loop(0, D, step=16)
      def _(cc):
        z_v[r, pl.ds(cc, 16)] = jnp.zeros((16,), jnp.float32)

    @pl.when(sid < 15)
    def _():
      for k in range(RFULL // B1):
        pltpu.sync_copy(z_v, agg_sh.at[pl.ds(base + k * B1, B1)])
      pltpu.sync_copy(z_v.at[pl.ds(0, RFULL - 7 * B1)],
                      agg_sh.at[pl.ds(base + 7 * B1, RFULL - 7 * B1)])

    @pl.when(sid == 15)
    def _():
      for k in range(RLAST // B1):
        pltpu.sync_copy(z_v, agg_sh.at[pl.ds(15 * RFULL + k * B1, B1)])
      pltpu.sync_copy(z_v.at[pl.ds(0, RLAST - 6 * B1)],
                      agg_sh.at[pl.ds(15 * RFULL + 6 * B1,
                                      RLAST - 6 * B1)])

    pltpu.sync_copy(src_hbm.at[cid, sid], src_v)
    pltpu.sync_copy(dst_hbm.at[cid, sid, pl.ds(0, 48)],
                    dst_v.at[pl.ds(0, 48)])

    plsc.subcore_barrier()

    for b in range(NBUF1):
      pltpu.async_copy(y_hbm.at[src_v.at[b]], rows[b], gsem[b])

    @pl.loop(0, 48, step=NBUF1)
    def _(j):
      for b in range(NBUF1):
        c = j + b
        pltpu.make_async_copy(
            y_hbm.at[src_v.at[c]], rows[b], gsem[b]).wait()
        pltpu.sync_copy(rows[b], agg_sh.at[dst_v.at[c]], add=True)
        pltpu.async_copy(y_hbm.at[src_v.at[c + NBUF1]], rows[b], gsem[b])

    pltpu.sync_copy(dst_hbm.at[cid, sid, pl.ds(48, CH1 - 48)],
                    dst_v.at[pl.ds(0, CH1 - 48)])

    @pl.loop(48, 124, step=NBUF1)
    def _(j):
      for b in range(NBUF1):
        c = j + b
        pltpu.make_async_copy(
            y_hbm.at[src_v.at[c]], rows[b], gsem[b]).wait()
        pltpu.sync_copy(rows[b], agg_sh.at[dst_v.at[c - 48]], add=True)

        @pl.when(c + NBUF1 < CH1)
        def _():
          pltpu.async_copy(y_hbm.at[src_v.at[c + NBUF1]], rows[b], gsem[b])

    pltpu.make_async_copy(
        y_hbm.at[src_v.at[CH1 - 1]], rows[0], gsem[0]).wait()
    pltpu.sync_copy(rows[0], agg_sh.at[dst_v.at[CH1 - 1 - 48]], add=True)

    plsc.subcore_barrier()

    @pl.when(sid < 15)
    def _():
      pltpu.sync_copy(agg_sh.at[pl.ds(base, RFULL)],
                      agg_out.at[cid, pl.ds(base, RFULL)])

    @pl.when(sid == 15)
    def _():
      pltpu.sync_copy(agg_sh.at[pl.ds(15 * RFULL, RLAST)],
                      agg_out.at[cid, pl.ds(15 * RFULL, RLAST)])

  return pl.kernel(
      body, out_type=[jax.ShapeDtypeStruct((2, N, D), jnp.float32)],
      mesh=_mesh, scratch_types=scratch)


_agg_edge = _make_agg_edge()



_R = 1000
_DOT = dict(preferred_element_type=jnp.float32, precision=lax.Precision.DEFAULT)


def _self_body(y, wt, bb, out):
  out[...] = jnp.dot(y[...], wt[...], **_DOT) + bb[...]


def _combine0_body(aggp, degp, s0, wn0t, h0_out):
  a = jnp.concatenate([aggp[0], aggp[1]], axis=-1)
  d = degp[0, :, 0:1] + degp[1, :, 0:1]
  mean = a / jnp.maximum(d, 1.0)
  h = jnp.dot(mean, wn0t[...], **_DOT) + s0[...]
  h0_out[...] = jnp.maximum(h, 0.0)


def _combine1_body(aggp, degp, s1, wn1t, clst, ones8, out):
  a = aggp[0] + aggp[1]
  d = degp[0, :, 0:1] + degp[1, :, 0:1]
  mean = a / jnp.maximum(d, 1.0)
  h = jnp.dot(mean, wn1t[...], **_DOT) + s1[...]
  q = jnp.dot(h, clst[...], **_DOT)
  n2 = jnp.dot(h * h, ones8[...],
               preferred_element_type=jnp.float32,
               precision=lax.Precision.HIGHEST)[:, 0:1]
  norm = jnp.sqrt(n2)
  out[...] = q / jnp.maximum(norm, 1e-12)


_agg_spec = pl.BlockSpec((2, _R, H), lambda i: (0, i, 0))
_deg_spec = pl.BlockSpec((2, _R, 16), lambda i: (0, i, 0))
_x_spec = pl.BlockSpec((_R, D), lambda i: (i, 0))
_w_spec = pl.BlockSpec((D, D), lambda i: (0, 0))
_b_spec = pl.BlockSpec((1, D), lambda i: (0, 0))


def _self_mm(y, wt, bb):
  return pl.pallas_call(
      _self_body,
      grid=(N // _R,),
      in_specs=[_x_spec, _w_spec, _b_spec],
      out_specs=_x_spec,
      out_shape=jax.ShapeDtypeStruct((N, D), jnp.float32),
  )(y, wt, bb)


def _combine0(aggp, degp, s0, wn0t):
  return pl.pallas_call(
      _combine0_body,
      grid=(N // _R,),
      in_specs=[_agg_spec, _deg_spec, _x_spec, _w_spec],
      out_specs=_x_spec,
      out_shape=jax.ShapeDtypeStruct((N, D), jnp.float32),
  )(aggp, degp, s0, wn0t)


def _combine1(aggp, degp, s1, wn1t, clst):
  aggf_spec = pl.BlockSpec((2, _R, D), lambda i: (0, i, 0))
  cls_spec = pl.BlockSpec((D, C), lambda i: (0, 0))
  ones_spec = pl.BlockSpec((D, 8), lambda i: (0, 0))
  out_spec = pl.BlockSpec((_R, C), lambda i: (i, 0))
  ones8 = jnp.ones((D, 8), jnp.float32)
  return pl.pallas_call(
      _combine1_body,
      grid=(N // _R,),
      in_specs=[aggf_spec, _deg_spec, _x_spec, _w_spec, cls_spec, ones_spec],
      out_specs=out_spec,
      out_shape=jax.ShapeDtypeStruct((N, C), jnp.float32),
  )(aggp, degp, s1, wn1t, clst, ones8)


def kernel(x, edge_index, W_neigh0, W_self0, b0, W_neigh1, W_self1, b1,
           cls_weight):
  p = EPAD - E
  pad_src = (jnp.arange(p, dtype=jnp.int32) * 97) % N
  pad_dst = N + (jnp.arange(p, dtype=jnp.int32) % (NPAD - N))
  src1 = jnp.concatenate([edge_index[0], pad_src])
  src2 = src1 * 2
  src = jnp.stack([src2, src2 + 1]).reshape(2, 16, CH, B)
  dst = jnp.concatenate([edge_index[1], pad_dst]).reshape(16, CH, B)

  wn0t = W_neigh0.T
  ws0t = W_self0.T
  wn1t = W_neigh1.T
  ws1t = W_self1.T
  clst = cls_weight.T
  b0r = b0.reshape(1, D)
  b1r = b1.reshape(1, D)

  srcE = edge_index[0].reshape(2, 16, CH1, B1)
  dstE = edge_index[1].reshape(2, 16, CH1, B1)

  s0 = _self_mm(x, ws0t, b0r)
  aggp0, degp = _agg_with_deg(x.reshape(2 * N, H), src, dst)
  h0 = _combine0(aggp0, degp, s0, wn0t)
  s1 = _self_mm(h0, ws1t, b1r)
  (aggp1,) = _agg_edge(h0, srcE, dstE)
  return _combine1(aggp1, degp, s1, wn1t, clst)

# --- scband reference (transcript-rebuilt; emitter-appended) ---
"""Pipeline reference for scband-graph-sageclassifier-31310311588038 (READ-ONLY COPY).

The authoritative reference and input builder live on the scoring server;
editing this copy changes nothing except your own understanding.
"""

import jax, jax.numpy as jnp
import numpy as np

N = 10000
E = 320000
D = 128
HID = 128
EMB = 128
C = 64


def _sage_conv(x, edge_index, W_neigh, W_self, b):
    # PyG-style SAGEConv with mean aggregation:
    #   out = lin_l(mean_{j in N(i)} x_j) + lin_r(x_i)
    src = edge_index[0]
    dst = edge_index[1]
    msgs = jnp.take(x, src, axis=0)                       # gather  [E, d]
    agg = jax.ops.segment_sum(msgs, dst, num_segments=N)  # scatter-add [N, d]
    deg = jax.ops.segment_sum(jnp.ones((E,), dtype=x.dtype), dst, num_segments=N)
    mean = agg / jnp.clip(deg, 1.0, None)[:, None]
    return mean @ W_neigh.T + x @ W_self.T + b


def setup_inputs(seed: int = 0) -> dict:
    key = jax.random.key(seed)
    ks = jax.random.split(key, 10)
    x = jax.random.normal(ks[0], (N, D), dtype=jnp.float32)
    edge_index = jax.random.randint(ks[1], (2, E), 0, N, dtype=jnp.int32)
    s0 = 1.0 / np.sqrt(D)
    s1 = 1.0 / np.sqrt(HID)
    W_neigh0 = jax.random.normal(ks[2], (HID, D), dtype=jnp.float32) * s0
    W_self0 = jax.random.normal(ks[3], (HID, D), dtype=jnp.float32) * s0
    b0 = jnp.zeros((HID,), dtype=jnp.float32)
    W_neigh1 = jax.random.normal(ks[4], (EMB, HID), dtype=jnp.float32) * s1
    W_self1 = jax.random.normal(ks[5], (EMB, HID), dtype=jnp.float32) * s1
    b1 = jnp.zeros((EMB,), dtype=jnp.float32)
    cls_weight = jax.random.normal(ks[6], (C, EMB), dtype=jnp.float32) * (1.0 / np.sqrt(EMB))
    return {"x": x, "edge_index": edge_index,
            "W_neigh0": W_neigh0, "W_self0": W_self0, "b0": b0,
            "W_neigh1": W_neigh1, "W_self1": W_self1, "b1": b1,
            "cls_weight": cls_weight}


def reference(x, edge_index, W_neigh0, W_self0, b0, W_neigh1, W_self1, b1, cls_weight):
    # layer 0 (not last conv): relu; dropout is identity in eval mode
    h = _sage_conv(x, edge_index, W_neigh0, W_self0, b0)
    h = jax.nn.relu(h)
    # layer 1 (last conv): no activation
    h = _sage_conv(h, edge_index, W_neigh1, W_self1, b1)
    # F.normalize(p=2, dim=-1)
    norm = jnp.sqrt(jnp.sum(h * h, axis=-1, keepdims=True))
    h = h / jnp.clip(norm, 1e-12, None)
    logits = h @ cls_weight.T
    return logits

if __name__ == "__main__":
    import jax
    _d = setup_inputs()
    print(jax.jit(kernel)(*tuple(_d.values())))

</pallas_src>

<mosaic_0001>
#map = affine_map<(d0, d1) -> (0, 0)>
#map1 = affine_map<(d0, d1) -> (0, 0, 0, 0)>
#map2 = affine_map<(d0, d1) -> (0, 0, 0)>
module attributes {stable_mosaic.version = 14 : i64} {
  func.func @body(%arg0: i32, %arg1: i32, %arg2: memref<20000x64xf32, #tpu.memory_space<hbm>>, %arg3: memref<2x16x160x128xi32, #tpu.memory_space<hbm>>, %arg4: memref<16x160x128xi32, #tpu.memory_space<hbm>>, %arg5: memref<2x10000x64xf32, #tpu.memory_space<hbm>>, %arg6: memref<2x10000x16xf32, #tpu.memory_space<hbm>>, %arg7: memref<160x128xi32, #tpu.memory_space<vmem>>, %arg8: memref<160x128xi32, #tpu.memory_space<vmem>>, %arg9: memref<4x128x64xf32, #tpu.memory_space<vmem>>, %arg10: memref<128x16xf32, #tpu.memory_space<vmem>>, %arg11: memref<10240x64xf32, #tpu.memory_space<vmem_shared>>, %arg12: memref<10240x16xf32, #tpu.memory_space<vmem_shared>>, %arg13: memref<!tpu.dma_semaphore, #tpu.memory_space<semaphore_mem>>, %arg14: memref<!tpu.dma_semaphore, #tpu.memory_space<semaphore_mem>>, %arg15: memref<!tpu.dma_semaphore, #tpu.memory_space<semaphore_mem>>, %arg16: memref<!tpu.dma_semaphore, #tpu.memory_space<semaphore_mem>>) attributes {dimension_semantics = [#tpu.dimension_semantics<core_parallel>, #tpu.dimension_semantics<subcore_parallel>], iteration_bounds = array<i64: 2, 16>, scalar_prefetch = 0 : i64, scratch_operands = 10 : i64, tpu.core_type = #tpu.core_type<sc_vector_subcore>, window_params = [{transform_indices = #map}, {transform_indices = #map1}, {transform_indices = #map2}, {transform_indices = #map2}, {transform_indices = #map2}]} {
    %mul3A = arith.constant 640 : i32
    %mul3A_0 = arith.muli %arg1, %mul3A : i32
    %scan3A = arith.constant 0 : i32
    %scan3A_1 = arith.constant 0 : i32
    %scan3A_2 = arith.constant 128 : i32
    %scan3A_3 = arith.addi %scan3A_1, %scan3A_2 : i32
    %scan3A_4 = arith.constant 1 : i32
    scf.for %scan3A_98 = %scan3A_1 to %scan3A_3 step %scan3A_4  : i32 {
      %mul3A_99 = arith.constant 1 : i32
      %mul3A_100 = arith.muli %scan3A_98, %mul3A_99 : i32
      %add3A_101 = arith.constant 0 : i32
      %add3A_102 = arith.addi %add3A_101, %mul3A_100 : i32
      %scan3A_103 = arith.constant 0 : i32
      %scan3A_104 = arith.constant 4 : i32
      %scan3A_105 = arith.addi %scan3A_103, %scan3A_104 : i32
      %scan3A_106 = arith.constant 1 : i32
      scf.for %scan3A_108 = %scan3A_103 to %scan3A_105 step %scan3A_106  : i32 {
        %mul3A_109 = arith.constant 16 : i32
        %mul3A_110 = arith.muli %scan3A_108, %mul3A_109 : i32
        %add3A_111 = arith.constant 0 : i32
        %add3A_112 = arith.addi %add3A_111, %mul3A_110 : i32
        %broadcast_in_dim3A = arith.constant 0.000000e+00 : f32
        %broadcast_in_dim3A_113 = vector.broadcast %broadcast_in_dim3A : f32 to vector<16xf32>
        %swap3A = arith.constant 0 : i32
        %swap3A_114 = arith.constant 0 : i32
        %swap3A_115 = tpu.memref_slice %arg9[%scan3A, %swap3A, %swap3A_114] : memref<4x128x64xf32, #tpu.memory_space<vmem>> -> memref<1x128x64xf32, #tpu.memory_space<vmem>>
        %swap3A_116 = tpu.memref_squeeze %swap3A_115 : memref<1x128x64xf32, #tpu.memory_space<vmem>> -> memref<128x64xf32, #tpu.memory_space<vmem>>
        %swap3A_117 = arith.index_cast %add3A_102 : i32 to index
        %swap3A_118 = arith.index_cast %add3A_112 : i32 to index
        %swap3A_119 = tpu.vector_load %swap3A_116[%swap3A_117, %swap3A_118] {strides = array<i32>} : memref<128x64xf32, #tpu.memory_space<vmem>>, vector<1x16xf32>,
        %swap3A_120 = vector.shape_cast %swap3A_119 : vector<1x16xf32> to vector<16xf32>
        %swap3A_121 = vector.shape_cast %broadcast_in_dim3A_113 : vector<16xf32> to vector<1x16xf32>
        tpu.vector_store %swap3A_116[%swap3A_117, %swap3A_118], %swap3A_121 {strides = array<i32>} : memref<128x64xf32, #tpu.memory_space<vmem>>, vector<1x16xf32>,
      }
      %scan3A_107 = arith.constant 4 : i32
    }
    %scan3A_5 = arith.constant 128 : i32
    %add3A = arith.constant 0 : i32
    %add3A_6 = arith.addi %mul3A_0, %add3A : i32
    %run_scoped3A = arith.constant 0 : i32
    "tpu.region"() ({
      %run_scoped3A_98 = tpu.sem_alloc : memref<!tpu.dma_semaphore, #tpu.memory_space<semaphore_mem>>
      %dma_start3A_99 = arith.constant 0 : i32
      %dma_start3A_100 = arith.constant 0 : i32
      %dma_start3A_101 = tpu.memref_slice %arg9[%run_scoped3A, %dma_start3A_99, %dma_start3A_100] : memref<4x128x64xf32, #tpu.memory_space<vmem>> -> memref<1x128x64xf32, #tpu.memory_space<vmem>>
      %dma_start3A_102 = tpu.memref_squeeze %dma_start3A_101 : memref<1x128x64xf32, #tpu.memory_space<vmem>> -> memref<128x64xf32, #tpu.memory_space<vmem>>
      %dma_start3A_103 = arith.constant 0 : i32
      %dma_start3A_104 = tpu.memref_slice %arg11[%add3A_6, %dma_start3A_103] : memref<10240x64xf32, #tpu.memory_space<vmem_shared>> -> memref<128x64xf32, #tpu.memory_space<vmem_shared>>
      %dma_start3A_105 = arith.constant 0 : i32
      %dma_start3A_106 = tpu.memref_slice %arg11[%add3A_6, %dma_start3A_105] : memref<10240x64xf32, #tpu.memory_space<vmem_shared>> -> memref<128x64xf32, #tpu.memory_space<vmem_shared>>
      %dma_start3A_107 = arith.constant 0 : i32
      %dma_start3A_108 = arith.constant 0 : i32
      %dma_start3A_109 = tpu.memref_slice %arg9[%run_scoped3A, %dma_start3A_107, %dma_start3A_108] : memref<4x128x64xf32, #tpu.memory_space<vmem>> -> memref<1x128x64xf32, #tpu.memory_space<vmem>>
      %dma_start3A_110 = tpu.memref_squeeze %dma_start3A_109 : memref<1x128x64xf32, #tpu.memory_space<vmem>> -> memref<128x64xf32, #tpu.memory_space<vmem>>
      tpu.enqueue_dma source(%dma_start3A_110 : memref<128x64xf32, #tpu.memory_space<vmem>>) target(%dma_start3A_106 : memref<128x64xf32, #tpu.memory_space<vmem_shared>>) target_semaphore(%run_scoped3A_98 : memref<!tpu.dma_semaphore, #tpu.memory_space<semaphore_mem>>)
      %dma_wait3A = arith.constant 0 : i32
      %dma_wait3A_111 = arith.constant 0 : i32
      %dma_wait3A_112 = tpu.memref_slice %arg9[%run_scoped3A, %dma_wait3A, %dma_wait3A_111] : memref<4x128x64xf32, #tpu.memory_space<vmem>> -> memref<1x128x64xf32, #tpu.memory_space<vmem>>
      %dma_wait3A_113 = tpu.memref_squeeze %dma_wait3A_112 : memref<1x128x64xf32, #tpu.memory_space<vmem>> -> memref<128x64xf32, #tpu.memory_space<vmem>>
      %dma_wait3A_114 = arith.constant 0 : i32
      %dma_wait3A_115 = tpu.memref_slice %arg11[%add3A_6, %dma_wait3A_114] : memref<10240x64xf32, #tpu.memory_space<vmem_shared>> -> memref<128x64xf32, #tpu.memory_space<vmem_shared>>
      %dma_wait3A_116 = arith.constant 0 : i32
      %dma_wait3A_117 = tpu.memref_slice %arg11[%add3A_6, %dma_wait3A_116] : memref<10240x64xf32, #tpu.memory_space<vmem_shared>> -> memref<128x64xf32, #tpu.memory_space<vmem_shared>>
      %dma_wait3A_118 = arith.constant 0 : i32
      %dma_wait3A_119 = arith.constant 0 : i32
      %dma_wait3A_120 = tpu.memref_slice %arg9[%run_scoped3A, %dma_wait3A_118, %dma_wait3A_119] : memref<4x128x64xf32, #tpu.memory_space<vmem>> -> memref<1x128x64xf32, #tpu.memory_space<vmem>>
      %dma_wait3A_121 = tpu.memref_squeeze %dma_wait3A_120 : memref<1x128x64xf32, #tpu.memory_space<vmem>> -> memref<128x64xf32, #tpu.memory_space<vmem>>
      tpu.wait_dma2 semaphore(%run_scoped3A_98 : memref<!tpu.dma_semaphore, #tpu.memory_space<semaphore_mem>>) src(%dma_wait3A_121 : memref<128x64xf32, #tpu.memory_space<vmem>>) dst(%dma_wait3A_117 : memref<128x64xf32, #tpu.memory_space<vmem_shared>>)
      tpu.yield
    }) : () -> ()
    %add3A_7 = arith.constant 128 : i32
    %add3A_8 = arith.addi %mul3A_0, %add3A_7 : i32
    %run_scoped3A_9 = arith.constant 0 : i32
    "tpu.region"() ({
      %run_scoped3A_98 = tpu.sem_alloc : memref<!tpu.dma_semaphore, #tpu.memory_space<semaphore_mem>>
      %dma_start3A_99 = arith.constant 0 : i32
      %dma_start3A_100 = arith.constant 0 : i32
      %dma_start3A_101 = tpu.memref_slice %arg9[%run_scoped3A_9, %dma_start3A_99, %dma_start3A_100] : memref<4x128x64xf32, #tpu.memory_space<vmem>> -> memref<1x128x64xf32, #tpu.memory_space<vmem>>
      %dma_start3A_102 = tpu.memref_squeeze %dma_start3A_101 : memref<1x128x64xf32, #tpu.memory_space<vmem>> -> memref<128x64xf32, #tpu.memory_space<vmem>>
      %dma_start3A_103 = arith.constant 0 : i32
      %dma_start3A_104 = tpu.memref_slice %arg11[%add3A_8, %dma_start3A_103] : memref<10240x64xf32, #tpu.memory_space<vmem_shared>> -> memref<128x64xf32, #tpu.memory_space<vmem_shared>>
      %dma_start3A_105 = arith.constant 0 : i32
      %dma_start3A_106 = tpu.memref_slice %arg11[%add3A_8, %dma_start3A_105] : memref<10240x64xf32, #tpu.memory_space<vmem_shared>> -> memref<128x64xf32, #tpu.memory_space<vmem_shared>>
      %dma_start3A_107 = arith.constant 0 : i32
      %dma_start3A_108 = arith.constant 0 : i32
      %dma_start3A_109 = tpu.memref_slice %arg9[%run_scoped3A_9, %dma_start3A_107, %dma_start3A_108] : memref<4x128x64xf32, #tpu.memory_space<vmem>> -> memref<1x128x64xf32, #tpu.memory_space<vmem>>
      %dma_start3A_110 = tpu.memref_squeeze %dma_start3A_109 : memref<1x128x64xf32, #tpu.memory_space<vmem>> -> memref<128x64xf32, #tpu.memory_space<vmem>>
      tpu.enqueue_dma source(%dma_start3A_110 : memref<128x64xf32, #tpu.memory_space<vmem>>) target(%dma_start3A_106 : memref<128x64xf32, #tpu.memory_space<vmem_shared>>) target_semaphore(%run_scoped3A_98 : memref<!tpu.dma_semaphore, #tpu.memory_space<semaphore_mem>>)
      %dma_wait3A = arith.constant 0 : i32
      %dma_wait3A_111 = arith.constant 0 : i32
      %dma_wait3A_112 = tpu.memref_slice %arg9[%run_scoped3A_9, %dma_wait3A, %dma_wait3A_111] : memref<4x128x64xf32, #tpu.memory_space<vmem>> -> memref<1x128x64xf32, #tpu.memory_space<vmem>>
      %dma_wait3A_113 = tpu.memref_squeeze %dma_wait3A_112 : memref<1x128x64xf32, #tpu.memory_space<vmem>> -> memref<128x64xf32, #tpu.memory_space<vmem>>
      %dma_wait3A_114 = arith.constant 0 : i32
      %dma_wait3A_115 = tpu.memref_slice %arg11[%add3A_8, %dma_wait3A_114] : memref<10240x64xf32, #tpu.memory_space<vmem_shared>> -> memref<128x64xf32, #tpu.memory_space<vmem_shared>>
      %dma_wait3A_116 = arith.constant 0 : i32
      %dma_wait3A_117 = tpu.memref_slice %arg11[%add3A_8, %dma_wait3A_116] : memref<10240x64xf32, #tpu.memory_space<vmem_shared>> -> memref<128x64xf32, #tpu.memory_space<vmem_shared>>
      %dma_wait3A_118 = arith.constant 0 : i32
      %dma_wait3A_119 = arith.constant 0 : i32
      %dma_wait3A_120 = tpu.memref_slice %arg9[%run_scoped3A_9, %dma_wait3A_118, %dma_wait3A_119] : memref<4x128x64xf32, #tpu.memory_space<vmem>> -> memref<1x128x64xf32, #tpu.memory_space<vmem>>
      %dma_wait3A_121 = tpu.memref_squeeze %dma_wait3A_120 : memref<1x128x64xf32, #tpu.memory_space<vmem>> -> memref<128x64xf32, #tpu.memory_space<vmem>>
      tpu.wait_dma2 semaphore(%run_scoped3A_98 : memref<!tpu.dma_semaphore, #tpu.memory_space<semaphore_mem>>) src(%dma_wait3A_121 : memref<128x64xf32, #tpu.memory_space<vmem>>) dst(%dma_wait3A_117 : memref<128x64xf32, #tpu.memory_space<vmem_shared>>)
      tpu.yield
    }) : () -> ()
    %add3A_10 = arith.constant 256 : i32
    %add3A_11 = arith.addi %mul3A_0, %add3A_10 : i32
    %run_scoped3A_12 = arith.constant 0 : i32
    "tpu.region"() ({
      %run_scoped3A_98 = tpu.sem_alloc : memref<!tpu.dma_semaphore, #tpu.memory_space<semaphore_mem>>
      %dma_start3A_99 = arith.constant 0 : i32
      %dma_start3A_100 = arith.constant 0 : i32
      %dma_start3A_101 = tpu.memref_slice %arg9[%run_scoped3A_12, %dma_start3A_99, %dma_start3A_100] : memref<4x128x64xf32, #tpu.memory_space<vmem>> -> memref<1x128x64xf32, #tpu.memory_space<vmem>>
      %dma_start3A_102 = tpu.memref_squeeze %dma_start3A_101 : memref<1x128x64xf32, #tpu.memory_space<vmem>> -> memref<128x64xf32, #tpu.memory_space<vmem>>
      %dma_start3A_103 = arith.constant 0 : i32
      %dma_start3A_104 = tpu.memref_slice %arg11[%add3A_11, %dma_start3A_103] : memref<10240x64xf32, #tpu.memory_space<vmem_shared>> -> memref<128x64xf32, #tpu.memory_space<vmem_shared>>
      %dma_start3A_105 = arith.constant 0 : i32
      %dma_start3A_106 = tpu.memref_slice %arg11[%add3A_11, %dma_start3A_105] : memref<10240x64xf32, #tpu.memory_space<vmem_shared>> -> memref<128x64xf32, #tpu.memory_space<vmem_shared>>
      %dma_start3A_107 = arith.constant 0 : i32
      %dma_start3A_108 = arith.constant 0 : i32
      %dma_start3A_109 = tpu.memref_slice %arg9[%run_scoped3A_12, %dma_start3A_107, %dma_start3A_108] : memref<4x128x64xf32, #tpu.memory_space<vmem>> -> memref<1x128x64xf32, #tpu.memory_space<vmem>>
      %dma_start3A_110 = tpu.memref_squeeze %dma_start3A_109 : memref<1x128x64xf32, #tpu.memory_space<vmem>> -> memref<128x64xf32, #tpu.memory_space<vmem>>
      tpu.enqueue_dma source(%dma_start3A_110 : memref<128x64xf32, #tpu.memory_space<vmem>>) target(%dma_start3A_106 : memref<128x64xf32, #tpu.memory_space<vmem_shared>>) target_semaphore(%run_scoped3A_98 : memref<!tpu.dma_semaphore, #tpu.memory_space<semaphore_mem>>)
      %dma_wait3A = arith.constant 0 : i32
      %dma_wait3A_111 = arith.constant 0 : i32
      %dma_wait3A_112 = tpu.memref_slice %arg9[%run_scoped3A_12, %dma_wait3A, %dma_wait3A_111] : memref<4x128x64xf32, #tpu.memory_space<vmem>> -> memref<1x128x64xf32, #tpu.memory_space<vmem>>
      %dma_wait3A_113 = tpu.memref_squeeze %dma_wait3A_112 : memref<1x128x64xf32, #tpu.memory_space<vmem>> -> memref<128x64xf32, #tpu.memory_space<vmem>>
      %dma_wait3A_114 = arith.constant 0 : i32
      %dma_wait3A_115 = tpu.memref_slice %arg11[%add3A_11, %dma_wait3A_114] : memref<10240x64xf32, #tpu.memory_space<vmem_shared>> -> memref<128x64xf32, #tpu.memory_space<vmem_shared>>
      %dma_wait3A_116 = arith.constant 0 : i32
      %dma_wait3A_117 = tpu.memref_slice %arg11[%add3A_11, %dma_wait3A_116] : memref<10240x64xf32, #tpu.memory_space<vmem_shared>> -> memref<128x64xf32, #tpu.memory_space<vmem_shared>>
      %dma_wait3A_118 = arith.constant 0 : i32
      %dma_wait3A_119 = arith.constant 0 : i32
      %dma_wait3A_120 = tpu.memref_slice %arg9[%run_scoped3A_12, %dma_wait3A_118, %dma_wait3A_119] : memref<4x128x64xf32, #tpu.memory_space<vmem>> -> memref<1x128x64xf32, #tpu.memory_space<vmem>>
      %dma_wait3A_121 = tpu.memref_squeeze %dma_wait3A_120 : memref<1x128x64xf32, #tpu.memory_space<vmem>> -> memref<128x64xf32, #tpu.memory_space<vmem>>
      tpu.wait_dma2 semaphore(%run_scoped3A_98 : memref<!tpu.dma_semaphore, #tpu.memory_space<semaphore_mem>>) src(%dma_wait3A_121 : memref<128x64xf32, #tpu.memory_space<vmem>>) dst(%dma_wait3A_117 : memref<128x64xf32, #tpu.memory_space<vmem_shared>>)
      tpu.yield
    }) : () -> ()
    %add3A_13 = arith.constant 384 : i32
    %add3A_14 = arith.addi %mul3A_0, %add3A_13 : i32
    %run_scoped3A_15 = arith.constant 0 : i32
    "tpu.region"() ({
      %run_scoped3A_98 = tpu.sem_alloc : memref<!tpu.dma_semaphore, #tpu.memory_space<semaphore_mem>>
      %dma_start3A_99 = arith.constant 0 : i32
      %dma_start3A_100 = arith.constant 0 : i32
      %dma_start3A_101 = tpu.memref_slice %arg9[%run_scoped3A_15, %dma_start3A_99, %dma_start3A_100] : memref<4x128x64xf32, #tpu.memory_space<vmem>> -> memref<1x128x64xf32, #tpu.memory_space<vmem>>
      %dma_start3A_102 = tpu.memref_squeeze %dma_start3A_101 : memref<1x128x64xf32, #tpu.memory_space<vmem>> -> memref<128x64xf32, #tpu.memory_space<vmem>>
      %dma_start3A_103 = arith.constant 0 : i32
      %dma_start3A_104 = tpu.memref_slice %arg11[%add3A_14, %dma_start3A_103] : memref<10240x64xf32, #tpu.memory_space<vmem_shared>> -> memref<128x64xf32, #tpu.memory_space<vmem_shared>>
      %dma_start3A_105 = arith.constant 0 : i32
      %dma_start3A_106 = tpu.memref_slice %arg11[%add3A_14, %dma_start3A_105] : memref<10240x64xf32, #tpu.memory_space<vmem_shared>> -> memref<128x64xf32, #tpu.memory_space<vmem_shared>>
      %dma_start3A_107 = arith.constant 0 : i32
      %dma_start3A_108 = arith.constant 0 : i32
      %dma_start3A_109 = tpu.memref_slice %arg9[%run_scoped3A_15, %dma_start3A_107, %dma_start3A_108] : memref<4x128x64xf32, #tpu.memory_space<vmem>> -> memref<1x128x64xf32, #tpu.memory_space<vmem>>
      %dma_start3A_110 = tpu.memref_squeeze %dma_start3A_109 : memref<1x128x64xf32, #tpu.memory_space<vmem>> -> memref<128x64xf32, #tpu.memory_space<vmem>>
      tpu.enqueue_dma source(%dma_start3A_110 : memref<128x64xf32, #tpu.memory_space<vmem>>) target(%dma_start3A_106 : memref<128x64xf32, #tpu.memory_space<vmem_shared>>) target_semaphore(%run_scoped3A_98 : memref<!tpu.dma_semaphore, #tpu.memory_space<semaphore_mem>>)
      %dma_wait3A = arith.constant 0 : i32
      %dma_wait3A_111 = arith.constant 0 : i32
      %dma_wait3A_112 = tpu.memref_slice %arg9[%run_scoped3A_15, %dma_wait3A, %dma_wait3A_111] : memref<4x128x64xf32, #tpu.memory_space<vmem>> -> memref<1x128x64xf32, #tpu.memory_space<vmem>>
      %dma_wait3A_113 = tpu.memref_squeeze %dma_wait3A_112 : memref<1x128x64xf32, #tpu.memory_space<vmem>> -> memref<128x64xf32, #tpu.memory_space<vmem>>
      %dma_wait3A_114 = arith.constant 0 : i32
      %dma_wait3A_115 = tpu.memref_slice %arg11[%add3A_14, %dma_wait3A_114] : memref<10240x64xf32, #tpu.memory_space<vmem_shared>> -> memref<128x64xf32, #tpu.memory_space<vmem_shared>>
      %dma_wait3A_116 = arith.constant 0 : i32
      %dma_wait3A_117 = tpu.memref_slice %arg11[%add3A_14, %dma_wait3A_116] : memref<10240x64xf32, #tpu.memory_space<vmem_shared>> -> memref<128x64xf32, #tpu.memory_space<vmem_shared>>
      %dma_wait3A_118 = arith.constant 0 : i32
      %dma_wait3A_119 = arith.constant 0 : i32
      %dma_wait3A_120 = tpu.memref_slice %arg9[%run_scoped3A_15, %dma_wait3A_118, %dma_wait3A_119] : memref<4x128x64xf32, #tpu.memory_space<vmem>> -> memref<1x128x64xf32, #tpu.memory_space<vmem>>
      %dma_wait3A_121 = tpu.memref_squeeze %dma_wait3A_120 : memref<1x128x64xf32, #tpu.memory_space<vmem>> -> memref<128x64xf32, #tpu.memory_space<vmem>>
      tpu.wait_dma2 semaphore(%run_scoped3A_98 : memref<!tpu.dma_semaphore, #tpu.memory_space<semaphore_mem>>) src(%dma_wait3A_121 : memref<128x64xf32, #tpu.memory_space<vmem>>) dst(%dma_wait3A_117 : memref<128x64xf32, #tpu.memory_space<vmem_shared>>)
      tpu.yield
    }) : () -> ()
    %add3A_16 = arith.constant 512 : i32
    %add3A_17 = arith.addi %mul3A_0, %add3A_16 : i32
    %run_scoped3A_18 = arith.constant 0 : i32
    "tpu.region"() ({
      %run_scoped3A_98 = tpu.sem_alloc : memref<!tpu.dma_semaphore, #tpu.memory_space<semaphore_mem>>
      %dma_start3A_99 = arith.constant 0 : i32
      %dma_start3A_100 = arith.constant 0 : i32
      %dma_start3A_101 = tpu.memref_slice %arg9[%run_scoped3A_18, %dma_start3A_99, %dma_start3A_100] : memref<4x128x64xf32, #tpu.memory_space<vmem>> -> memref<1x128x64xf32, #tpu.memory_space<vmem>>
      %dma_start3A_102 = tpu.memref_squeeze %dma_start3A_101 : memref<1x128x64xf32, #tpu.memory_space<vmem>> -> memref<128x64xf32, #tpu.memory_space<vmem>>
      %dma_start3A_103 = arith.constant 0 : i32
      %dma_start3A_104 = tpu.memref_slice %arg11[%add3A_17, %dma_start3A_103] : memref<10240x64xf32, #tpu.memory_space<vmem_shared>> -> memref<128x64xf32, #tpu.memory_space<vmem_shared>>
      %dma_start3A_105 = arith.constant 0 : i32
      %dma_start3A_106 = tpu.memref_slice %arg11[%add3A_17, %dma_start3A_105] : memref<10240x64xf32, #tpu.memory_space<vmem_shared>> -> memref<128x64xf32, #tpu.memory_space<vmem_shared>>
      %dma_start3A_107 = arith.constant 0 : i32
      %dma_start3A_108 = arith.constant 0 : i32
      %dma_start3A_109 = tpu.memref_slice %arg9[%run_scoped3A_18, %dma_start3A_107, %dma_start3A_108] : memref<4x128x64xf32, #tpu.memory_space<vmem>> -> memref<1x128x64xf32, #tpu.memory_space<vmem>>
      %dma_start3A_110 = tpu.memref_squeeze %dma_start3A_109 : memref<1x128x64xf32, #tpu.memory_space<vmem>> -> memref<128x64xf32, #tpu.memory_space<vmem>>
      tpu.enqueue_dma source(%dma_start3A_110 : memref<128x64xf32, #tpu.memory_space<vmem>>) target(%dma_start3A_106 : memref<128x64xf32, #tpu.memory_space<vmem_shared>>) target_semaphore(%run_scoped3A_98 : memref<!tpu.dma_semaphore, #tpu.memory_space<semaphore_mem>>)
      %dma_wait3A = arith.constant 0 : i32
      %dma_wait3A_111 = arith.constant 0 : i32
      %dma_wait3A_112 = tpu.memref_slice %arg9[%run_scoped3A_18, %dma_wait3A, %dma_wait3A_111] : memref<4x128x64xf32, #tpu.memory_space<vmem>> -> memref<1x128x64xf32, #tpu.memory_space<vmem>>
      %dma_wait3A_113 = tpu.memref_squeeze %dma_wait3A_112 : memref<1x128x64xf32, #tpu.memory_space<vmem>> -> memref<128x64xf32, #tpu.memory_space<vmem>>
      %dma_wait3A_114 = arith.constant 0 : i32
      %dma_wait3A_115 = tpu.memref_slice %arg11[%add3A_17, %dma_wait3A_114] : memref<10240x64xf32, #tpu.memory_space<vmem_shared>> -> memref<128x64xf32, #tpu.memory_space<vmem_shared>>
      %dma_wait3A_116 = arith.constant 0 : i32
      %dma_wait3A_117 = tpu.memref_slice %arg11[%add3A_17, %dma_wait3A_116] : memref<10240x64xf32, #tpu.memory_space<vmem_shared>> -> memref<128x64xf32, #tpu.memory_space<vmem_shared>>
      %dma_wait3A_118 = arith.constant 0 : i32
      %dma_wait3A_119 = arith.constant 0 : i32
      %dma_wait3A_120 = tpu.memref_slice %arg9[%run_scoped3A_18, %dma_wait3A_118, %dma_wait3A_119] : memref<4x128x64xf32, #tpu.memory_space<vmem>> -> memref<1x128x64xf32, #tpu.memory_space<vmem>>
      %dma_wait3A_121 = tpu.memref_squeeze %dma_wait3A_120 : memref<1x128x64xf32, #tpu.memory_space<vmem>> -> memref<128x64xf32, #tpu.memory_space<vmem>>
      tpu.wait_dma2 semaphore(%run_scoped3A_98 : memref<!tpu.dma_semaphore, #tpu.memory_space<semaphore_mem>>) src(%dma_wait3A_121 : memref<128x64xf32, #tpu.memory_space<vmem>>) dst(%dma_wait3A_117 : memref<128x64xf32, #tpu.memory_space<vmem_shared>>)
      tpu.yield
    }) : () -> ()
    %scan3A_19 = arith.constant 0 : i32
    %scan3A_20 = arith.constant 128 : i32
    %scan3A_21 = arith.addi %scan3A_19, %scan3A_20 : i32
    %scan3A_22 = arith.constant 1 : i32
    scf.for %scan3A_98 = %scan3A_19 to %scan3A_21 step %scan3A_22  : i32 {
      %mul3A_99 = arith.constant 1 : i32
      %mul3A_100 = arith.muli %scan3A_98, %mul3A_99 : i32
      %add3A_101 = arith.constant 0 : i32
      %add3A_102 = arith.addi %add3A_101, %mul3A_100 : i32
      %broadcast_in_dim3A = arith.constant 0.000000e+00 : f32
      %broadcast_in_dim3A_103 = vector.broadcast %broadcast_in_dim3A : f32 to vector<16xf32>
      %swap3A = arith.index_cast %add3A_102 : i32 to index
      %swap3A_104 = arith.constant 0 : index
      %swap3A_105 = tpu.vector_load %arg10[%swap3A, %swap3A_104] {strides = array<i32>} : memref<128x16xf32, #tpu.memory_space<vmem>>, vector<1x16xf32>,
      %swap3A_106 = vector.shape_cast %swap3A_105 : vector<1x16xf32> to vector<16xf32>
      %swap3A_107 = vector.shape_cast %broadcast_in_dim3A_103 : vector<16xf32> to vector<1x16xf32>
      tpu.vector_store %arg10[%swap3A, %swap3A_104], %swap3A_107 {strides = array<i32>} : memref<128x16xf32, #tpu.memory_space<vmem>>, vector<1x16xf32>,
    }
    %scan3A_23 = arith.constant 128 : i32
    %add3A_24 = arith.constant 0 : i32
    %add3A_25 = arith.addi %mul3A_0, %add3A_24 : i32
    "tpu.region"() ({
      %run_scoped3A_98 = tpu.sem_alloc : memref<!tpu.dma_semaphore, #tpu.memory_space<semaphore_mem>>
      %dma_start3A_99 = arith.constant 0 : i32
      %dma_start3A_100 = tpu.memref_slice %arg12[%add3A_25, %dma_start3A_99] : memref<10240x16xf32, #tpu.memory_space<vmem_shared>> -> memref<128x16xf32, #tpu.memory_space<vmem_shared>>
      %dma_start3A_101 = arith.constant 0 : i32
      %dma_start3A_102 = tpu.memref_slice %arg12[%add3A_25, %dma_start3A_101] : memref<10240x16xf32, #tpu.memory_space<vmem_shared>> -> memref<128x16xf32, #tpu.memory_space<vmem_shared>>
      tpu.enqueue_dma source(%arg10 : memref<128x16xf32, #tpu.memory_space<vmem>>) target(%dma_start3A_102 : memref<128x16xf32, #tpu.memory_space<vmem_shared>>) target_semaphore(%run_scoped3A_98 : memref<!tpu.dma_semaphore, #tpu.memory_space<semaphore_mem>>)
      %dma_wait3A = arith.constant 0 : i32
      %dma_wait3A_103 = tpu.memref_slice %arg12[%add3A_25, %dma_wait3A] : memref<10240x16xf32, #tpu.memory_space<vmem_shared>> -> memref<128x16xf32, #tpu.memory_space<vmem_shared>>
      %dma_wait3A_104 = arith.constant 0 : i32
      %dma_wait3A_105 = tpu.memref_slice %arg12[%add3A_25, %dma_wait3A_104] : memref<10240x16xf32, #tpu.memory_space<vmem_shared>> -> memref<128x16xf32, #tpu.memory_space<vmem_shared>>
      tpu.wait_dma2 semaphore(%run_scoped3A_98 : memref<!tpu.dma_semaphore, #tpu.memory_space<semaphore_mem>>) src(%arg10 : memref<128x16xf32, #tpu.memory_space<vmem>>) dst(%dma_wait3A_105 : memref<128x16xf32, #tpu.memory_space<vmem_shared>>)
      tpu.yield
    }) : () -> ()
    %add3A_26 = arith.constant 128 : i32
    %add3A_27 = arith.addi %mul3A_0, %add3A_26 : i32
    "tpu.region"() ({
      %run_scoped3A_98 = tpu.sem_alloc : memref<!tpu.dma_semaphore, #tpu.memory_space<semaphore_mem>>
      %dma_start3A_99 = arith.constant 0 : i32
      %dma_start3A_100 = tpu.memref_slice %arg12[%add3A_27, %dma_start3A_99] : memref<10240x16xf32, #tpu.memory_space<vmem_shared>> -> memref<128x16xf32, #tpu.memory_space<vmem_shared>>
      %dma_start3A_101 = arith.constant 0 : i32
      %dma_start3A_102 = tpu.memref_slice %arg12[%add3A_27, %dma_start3A_101] : memref<10240x16xf32, #tpu.memory_space<vmem_shared>> -> memref<128x16xf32, #tpu.memory_space<vmem_shared>>
      tpu.enqueue_dma source(%arg10 : memref<128x16xf32, #tpu.memory_space<vmem>>) target(%dma_start3A_102 : memref<128x16xf32, #tpu.memory_space<vmem_shared>>) target_semaphore(%run_scoped3A_98 : memref<!tpu.dma_semaphore, #tpu.memory_space<semaphore_mem>>)
      %dma_wait3A = arith.constant 0 : i32
      %dma_wait3A_103 = tpu.memref_slice %arg12[%add3A_27, %dma_wait3A] : memref<10240x16xf32, #tpu.memory_space<vmem_shared>> -> memref<128x16xf32, #tpu.memory_space<vmem_shared>>
      %dma_wait3A_104 = arith.constant 0 : i32
      %dma_wait3A_105 = tpu.memref_slice %arg12[%add3A_27, %dma_wait3A_104] : memref<10240x16xf32, #tpu.memory_space<vmem_shared>> -> memref<128x16xf32, #tpu.memory_space<vmem_shared>>
      tpu.wait_dma2 semaphore(%run_scoped3A_98 : memref<!tpu.dma_semaphore, #tpu.memory_space<semaphore_mem>>) src(%arg10 : memref<128x16xf32, #tpu.memory_space<vmem>>) dst(%dma_wait3A_105 : memref<128x16xf32, #tpu.memory_space<vmem_shared>>)
      tpu.yield
    }) : () -> ()
    %add3A_28 = arith.constant 256 : i32
    %add3A_29 = arith.addi %mul3A_0, %add3A_28 : i32
    "tpu.region"() ({
      %run_scoped3A_98 = tpu.sem_alloc : memref<!tpu.dma_semaphore, #tpu.memory_space<semaphore_mem>>
      %dma_start3A_99 = arith.constant 0 : i32
      %dma_start3A_100 = tpu.memref_slice %arg12[%add3A_29, %dma_start3A_99] : memref<10240x16xf32, #tpu.memory_space<vmem_shared>> -> memref<128x16xf32, #tpu.memory_space<vmem_shared>>
      %dma_start3A_101 = arith.constant 0 : i32
      %dma_start3A_102 = tpu.memref_slice %arg12[%add3A_29, %dma_start3A_101] : memref<10240x16xf32, #tpu.memory_space<vmem_shared>> -> memref<128x16xf32, #tpu.memory_space<vmem_shared>>
      tpu.enqueue_dma source(%arg10 : memref<128x16xf32, #tpu.memory_space<vmem>>) target(%dma_start3A_102 : memref<128x16xf32, #tpu.memory_space<vmem_shared>>) target_semaphore(%run_scoped3A_98 : memref<!tpu.dma_semaphore, #tpu.memory_space<semaphore_mem>>)
      %dma_wait3A = arith.constant 0 : i32
      %dma_wait3A_103 = tpu.memref_slice %arg12[%add3A_29, %dma_wait3A] : memref<10240x16xf32, #tpu.memory_space<vmem_shared>> -> memref<128x16xf32, #tpu.memory_space<vmem_shared>>
      %dma_wait3A_104 = arith.constant 0 : i32
      %dma_wait3A_105 = tpu.memref_slice %arg12[%add3A_29, %dma_wait3A_104] : memref<10240x16xf32, #tpu.memory_space<vmem_shared>> -> memref<128x16xf32, #tpu.memory_space<vmem_shared>>
      tpu.wait_dma2 semaphore(%run_scoped3A_98 : memref<!tpu.dma_semaphore, #tpu.memory_space<semaphore_mem>>) src(%arg10 : memref<128x16xf32, #tpu.memory_space<vmem>>) dst(%dma_wait3A_105 : memref<128x16xf32, #tpu.memory_space<vmem_shared>>)
      tpu.yield
    }) : () -> ()
    %add3A_30 = arith.constant 384 : i32
    %add3A_31 = arith.addi %mul3A_0, %add3A_30 : i32
    "tpu.region"() ({
      %run_scoped3A_98 = tpu.sem_alloc : memref<!tpu.dma_semaphore, #tpu.memory_space<semaphore_mem>>
      %dma_start3A_99 = arith.constant 0 : i32
      %dma_start3A_100 = tpu.memref_slice %arg12[%add3A_31, %dma_start3A_99] : memref<10240x16xf32, #tpu.memory_space<vmem_shared>> -> memref<128x16xf32, #tpu.memory_space<vmem_shared>>
      %dma_start3A_101 = arith.constant 0 : i32
      %dma_start3A_102 = tpu.memref_slice %arg12[%add3A_31, %dma_start3A_101] : memref<10240x16xf32, #tpu.memory_space<vmem_shared>> -> memref<128x16xf32, #tpu.memory_space<vmem_shared>>
      tpu.enqueue_dma source(%arg10 : memref<128x16xf32, #tpu.memory_space<vmem>>) target(%dma_start3A_102 : memref<128x16xf32, #tpu.memory_space<vmem_shared>>) target_semaphore(%run_scoped3A_98 : memref<!tpu.dma_semaphore, #tpu.memory_space<semaphore_mem>>)
      %dma_wait3A = arith.constant 0 : i32
      %dma_wait3A_103 = tpu.memref_slice %arg12[%add3A_31, %dma_wait3A] : memref<10240x16xf32, #tpu.memory_space<vmem_shared>> -> memref<128x16xf32, #tpu.memory_space<vmem_shared>>
      %dma_wait3A_104 = arith.constant 0 : i32
      %dma_wait3A_105 = tpu.memref_slice %arg12[%add3A_31, %dma_wait3A_104] : memref<10240x16xf32, #tpu.memory_space<vmem_shared>> -> memref<128x16xf32, #tpu.memory_space<vmem_shared>>
      tpu.wait_dma2 semaphore(%run_scoped3A_98 : memref<!tpu.dma_semaphore, #tpu.memory_space<semaphore_mem>>) src(%arg10 : memref<128x16xf32, #tpu.memory_space<vmem>>) dst(%dma_wait3A_105 : memref<128x16xf32, #tpu.memory_space<vmem_shared>>)
      tpu.yield
    }) : () -> ()
    %add3A_32 = arith.constant 512 : i32
    %add3A_33 = arith.addi %mul3A_0, %add3A_32 : i32
    "tpu.region"() ({
      %run_scoped3A_98 = tpu.sem_alloc : memref<!tpu.dma_semaphore, #tpu.memory_space<semaphore_mem>>
      %dma_start3A_99 = arith.constant 0 : i32
      %dma_start3A_100 = tpu.memref_slice %arg12[%add3A_33, %dma_start3A_99] : memref<10240x16xf32, #tpu.memory_space<vmem_shared>> -> memref<128x16xf32, #tpu.memory_space<vmem_shared>>
      %dma_start3A_101 = arith.constant 0 : i32
      %dma_start3A_102 = tpu.memref_slice %arg12[%add3A_33, %dma_start3A_101] : memref<10240x16xf32, #tpu.memory_space<vmem_shared>> -> memref<128x16xf32, #tpu.memory_space<vmem_shared>>
      tpu.enqueue_dma source(%arg10 : memref<128x16xf32, #tpu.memory_space<vmem>>) target(%dma_start3A_102 : memref<128x16xf32, #tpu.memory_space<vmem_shared>>) target_semaphore(%run_scoped3A_98 : memref<!tpu.dma_semaphore, #tpu.memory_space<semaphore_mem>>)
      %dma_wait3A = arith.constant 0 : i32
      %dma_wait3A_103 = tpu.memref_slice %arg12[%add3A_33, %dma_wait3A] : memref<10240x16xf32, #tpu.memory_space<vmem_shared>> -> memref<128x16xf32, #tpu.memory_space<vmem_shared>>
      %dma_wait3A_104 = arith.constant 0 : i32
      %dma_wait3A_105 = tpu.memref_slice %arg12[%add3A_33, %dma_wait3A_104] : memref<10240x16xf32, #tpu.memory_space<vmem_shared>> -> memref<128x16xf32, #tpu.memory_space<vmem_shared>>
      tpu.wait_dma2 semaphore(%run_scoped3A_98 : memref<!tpu.dma_semaphore, #tpu.memory_space<semaphore_mem>>) src(%arg10 : memref<128x16xf32, #tpu.memory_space<vmem>>) dst(%dma_wait3A_105 : memref<128x16xf32, #tpu.memory_space<vmem_shared>>)
      tpu.yield
    }) : () -> ()
    %scan3A_34 = arith.constant 0 : i32
    %scan3A_35 = arith.constant 128 : i32
    %scan3A_36 = arith.addi %scan3A_34, %scan3A_35 : i32
    %scan3A_37 = arith.constant 1 : i32
    scf.for %scan3A_98 = %scan3A_34 to %scan3A_36 step %scan3A_37  : i32 {
      %mul3A_99 = arith.constant 1 : i32
      %mul3A_100 = arith.muli %scan3A_98, %mul3A_99 : i32
      %add3A_101 = arith.constant 0 : i32
      %add3A_102 = arith.addi %add3A_101, %mul3A_100 : i32
      %broadcast_in_dim3A = arith.constant 1.000000e+00 : f32
      %broadcast_in_dim3A_103 = vector.broadcast %broadcast_in_dim3A : f32 to vector<16xf32>
      %swap3A = arith.index_cast %add3A_102 : i32 to index
      %swap3A_104 = arith.constant 0 : index
      %swap3A_105 = tpu.vector_load %arg10[%swap3A, %swap3A_104] {strides = array<i32>} : memref<128x16xf32, #tpu.memory_space<vmem>>, vector<1x16xf32>,
      %swap3A_106 = vector.shape_cast %swap3A_105 : vector<1x16xf32> to vector<16xf32>
      %swap3A_107 = vector.shape_cast %broadcast_in_dim3A_103 : vector<16xf32> to vector<1x16xf32>
      tpu.vector_store %arg10[%swap3A, %swap3A_104], %swap3A_107 {strides = array<i32>} : memref<128x16xf32, #tpu.memory_space<vmem>>, vector<1x16xf32>,
    }
    %scan3A_38 = arith.constant 128 : i32
    "tpu.region"() ({
      %run_scoped3A_98 = tpu.sem_alloc : memref<!tpu.dma_semaphore, #tpu.memory_space<semaphore_mem>>
      %dma_start3A_99 = arith.constant 0 : i32
      %dma_start3A_100 = arith.constant 0 : i32
      %dma_start3A_101 = tpu.memref_slice %arg3[%arg0, %arg1, %dma_start3A_99, %dma_start3A_100] : memref<2x16x160x128xi32, #tpu.memory_space<hbm>> -> memref<1x1x160x128xi32, #tpu.memory_space<hbm>>
      %dma_start3A_102 = tpu.memref_squeeze %dma_start3A_101 : memref<1x1x160x128xi32, #tpu.memory_space<hbm>> -> memref<160x128xi32, #tpu.memory_space<hbm>>
      %dma_start3A_103 = arith.constant 0 : i32
      %dma_start3A_104 = arith.constant 0 : i32
      %dma_start3A_105 = tpu.memref_slice %arg3[%arg0, %arg1, %dma_start3A_103, %dma_start3A_104] : memref<2x16x160x128xi32, #tpu.memory_space<hbm>> -> memref<1x1x160x128xi32, #tpu.memory_space<hbm>>
      %dma_start3A_106 = tpu.memref_squeeze %dma_start3A_105 : memref<1x1x160x128xi32, #tpu.memory_space<hbm>> -> memref<160x128xi32, #tpu.memory_space<hbm>>
      tpu.enqueue_dma source(%dma_start3A_106 : memref<160x128xi32, #tpu.memory_space<hbm>>) target(%arg7 : memref<160x128xi32, #tpu.memory_space<vmem>>) target_semaphore(%run_scoped3A_98 : memref<!tpu.dma_semaphore, #tpu.memory_space<semaphore_mem>>)
      %dma_wait3A = arith.constant 0 : i32
      %dma_wait3A_107 = arith.constant 0 : i32
      %dma_wait3A_108 = tpu.memref_slice %arg3[%arg0, %arg1, %dma_wait3A, %dma_wait3A_107] : memref<2x16x160x128xi32, #tpu.memory_space<hbm>> -> memref<1x1x160x128xi32, #tpu.memory_space<hbm>>
      %dma_wait3A_109 = tpu.memref_squeeze %dma_wait3A_108 : memref<1x1x160x128xi32, #tpu.memory_space<hbm>> -> memref<160x128xi32, #tpu.memory_space<hbm>>
      %dma_wait3A_110 = arith.constant 0 : i32
      %dma_wait3A_111 = arith.constant 0 : i32
      %dma_wait3A_112 = tpu.memref_slice %arg3[%arg0, %arg1, %dma_wait3A_110, %dma_wait3A_111] : memref<2x16x160x128xi32, #tpu.memory_space<hbm>> -> memref<1x1x160x128xi32, #tpu.memory_space<hbm>>
      %dma_wait3A_113 = tpu.memref_squeeze %dma_wait3A_112 : memref<1x1x160x128xi32, #tpu.memory_space<hbm>> -> memref<160x128xi32, #tpu.memory_space<hbm>>
      tpu.wait_dma2 semaphore(%run_scoped3A_98 : memref<!tpu.dma_semaphore, #tpu.memory_space<semaphore_mem>>) src(%dma_wait3A_113 : memref<160x128xi32, #tpu.memory_space<hbm>>) dst(%arg7 : memref<160x128xi32, #tpu.memory_space<vmem>>)
      tpu.yield
    }) : () -> ()
    "tpu.region"() ({
      %run_scoped3A_98 = tpu.sem_alloc : memref<!tpu.dma_semaphore, #tpu.memory_space<semaphore_mem>>
      %dma_start3A_99 = arith.constant 0 : i32
      %dma_start3A_100 = arith.constant 0 : i32
      %dma_start3A_101 = tpu.memref_slice %arg4[%arg1, %dma_start3A_99, %dma_start3A_100] : memref<16x160x128xi32, #tpu.memory_space<hbm>> -> memref<1x160x128xi32, #tpu.memory_space<hbm>>
      %dma_start3A_102 = tpu.memref_squeeze %dma_start3A_101 : memref<1x160x128xi32, #tpu.memory_space<hbm>> -> memref<160x128xi32, #tpu.memory_space<hbm>>
      %dma_start3A_103 = arith.constant 0 : i32
      %dma_start3A_104 = arith.constant 0 : i32
      %dma_start3A_105 = tpu.memref_slice %arg4[%arg1, %dma_start3A_103, %dma_start3A_104] : memref<16x160x128xi32, #tpu.memory_space<hbm>> -> memref<1x160x128xi32, #tpu.memory_space<hbm>>
      %dma_start3A_106 = tpu.memref_squeeze %dma_start3A_105 : memref<1x160x128xi32, #tpu.memory_space<hbm>> -> memref<160x128xi32, #tpu.memory_space<hbm>>
      tpu.enqueue_dma source(%dma_start3A_106 : memref<160x128xi32, #tpu.memory_space<hbm>>) target(%arg8 : memref<160x128xi32, #tpu.memory_space<vmem>>) target_semaphore(%run_scoped3A_98 : memref<!tpu.dma_semaphore, #tpu.memory_space<semaphore_mem>>)
      %dma_wait3A = arith.constant 0 : i32
      %dma_wait3A_107 = arith.constant 0 : i32
      %dma_wait3A_108 = tpu.memref_slice %arg4[%arg1, %dma_wait3A, %dma_wait3A_107] : memref<16x160x128xi32, #tpu.memory_space<hbm>> -> memref<1x160x128xi32, #tpu.memory_space<hbm>>
      %dma_wait3A_109 = tpu.memref_squeeze %dma_wait3A_108 : memref<1x160x128xi32, #tpu.memory_space<hbm>> -> memref<160x128xi32, #tpu.memory_space<hbm>>
      %dma_wait3A_110 = arith.constant 0 : i32
      %dma_wait3A_111 = arith.constant 0 : i32
      %dma_wait3A_112 = tpu.memref_slice %arg4[%arg1, %dma_wait3A_110, %dma_wait3A_111] : memref<16x160x128xi32, #tpu.memory_space<hbm>> -> memref<1x160x128xi32, #tpu.memory_space<hbm>>
      %dma_wait3A_113 = tpu.memref_squeeze %dma_wait3A_112 : memref<1x160x128xi32, #tpu.memory_space<hbm>> -> memref<160x128xi32, #tpu.memory_space<hbm>>
      tpu.wait_dma2 semaphore(%run_scoped3A_98 : memref<!tpu.dma_semaphore, #tpu.memory_space<semaphore_mem>>) src(%dma_wait3A_113 : memref<160x128xi32, #tpu.memory_space<hbm>>) dst(%arg8 : memref<160x128xi32, #tpu.memory_space<vmem>>)
      tpu.yield
    }) : () -> ()
    %barrier3A = arith.constant 0 : index
    tpu.barrier barrier_id(%barrier3A)
    %dma_start3A = arith.constant 0 : i32
    %dma_start3A_39 = arith.constant 0 : i32
    %dma_start3A_40 = arith.constant 0 : i32
    %dma_start3A_41 = arith.constant 0 : i32
    %dma_start3A_42 = tpu.memref_slice %arg9[%dma_start3A_39, %dma_start3A_40, %dma_start3A_41] : memref<4x128x64xf32, #tpu.memory_space<vmem>> -> memref<1x128x64xf32, #tpu.memory_space<vmem>>
    %dma_start3A_43 = tpu.memref_squeeze %dma_start3A_42 : memref<1x128x64xf32, #tpu.memory_space<vmem>> -> memref<128x64xf32, #tpu.memory_space<vmem>>
    %dma_start3A_44 = arith.constant 0 : i32
    %dma_start3A_45 = tpu.memref_slice %arg7[%dma_start3A, %dma_start3A_44] : memref<160x128xi32, #tpu.memory_space<vmem>> -> memref<1x128xi32, #tpu.memory_space<vmem>>
    %dma_start3A_46 = tpu.memref_squeeze %dma_start3A_45 : memref<1x128xi32, #tpu.memory_space<vmem>> -> memref<128xi32, #tpu.memory_space<vmem>>
    %dma_start3A_47 = arith.constant 0 : i32
    %dma_start3A_48 = arith.constant 0 : i32
    %dma_start3A_49 = tpu.memref_slice %arg2[%dma_start3A_47, %dma_start3A_48] : memref<20000x64xf32, #tpu.memory_space<hbm>> -> memref<20000x64xf32, #tpu.memory_space<hbm>>
    tpu.enqueue_indirect_dma source(%dma_start3A_49 : memref<20000x64xf32, #tpu.memory_space<hbm>>) target(%dma_start3A_43 : memref<128x64xf32, #tpu.memory_space<vmem>>) offsets(%dma_start3A_46 : memref<128xi32, #tpu.memory_space<vmem>>) semaphore(%arg13 : memref<!tpu.dma_semaphore, #tpu.memory_space<semaphore_mem>>)
    %dma_start3A_50 = arith.constant 1 : i32
    %dma_start3A_51 = arith.constant 1 : i32
    %dma_start3A_52 = arith.constant 0 : i32
    %dma_start3A_53 = arith.constant 0 : i32
    %dma_start3A_54 = tpu.memref_slice %arg9[%dma_start3A_51, %dma_start3A_52, %dma_start3A_53] : memref<4x128x64xf32, #tpu.memory_space<vmem>> -> memref<1x128x64xf32, #tpu.memory_space<vmem>>
    %dma_start3A_55 = tpu.memref_squeeze %dma_start3A_54 : memref<1x128x64xf32, #tpu.memory_space<vmem>> -> memref<128x64xf32, #tpu.memory_space<vmem>>
    %dma_start3A_56 = arith.constant 0 : i32
    %dma_start3A_57 = tpu.memref_slice %arg7[%dma_start3A_50, %dma_start3A_56] : memref<160x128xi32, #tpu.memory_space<vmem>> -> memref<1x128xi32, #tpu.memory_space<vmem>>
    %dma_start3A_58 = tpu.memref_squeeze %dma_start3A_57 : memref<1x128xi32, #tpu.memory_space<vmem>> -> memref<128xi32, #tpu.memory_space<vmem>>
    %dma_start3A_59 = arith.constant 0 : i32
    %dma_start3A_60 = arith.constant 0 : i32
    %dma_start3A_61 = tpu.memref_slice %arg2[%dma_start3A_59, %dma_start3A_60] : memref<20000x64xf32, #tpu.memory_space<hbm>> -> memref<20000x64xf32, #tpu.memory_space<hbm>>
    tpu.enqueue_indirect_dma source(%dma_start3A_61 : memref<20000x64xf32, #tpu.memory_space<hbm>>) target(%dma_start3A_55 : memref<128x64xf32, #tpu.memory_space<vmem>>) offsets(%dma_start3A_58 : memref<128xi32, #tpu.memory_space<vmem>>) semaphore(%arg14 : memref<!tpu.dma_semaphore, #tpu.memory_space<semaphore_mem>>)
    %dma_start3A_62 = arith.constant 2 : i32
    %dma_start3A_63 = arith.constant 2 : i32
    %dma_start3A_64 = arith.constant 0 : i32
    %dma_start3A_65 = arith.constant 0 : i32
    %dma_start3A_66 = tpu.memref_slice %arg9[%dma_start3A_63, %dma_start3A_64, %dma_start3A_65] : memref<4x128x64xf32, #tpu.memory_space<vmem>> -> memref<1x128x64xf32, #tpu.memory_space<vmem>>
    %dma_start3A_67 = tpu.memref_squeeze %dma_start3A_66 : memref<1x128x64xf32, #tpu.memory_space<vmem>> -> memref<128x64xf32, #tpu.memory_space<vmem>>
    %dma_start3A_68 = arith.constant 0 : i32
    %dma_start3A_69 = tpu.memref_slice %arg7[%dma_start3A_62, %dma_start3A_68] : memref<160x128xi32, #tpu.memory_space<vmem>> -> memref<1x128xi32, #tpu.memory_space<vmem>>
    %dma_start3A_70 = tpu.memref_squeeze %dma_start3A_69 : memref<1x128xi32, #tpu.memory_space<vmem>> -> memref<128xi32, #tpu.memory_space<vmem>>
    %dma_start3A_71 = arith.constant 0 : i32
    %dma_start3A_72 = arith.constant 0 : i32
    %dma_start3A_73 = tpu.memref_slice %arg2[%dma_start3A_71, %dma_start3A_72] : memref<20000x64xf32, #tpu.memory_space<hbm>> -> memref<20000x64xf32, #tpu.memory_space<hbm>>
    tpu.enqueue_indirect_dma source(%dma_start3A_73 : memref<20000x64xf32, #tpu.memory_space<hbm>>) target(%dma_start3A_67 : memref<128x64xf32, #tpu.memory_space<vmem>>) offsets(%dma_start3A_70 : memref<128xi32, #tpu.memory_space<vmem>>) semaphore(%arg15 : memref<!tpu.dma_semaphore, #tpu.memory_space<semaphore_mem>>)
    %dma_start3A_74 = arith.constant 3 : i32
    %dma_start3A_75 = arith.constant 3 : i32
    %dma_start3A_76 = arith.constant 0 : i32
    %dma_start3A_77 = arith.constant 0 : i32
    %dma_start3A_78 = tpu.memref_slice %arg9[%dma_start3A_75, %dma_start3A_76, %dma_start3A_77] : memref<4x128x64xf32, #tpu.memory_space<vmem>> -> memref<1x128x64xf32, #tpu.memory_space<vmem>>
    %dma_start3A_79 = tpu.memref_squeeze %dma_start3A_78 : memref<1x128x64xf32, #tpu.memory_space<vmem>> -> memref<128x64xf32, #tpu.memory_space<vmem>>
    %dma_start3A_80 = arith.constant 0 : i32
    %dma_start3A_81 = tpu.memref_slice %arg7[%dma_start3A_74, %dma_start3A_80] : memref<160x128xi32, #tpu.memory_space<vmem>> -> memref<1x128xi32, #tpu.memory_space<vmem>>
    %dma_start3A_82 = tpu.memref_squeeze %dma_start3A_81 : memref<1x128xi32, #tpu.memory_space<vmem>> -> memref<128xi32, #tpu.memory_space<vmem>>
    %dma_start3A_83 = arith.constant 0 : i32
    %dma_start3A_84 = arith.constant 0 : i32
    %dma_start3A_85 = tpu.memref_slice %arg2[%dma_start3A_83, %dma_start3A_84] : memref<20000x64xf32, #tpu.memory_space<hbm>> -> memref<20000x64xf32, #tpu.memory_space<hbm>>
    tpu.enqueue_indirect_dma source(%dma_start3A_85 : memref<20000x64xf32, #tpu.memory_space<hbm>>) target(%dma_start3A_79 : memref<128x64xf32, #tpu.memory_space<vmem>>) offsets(%dma_start3A_82 : memref<128xi32, #tpu.memory_space<vmem>>) semaphore(%arg16 : memref<!tpu.dma_semaphore, #tpu.memory_space<semaphore_mem>>)
    %scan3A_86 = arith.constant 0 : i32
    %scan3A_87 = arith.constant 40 : i32
    %scan3A_88 = arith.addi %scan3A_86, %scan3A_87 : i32
    %scan3A_89 = arith.constant 1 : i32
    scf.for %scan3A_98 = %scan3A_86 to %scan3A_88 step %scan3A_89  : i32 {
      %mul3A_99 = arith.constant 4 : i32
      %mul3A_100 = arith.muli %scan3A_98, %mul3A_99 : i32
      %add3A_101 = arith.constant 0 : i32
      %add3A_102 = arith.addi %add3A_101, %mul3A_100 : i32
      %add3A_103 = arith.constant 0 : i32
      %add3A_104 = arith.addi %add3A_102, %add3A_103 : i32
      %dma_wait3A = arith.constant 0 : i32
      %dma_wait3A_105 = arith.constant 0 : i32
      %dma_wait3A_106 = arith.constant 0 : i32
      %dma_wait3A_107 = tpu.memref_slice %arg9[%dma_wait3A, %dma_wait3A_105, %dma_wait3A_106] : memref<4x128x64xf32, #tpu.memory_space<vmem>> -> memref<1x128x64xf32, #tpu.memory_space<vmem>>
      %dma_wait3A_108 = tpu.memref_squeeze %dma_wait3A_107 : memref<1x128x64xf32, #tpu.memory_space<vmem>> -> memref<128x64xf32, #tpu.memory_space<vmem>>
      %dma_wait3A_109 = arith.constant 0 : i32
      %dma_wait3A_110 = tpu.memref_slice %arg7[%add3A_104, %dma_wait3A_109] : memref<160x128xi32, #tpu.memory_space<vmem>> -> memref<1x128xi32, #tpu.memory_space<vmem>>
      %dma_wait3A_111 = tpu.memref_squeeze %dma_wait3A_110 : memref<1x128xi32, #tpu.memory_space<vmem>> -> memref<128xi32, #tpu.memory_space<vmem>>
      %dma_wait3A_112 = arith.constant 0 : i32
      %dma_wait3A_113 = arith.constant 0 : i32
      %dma_wait3A_114 = tpu.memref_slice %arg2[%dma_wait3A_112, %dma_wait3A_113] : memref<20000x64xf32, #tpu.memory_space<hbm>> -> memref<20000x64xf32, #tpu.memory_space<hbm>>
      tpu.wait_indirect_dma semaphore(%arg13 : memref<!tpu.dma_semaphore, #tpu.memory_space<semaphore_mem>>) src(%dma_wait3A_114 : memref<20000x64xf32, #tpu.memory_space<hbm>>) dst(%dma_wait3A_108 : memref<128x64xf32, #tpu.memory_space<vmem>>)
      %run_scoped3A_115 = arith.constant 0 : i32
      "tpu.region"() ({
        %run_scoped3A_209 = tpu.sem_alloc : memref<!tpu.dma_semaphore, #tpu.memory_space<semaphore_mem>>
        %dma_start3A_210 = arith.constant 0 : i32
        %dma_start3A_211 = arith.constant 0 : i32
        %dma_start3A_212 = tpu.memref_slice %arg9[%run_scoped3A_115, %dma_start3A_210, %dma_start3A_211] : memref<4x128x64xf32, #tpu.memory_space<vmem>> -> memref<1x128x64xf32, #tpu.memory_space<vmem>>
        %dma_start3A_213 = tpu.memref_squeeze %dma_start3A_212 : memref<1x128x64xf32, #tpu.memory_space<vmem>> -> memref<128x64xf32, #tpu.memory_space<vmem>>
        %dma_start3A_214 = arith.constant 0 : i32
        %dma_start3A_215 = tpu.memref_slice %arg8[%add3A_104, %dma_start3A_214] : memref<160x128xi32, #tpu.memory_space<vmem>> -> memref<1x128xi32, #tpu.memory_space<vmem>>
        %dma_start3A_216 = tpu.memref_squeeze %dma_start3A_215 : memref<1x128xi32, #tpu.memory_space<vmem>> -> memref<128xi32, #tpu.memory_space<vmem>>
        %dma_start3A_217 = arith.constant 0 : i32
        %dma_start3A_218 = arith.constant 0 : i32
        %dma_start3A_219 = tpu.memref_slice %arg11[%dma_start3A_217, %dma_start3A_218] : memref<10240x64xf32, #tpu.memory_space<vmem_shared>> -> memref<10240x64xf32, #tpu.memory_space<vmem_shared>>
        tpu.enqueue_indirect_dma source(%dma_start3A_213 : memref<128x64xf32, #tpu.memory_space<vmem>>) target(%dma_start3A_219 : memref<10240x64xf32, #tpu.memory_space<vmem_shared>>) offsets(%dma_start3A_216 : memref<128xi32, #tpu.memory_space<vmem>>) semaphore(%run_scoped3A_209 : memref<!tpu.dma_semaphore, #tpu.memory_space<semaphore_mem>>) {add = true}
        %dma_wait3A_220 = arith.constant 0 : i32
        %dma_wait3A_221 = arith.constant 0 : i32
        %dma_wait3A_222 = tpu.memref_slice %arg9[%run_scoped3A_115, %dma_wait3A_220, %dma_wait3A_221] : memref<4x128x64xf32, #tpu.memory_space<vmem>> -> memref<1x128x64xf32, #tpu.memory_space<vmem>>
        %dma_wait3A_223 = tpu.memref_squeeze %dma_wait3A_222 : memref<1x128x64xf32, #tpu.memory_space<vmem>> -> memref<128x64xf32, #tpu.memory_space<vmem>>
        %dma_wait3A_224 = arith.constant 0 : i32
        %dma_wait3A_225 = tpu.memref_slice %arg8[%add3A_104, %dma_wait3A_224] : memref<160x128xi32, #tpu.memory_space<vmem>> -> memref<1x128xi32, #tpu.memory_space<vmem>>
        %dma_wait3A_226 = tpu.memref_squeeze %dma_wait3A_225 : memref<1x128xi32, #tpu.memory_space<vmem>> -> memref<128xi32, #tpu.memory_space<vmem>>
        %dma_wait3A_227 = arith.constant 0 : i32
        %dma_wait3A_228 = arith.constant 0 : i32
        %dma_wait3A_229 = tpu.memref_slice %arg11[%dma_wait3A_227, %dma_wait3A_228] : memref<10240x64xf32, #tpu.memory_space<vmem_shared>> -> memref<10240x64xf32, #tpu.memory_space<vmem_shared>>
        tpu.wait_indirect_dma semaphore(%run_scoped3A_209 : memref<!tpu.dma_semaphore, #tpu.memory_space<semaphore_mem>>) src(%dma_wait3A_223 : memref<128x64xf32, #tpu.memory_space<vmem>>) dst(%dma_wait3A_229 : memref<10240x64xf32, #tpu.memory_space<vmem_shared>>)
        tpu.yield
      }) : () -> ()
      %rem3A = arith.constant 2 : i32
      %rem3A_116 = arith.remsi %add3A_104, %rem3A : i32
      %eq3A_117 = arith.cmpi eq, %rem3A_116, %arg0 : i32
      %convert_element_type3A_118 = arith.extui %eq3A_117 : i1 to i32
      %cond3A_119 = arith.constant 0 : i32
      %cond3A_120 = arith.cmpi ne, %convert_element_type3A_118, %cond3A_119 : i32
      scf.if %cond3A_120 {
        "tpu.region"() ({
          %run_scoped3A_209 = tpu.sem_alloc : memref<!tpu.dma_semaphore, #tpu.memory_space<semaphore_mem>>
          %dma_start3A_210 = arith.constant 0 : i32
          %dma_start3A_211 = tpu.memref_slice %arg8[%add3A_104, %dma_start3A_210] : memref<160x128xi32, #tpu.memory_space<vmem>> -> memref<1x128xi32, #tpu.memory_space<vmem>>
          %dma_start3A_212 = tpu.memref_squeeze %dma_start3A_211 : memref<1x128xi32, #tpu.memory_space<vmem>> -> memref<128xi32, #tpu.memory_space<vmem>>
          %dma_start3A_213 = arith.constant 0 : i32
          %dma_start3A_214 = arith.constant 0 : i32
          %dma_start3A_215 = tpu.memref_slice %arg12[%dma_start3A_213, %dma_start3A_214] : memref<10240x16xf32, #tpu.memory_space<vmem_shared>> -> memref<10240x16xf32, #tpu.memory_space<vmem_shared>>
          tpu.enqueue_indirect_dma source(%arg10 : memref<128x16xf32, #tpu.memory_space<vmem>>) target(%dma_start3A_215 : memref<10240x16xf32, #tpu.memory_space<vmem_shared>>) offsets(%dma_start3A_212 : memref<128xi32, #tpu.memory_space<vmem>>) semaphore(%run_scoped3A_209 : memref<!tpu.dma_semaphore, #tpu.memory_space<semaphore_mem>>) {add = true}
          %dma_wait3A_216 = arith.constant 0 : i32
          %dma_wait3A_217 = tpu.memref_slice %arg8[%add3A_104, %dma_wait3A_216] : memref<160x128xi32, #tpu.memory_space<vmem>> -> memref<1x128xi32, #tpu.memory_space<vmem>>
          %dma_wait3A_218 = tpu.memref_squeeze %dma_wait3A_217 : memref<1x128xi32, #tpu.memory_space<vmem>> -> memref<128xi32, #tpu.memory_space<vmem>>
          %dma_wait3A_219 = arith.constant 0 : i32
          %dma_wait3A_220 = arith.constant 0 : i32
          %dma_wait3A_221 = tpu.memref_slice %arg12[%dma_wait3A_219, %dma_wait3A_220] : memref<10240x16xf32, #tpu.memory_space<vmem_shared>> -> memref<10240x16xf32, #tpu.memory_space<vmem_shared>>
          tpu.wait_indirect_dma semaphore(%run_scoped3A_209 : memref<!tpu.dma_semaphore, #tpu.memory_space<semaphore_mem>>) src(%arg10 : memref<128x16xf32, #tpu.memory_space<vmem>>) dst(%dma_wait3A_221 : memref<10240x16xf32, #tpu.memory_space<vmem_shared>>)
          tpu.yield
        }) : () -> ()
      } else {
      }
      %add3A_121 = arith.constant 4 : i32
      %add3A_122 = arith.addi %add3A_104, %add3A_121 : i32
      %lt3A_123 = arith.constant 160 : i32
      %lt3A_124 = arith.cmpi slt, %add3A_122, %lt3A_123 : i32
      %convert_element_type3A_125 = arith.extui %lt3A_124 : i1 to i32
      %cond3A_126 = arith.constant 0 : i32
      %cond3A_127 = arith.cmpi ne, %convert_element_type3A_125, %cond3A_126 : i32
      scf.if %cond3A_127 {
        %add3A_209 = arith.constant 4 : i32
        %add3A_210 = arith.addi %add3A_104, %add3A_209 : i32
        %dma_start3A_211 = arith.constant 0 : i32
        %dma_start3A_212 = arith.constant 0 : i32
        %dma_start3A_213 = arith.constant 0 : i32
        %dma_start3A_214 = tpu.memref_slice %arg9[%dma_start3A_211, %dma_start3A_212, %dma_start3A_213] : memref<4x128x64xf32, #tpu.memory_space<vmem>> -> memref<1x128x64xf32, #tpu.memory_space<vmem>>
        %dma_start3A_215 = tpu.memref_squeeze %dma_start3A_214 : memref<1x128x64xf32, #tpu.memory_space<vmem>> -> memref<128x64xf32, #tpu.memory_space<vmem>>
        %dma_start3A_216 = arith.constant 0 : i32
        %dma_start3A_217 = tpu.memref_slice %arg7[%add3A_210, %dma_start3A_216] : memref<160x128xi32, #tpu.memory_space<vmem>> -> memref<1x128xi32, #tpu.memory_space<vmem>>
        %dma_start3A_218 = tpu.memref_squeeze %dma_start3A_217 : memref<1x128xi32, #tpu.memory_space<vmem>> -> memref<128xi32, #tpu.memory_space<vmem>>
        %dma_start3A_219 = arith.constant 0 : i32
        %dma_start3A_220 = arith.constant 0 : i32
        %dma_start3A_221 = tpu.memref_slice %arg2[%dma_start3A_219, %dma_start3A_220] : memref<20000x64xf32, #tpu.memory_space<hbm>> -> memref<20000x64xf32, #tpu.memory_space<hbm>>
        tpu.enqueue_indirect_dma source(%dma_start3A_221 : memref<20000x64xf32, #tpu.memory_space<hbm>>) target(%dma_start3A_215 : memref<128x64xf32, #tpu.memory_space<vmem>>) offsets(%dma_start3A_218 : memref<128xi32, #tpu.memory_space<vmem>>) semaphore(%arg13 : memref<!tpu.dma_semaphore, #tpu.memory_space<semaphore_mem>>)
      } else {
      }
      %add3A_128 = arith.constant 1 : i32
      %add3A_129 = arith.addi %add3A_102, %add3A_128 : i32
      %dma_wait3A_130 = arith.constant 1 : i32
      %dma_wait3A_131 = arith.constant 0 : i32
      %dma_wait3A_132 = arith.constant 0 : i32
      %dma_wait3A_133 = tpu.memref_slice %arg9[%dma_wait3A_130, %dma_wait3A_131, %dma_wait3A_132] : memref<4x128x64xf32, #tpu.memory_space<vmem>> -> memref<1x128x64xf32, #tpu.memory_space<vmem>>
      %dma_wait3A_134 = tpu.memref_squeeze %dma_wait3A_133 : memref<1x128x64xf32, #tpu.memory_space<vmem>> -> memref<128x64xf32, #tpu.memory_space<vmem>>
      %dma_wait3A_135 = arith.constant 0 : i32
      %dma_wait3A_136 = tpu.memref_slice %arg7[%add3A_129, %dma_wait3A_135] : memref<160x128xi32, #tpu.memory_space<vmem>> -> memref<1x128xi32, #tpu.memory_space<vmem>>
      %dma_wait3A_137 = tpu.memref_squeeze %dma_wait3A_136 : memref<1x128xi32, #tpu.memory_space<vmem>> -> memref<128xi32, #tpu.memory_space<vmem>>
      %dma_wait3A_138 = arith.constant 0 : i32
      %dma_wait3A_139 = arith.constant 0 : i32
      %dma_wait3A_140 = tpu.memref_slice %arg2[%dma_wait3A_138, %dma_wait3A_139] : memref<20000x64xf32, #tpu.memory_space<hbm>> -> memref<20000x64xf32, #tpu.memory_space<hbm>>
      tpu.wait_indirect_dma semaphore(%arg14 : memref<!tpu.dma_semaphore, #tpu.memory_space<semaphore_mem>>) src(%dma_wait3A_140 : memref<20000x64xf32, #tpu.memory_space<hbm>>) dst(%dma_wait3A_134 : memref<128x64xf32, #tpu.memory_space<vmem>>)
      %run_scoped3A_141 = arith.constant 1 : i32
      "tpu.region"() ({
        %run_scoped3A_209 = tpu.sem_alloc : memref<!tpu.dma_semaphore, #tpu.memory_space<semaphore_mem>>
        %dma_start3A_210 = arith.constant 0 : i32
        %dma_start3A_211 = arith.constant 0 : i32
        %dma_start3A_212 = tpu.memref_slice %arg9[%run_scoped3A_141, %dma_start3A_210, %dma_start3A_211] : memref<4x128x64xf32, #tpu.memory_space<vmem>> -> memref<1x128x64xf32, #tpu.memory_space<vmem>>
        %dma_start3A_213 = tpu.memref_squeeze %dma_start3A_212 : memref<1x128x64xf32, #tpu.memory_space<vmem>> -> memref<128x64xf32, #tpu.memory_space<vmem>>
        %dma_start3A_214 = arith.constant 0 : i32
        %dma_start3A_215 = tpu.memref_slice %arg8[%add3A_129, %dma_start3A_214] : memref<160x128xi32, #tpu.memory_space<vmem>> -> memref<1x128xi32, #tpu.memory_space<vmem>>
        %dma_start3A_216 = tpu.memref_squeeze %dma_start3A_215 : memref<1x128xi32, #tpu.memory_space<vmem>> -> memref<128xi32, #tpu.memory_space<vmem>>
        %dma_start3A_217 = arith.constant 0 : i32
        %dma_start3A_218 = arith.constant 0 : i32
        %dma_start3A_219 = tpu.memref_slice %arg11[%dma_start3A_217, %dma_start3A_218] : memref<10240x64xf32, #tpu.memory_space<vmem_shared>> -> memref<10240x64xf32, #tpu.memory_space<vmem_shared>>
        tpu.enqueue_indirect_dma source(%dma_start3A_213 : memref<128x64xf32, #tpu.memory_space<vmem>>) target(%dma_start3A_219 : memref<10240x64xf32, #tpu.memory_space<vmem_shared>>) offsets(%dma_start3A_216 : memref<128xi32, #tpu.memory_space<vmem>>) semaphore(%run_scoped3A_209 : memref<!tpu.dma_semaphore, #tpu.memory_space<semaphore_mem>>) {add = true}
        %dma_wait3A_220 = arith.constant 0 : i32
        %dma_wait3A_221 = arith.constant 0 : i32
        %dma_wait3A_222 = tpu.memref_slice %arg9[%run_scoped3A_141, %dma_wait3A_220, %dma_wait3A_221] : memref<4x128x64xf32, #tpu.memory_space<vmem>> -> memref<1x128x64xf32, #tpu.memory_space<vmem>>
        %dma_wait3A_223 = tpu.memref_squeeze %dma_wait3A_222 : memref<1x128x64xf32, #tpu.memory_space<vmem>> -> memref<128x64xf32, #tpu.memory_space<vmem>>
        %dma_wait3A_224 = arith.constant 0 : i32
        %dma_wait3A_225 = tpu.memref_slice %arg8[%add3A_129, %dma_wait3A_224] : memref<160x128xi32, #tpu.memory_space<vmem>> -> memref<1x128xi32, #tpu.memory_space<vmem>>
        %dma_wait3A_226 = tpu.memref_squeeze %dma_wait3A_225 : memref<1x128xi32, #tpu.memory_space<vmem>> -> memref<128xi32, #tpu.memory_space<vmem>>
        %dma_wait3A_227 = arith.constant 0 : i32
        %dma_wait3A_228 = arith.constant 0 : i32
        %dma_wait3A_229 = tpu.memref_slice %arg11[%dma_wait3A_227, %dma_wait3A_228] : memref<10240x64xf32, #tpu.memory_space<vmem_shared>> -> memref<10240x64xf32, #tpu.memory_space<vmem_shared>>
        tpu.wait_indirect_dma semaphore(%run_scoped3A_209 : memref<!tpu.dma_semaphore, #tpu.memory_space<semaphore_mem>>) src(%dma_wait3A_223 : memref<128x64xf32, #tpu.memory_space<vmem>>) dst(%dma_wait3A_229 : memref<10240x64xf32, #tpu.memory_space<vmem_shared>>)
        tpu.yield
      }) : () -> ()
      %rem3A_142 = arith.constant 2 : i32
      %rem3A_143 = arith.remsi %add3A_129, %rem3A_142 : i32
      %eq3A_144 = arith.cmpi eq, %rem3A_143, %arg0 : i32
      %convert_element_type3A_145 = arith.extui %eq3A_144 : i1 to i32
      %cond3A_146 = arith.constant 0 : i32
      %cond3A_147 = arith.cmpi ne, %convert_element_type3A_145, %cond3A_146 : i32
      scf.if %cond3A_147 {
        "tpu.region"() ({
          %run_scoped3A_209 = tpu.sem_alloc : memref<!tpu.dma_semaphore, #tpu.memory_space<semaphore_mem>>
          %dma_start3A_210 = arith.constant 0 : i32
          %dma_start3A_211 = tpu.memref_slice %arg8[%add3A_129, %dma_start3A_210] : memref<160x128xi32, #tpu.memory_space<vmem>> -> memref<1x128xi32, #tpu.memory_space<vmem>>
          %dma_start3A_212 = tpu.memref_squeeze %dma_start3A_211 : memref<1x128xi32, #tpu.memory_space<vmem>> -> memref<128xi32, #tpu.memory_space<vmem>>
          %dma_start3A_213 = arith.constant 0 : i32
          %dma_start3A_214 = arith.constant 0 : i32
          %dma_start3A_215 = tpu.memref_slice %arg12[%dma_start3A_213, %dma_start3A_214] : memref<10240x16xf32, #tpu.memory_space<vmem_shared>> -> memref<10240x16xf32, #tpu.memory_space<vmem_shared>>
          tpu.enqueue_indirect_dma source(%arg10 : memref<128x16xf32, #tpu.memory_space<vmem>>) target(%dma_start3A_215 : memref<10240x16xf32, #tpu.memory_space<vmem_shared>>) offsets(%dma_start3A_212 : memref<128xi32, #tpu.memory_space<vmem>>) semaphore(%run_scoped3A_209 : memref<!tpu.dma_semaphore, #tpu.memory_space<semaphore_mem>>) {add = true}
          %dma_wait3A_216 = arith.constant 0 : i32
          %dma_wait3A_217 = tpu.memref_slice %arg8[%add3A_129, %dma_wait3A_216] : memref<160x128xi32, #tpu.memory_space<vmem>> -> memref<1x128xi32, #tpu.memory_space<vmem>>
          %dma_wait3A_218 = tpu.memref_squeeze %dma_wait3A_217 : memref<1x128xi32, #tpu.memory_space<vmem>> -> memref<128xi32, #tpu.memory_space<vmem>>
          %dma_wait3A_219 = arith.constant 0 : i32
          %dma_wait3A_220 = arith.constant 0 : i32
          %dma_wait3A_221 = tpu.memref_slice %arg12[%dma_wait3A_219, %dma_wait3A_220] : memref<10240x16xf32, #tpu.memory_space<vmem_shared>> -> memref<10240x16xf32, #tpu.memory_space<vmem_shared>>
          tpu.wait_indirect_dma semaphore(%run_scoped3A_209 : memref<!tpu.dma_semaphore, #tpu.memory_space<semaphore_mem>>) src(%arg10 : memref<128x16xf32, #tpu.memory_space<vmem>>) dst(%dma_wait3A_221 : memref<10240x16xf32, #tpu.memory_space<vmem_shared>>)
          tpu.yield
        }) : () -> ()
      } else {
      }
      %add3A_148 = arith.constant 4 : i32
      %add3A_149 = arith.addi %add3A_129, %add3A_148 : i32
      %lt3A_150 = arith.constant 160 : i32
      %lt3A_151 = arith.cmpi slt, %add3A_149, %lt3A_150 : i32
      %convert_element_type3A_152 = arith.extui %lt3A_151 : i1 to i32
      %cond3A_153 = arith.constant 0 : i32
      %cond3A_154 = arith.cmpi ne, %convert_element_type3A_152, %cond3A_153 : i32
      scf.if %cond3A_154 {
        %add3A_209 = arith.constant 4 : i32
        %add3A_210 = arith.addi %add3A_129, %add3A_209 : i32
        %dma_start3A_211 = arith.constant 1 : i32
        %dma_start3A_212 = arith.constant 0 : i32
        %dma_start3A_213 = arith.constant 0 : i32
        %dma_start3A_214 = tpu.memref_slice %arg9[%dma_start3A_211, %dma_start3A_212, %dma_start3A_213] : memref<4x128x64xf32, #tpu.memory_space<vmem>> -> memref<1x128x64xf32, #tpu.memory_space<vmem>>
        %dma_start3A_215 = tpu.memref_squeeze %dma_start3A_214 : memref<1x128x64xf32, #tpu.memory_space<vmem>> -> memref<128x64xf32, #tpu.memory_space<vmem>>
        %dma_start3A_216 = arith.constant 0 : i32
        %dma_start3A_217 = tpu.memref_slice %arg7[%add3A_210, %dma_start3A_216] : memref<160x128xi32, #tpu.memory_space<vmem>> -> memref<1x128xi32, #tpu.memory_space<vmem>>
        %dma_start3A_218 = tpu.memref_squeeze %dma_start3A_217 : memref<1x128xi32, #tpu.memory_space<vmem>> -> memref<128xi32, #tpu.memory_space<vmem>>
        %dma_start3A_219 = arith.constant 0 : i32
        %dma_start3A_220 = arith.constant 0 : i32
        %dma_start3A_221 = tpu.memref_slice %arg2[%dma_start3A_219, %dma_start3A_220] : memref<20000x64xf32, #tpu.memory_space<hbm>> -> memref<20000x64xf32, #tpu.memory_space<hbm>>
        tpu.enqueue_indirect_dma source(%dma_start3A_221 : memref<20000x64xf32, #tpu.memory_space<hbm>>) target(%dma_start3A_215 : memref<128x64xf32, #tpu.memory_space<vmem>>) offsets(%dma_start3A_218 : memref<128xi32, #tpu.memory_space<vmem>>) semaphore(%arg14 : memref<!tpu.dma_semaphore, #tpu.memory_space<semaphore_mem>>)
      } else {
      }
      %add3A_155 = arith.constant 2 : i32
      %add3A_156 = arith.addi %add3A_102, %add3A_155 : i32
      %dma_wait3A_157 = arith.constant 2 : i32
      %dma_wait3A_158 = arith.constant 0 : i32
      %dma_wait3A_159 = arith.constant 0 : i32
      %dma_wait3A_160 = tpu.memref_slice %arg9[%dma_wait3A_157, %dma_wait3A_158, %dma_wait3A_159] : memref<4x128x64xf32, #tpu.memory_space<vmem>> -> memref<1x128x64xf32, #tpu.memory_space<vmem>>
      %dma_wait3A_161 = tpu.memref_squeeze %dma_wait3A_160 : memref<1x128x64xf32, #tpu.memory_space<vmem>> -> memref<128x64xf32, #tpu.memory_space<vmem>>
      %dma_wait3A_162 = arith.constant 0 : i32
      %dma_wait3A_163 = tpu.memref_slice %arg7[%add3A_156, %dma_wait3A_162] : memref<160x128xi32, #tpu.memory_space<vmem>> -> memref<1x128xi32, #tpu.memory_space<vmem>>
      %dma_wait3A_164 = tpu.memref_squeeze %dma_wait3A_163 : memref<1x128xi32, #tpu.memory_space<vmem>> -> memref<128xi32, #tpu.memory_space<vmem>>
      %dma_wait3A_165 = arith.constant 0 : i32
      %dma_wait3A_166 = arith.constant 0 : i32
      %dma_wait3A_167 = tpu.memref_slice %arg2[%dma_wait3A_165, %dma_wait3A_166] : memref<20000x64xf32, #tpu.memory_space<hbm>> -> memref<20000x64xf32, #tpu.memory_space<hbm>>
      tpu.wait_indirect_dma semaphore(%arg15 : memref<!tpu.dma_semaphore, #tpu.memory_space<semaphore_mem>>) src(%dma_wait3A_167 : memref<20000x64xf32, #tpu.memory_space<hbm>>) dst(%dma_wait3A_161 : memref<128x64xf32, #tpu.memory_space<vmem>>)
      %run_scoped3A_168 = arith.constant 2 : i32
      "tpu.region"() ({
        %run_scoped3A_209 = tpu.sem_alloc : memref<!tpu.dma_semaphore, #tpu.memory_space<semaphore_mem>>
        %dma_start3A_210 = arith.constant 0 : i32
        %dma_start3A_211 = arith.constant 0 : i32
        %dma_start3A_212 = tpu.memref_slice %arg9[%run_scoped3A_168, %dma_start3A_210, %dma_start3A_211] : memref<4x128x64xf32, #tpu.memory_space<vmem>> -> memref<1x128x64xf32, #tpu.memory_space<vmem>>
        %dma_start3A_213 = tpu.memref_squeeze %dma_start3A_212 : memref<1x128x64xf32, #tpu.memory_space<vmem>> -> memref<128x64xf32, #tpu.memory_space<vmem>>
        %dma_start3A_214 = arith.constant 0 : i32
        %dma_start3A_215 = tpu.memref_slice %arg8[%add3A_156, %dma_start3A_214] : memref<160x128xi32, #tpu.memory_space<vmem>> -> memref<1x128xi32, #tpu.memory_space<vmem>>
        %dma_start3A_216 = tpu.memref_squeeze %dma_start3A_215 : memref<1x128xi32, #tpu.memory_space<vmem>> -> memref<128xi32, #tpu.memory_space<vmem>>
        %dma_start3A_217 = arith.constant 0 : i32
        %dma_start3A_218 = arith.constant 0 : i32
        %dma_start3A_219 = tpu.memref_slice %arg11[%dma_start3A_217, %dma_start3A_218] : memref<10240x64xf32, #tpu.memory_space<vmem_shared>> -> memref<10240x64xf32, #tpu.memory_space<vmem_shared>>
        tpu.enqueue_indirect_dma source(%dma_start3A_213 : memref<128x64xf32, #tpu.memory_space<vmem>>) target(%dma_start3A_219 : memref<10240x64xf32, #tpu.memory_space<vmem_shared>>) offsets(%dma_start3A_216 : memref<128xi32, #tpu.memory_space<vmem>>) semaphore(%run_scoped3A_209 : memref<!tpu.dma_semaphore, #tpu.memory_space<semaphore_mem>>) {add = true}
        %dma_wait3A_220 = arith.constant 0 : i32
        %dma_wait3A_221 = arith.constant 0 : i32
        %dma_wait3A_222 = tpu.memref_slice %arg9[%run_scoped3A_168, %dma_wait3A_220, %dma_wait3A_221] : memref<4x128x64xf32, #tpu.memory_space<vmem>> -> memref<1x128x64xf32, #tpu.memory_space<vmem>>
        %dma_wait3A_223 = tpu.memref_squeeze %dma_wait3A_222 : memref<1x128x64xf32, #tpu.memory_space<vmem>> -> memref<128x64xf32, #tpu.memory_space<vmem>>
        %dma_wait3A_224 = arith.constant 0 : i32
        %dma_wait3A_225 = tpu.memref_slice %arg8[%add3A_156, %dma_wait3A_224] : memref<160x128xi32, #tpu.memory_space<vmem>> -> memref<1x128xi32, #tpu.memory_space<vmem>>
        %dma_wait3A_226 = tpu.memref_squeeze %dma_wait3A_225 : memref<1x128xi32, #tpu.memory_space<vmem>> -> memref<128xi32, #tpu.memory_space<vmem>>
        %dma_wait3A_227 = arith.constant 0 : i32
        %dma_wait3A_228 = arith.constant 0 : i32
        %dma_wait3A_229 = tpu.memref_slice %arg11[%dma_wait3A_227, %dma_wait3A_228] : memref<10240x64xf32, #tpu.memory_space<vmem_shared>> -> memref<10240x64xf32, #tpu.memory_space<vmem_shared>>
        tpu.wait_indirect_dma semaphore(%run_scoped3A_209 : memref<!tpu.dma_semaphore, #tpu.memory_space<semaphore_mem>>) src(%dma_wait3A_223 : memref<128x64xf32, #tpu.memory_space<vmem>>) dst(%dma_wait3A_229 : memref<10240x64xf32, #tpu.memory_space<vmem_shared>>)
        tpu.yield
      }) : () -> ()
      %rem3A_169 = arith.constant 2 : i32
      %rem3A_170 = arith.remsi %add3A_156, %rem3A_169 : i32
      %eq3A_171 = arith.cmpi eq, %rem3A_170, %arg0 : i32
      %convert_element_type3A_172 = arith.extui %eq3A_171 : i1 to i32
      %cond3A_173 = arith.constant 0 : i32
      %cond3A_174 = arith.cmpi ne, %convert_element_type3A_172, %cond3A_173 : i32
      scf.if %cond3A_174 {
        "tpu.region"() ({
          %run_scoped3A_209 = tpu.sem_alloc : memref<!tpu.dma_semaphore, #tpu.memory_space<semaphore_mem>>
          %dma_start3A_210 = arith.constant 0 : i32
          %dma_start3A_211 = tpu.memref_slice %arg8[%add3A_156, %dma_start3A_210] : memref<160x128xi32, #tpu.memory_space<vmem>> -> memref<1x128xi32, #tpu.memory_space<vmem>>
          %dma_start3A_212 = tpu.memref_squeeze %dma_start3A_211 : memref<1x128xi32, #tpu.memory_space<vmem>> -> memref<128xi32, #tpu.memory_space<vmem>>
          %dma_start3A_213 = arith.constant 0 : i32
          %dma_start3A_214 = arith.constant 0 : i32
          %dma_start3A_215 = tpu.memref_slice %arg12[%dma_start3A_213, %dma_start3A_214] : memref<10240x16xf32, #tpu.memory_space<vmem_shared>> -> memref<10240x16xf32, #tpu.memory_space<vmem_shared>>
          tpu.enqueue_indirect_dma source(%arg10 : memref<128x16xf32, #tpu.memory_space<vmem>>) target(%dma_start3A_215 : memref<10240x16xf32, #tpu.memory_space<vmem_shared>>) offsets(%dma_start3A_212 : memref<128xi32, #tpu.memory_space<vmem>>) semaphore(%run_scoped3A_209 : memref<!tpu.dma_semaphore, #tpu.memory_space<semaphore_mem>>) {add = true}
          %dma_wait3A_216 = arith.constant 0 : i32
          %dma_wait3A_217 = tpu.memref_slice %arg8[%add3A_156, %dma_wait3A_216] : memref<160x128xi32, #tpu.memory_space<vmem>> -> memref<1x128xi32, #tpu.memory_space<vmem>>
          %dma_wait3A_218 = tpu.memref_squeeze %dma_wait3A_217 : memref<1x128xi32, #tpu.memory_space<vmem>> -> memref<128xi32, #tpu.memory_space<vmem>>
          %dma_wait3A_219 = arith.constant 0 : i32
          %dma_wait3A_220 = arith.constant 0 : i32
          %dma_wait3A_221 = tpu.memref_slice %arg12[%dma_wait3A_219, %dma_wait3A_220] : memref<10240x16xf32, #tpu.memory_space<vmem_shared>> -> memref<10240x16xf32, #tpu.memory_space<vmem_shared>>
          tpu.wait_indirect_dma semaphore(%run_scoped3A_209 : memref<!tpu.dma_semaphore, #tpu.memory_space<semaphore_mem>>) src(%arg10 : memref<128x16xf32, #tpu.memory_space<vmem>>) dst(%dma_wait3A_221 : memref<10240x16xf32, #tpu.memory_space<vmem_shared>>)
          tpu.yield
        }) : () -> ()
      } else {
      }
      %add3A_175 = arith.constant 4 : i32
      %add3A_176 = arith.addi %add3A_156, %add3A_175 : i32
      %lt3A_177 = arith.constant 160 : i32
      %lt3A_178 = arith.cmpi slt, %add3A_176, %lt3A_177 : i32
      %convert_element_type3A_179 = arith.extui %lt3A_178 : i1 to i32
      %cond3A_180 = arith.constant 0 : i32
      %cond3A_181 = arith.cmpi ne, %convert_element_type3A_179, %cond3A_180 : i32
      scf.if %cond3A_181 {
        %add3A_209 = arith.constant 4 : i32
        %add3A_210 = arith.addi %add3A_156, %add3A_209 : i32
        %dma_start3A_211 = arith.constant 2 : i32
        %dma_start3A_212 = arith.constant 0 : i32
        %dma_start3A_213 = arith.constant 0 : i32
        %dma_start3A_214 = tpu.memref_slice %arg9[%dma_start3A_211, %dma_start3A_212, %dma_start3A_213] : memref<4x128x64xf32, #tpu.memory_space<vmem>> -> memref<1x128x64xf32, #tpu.memory_space<vmem>>
        %dma_start3A_215 = tpu.memref_squeeze %dma_start3A_214 : memref<1x128x64xf32, #tpu.memory_space<vmem>> -> memref<128x64xf32, #tpu.memory_space<vmem>>
        %dma_start3A_216 = arith.constant 0 : i32
        %dma_start3A_217 = tpu.memref_slice %arg7[%add3A_210, %dma_start3A_216] : memref<160x128xi32, #tpu.memory_space<vmem>> -> memref<1x128xi32, #tpu.memory_space<vmem>>
        %dma_start3A_218 = tpu.memref_squeeze %dma_start3A_217 : memref<1x128xi32, #tpu.memory_space<vmem>> -> memref<128xi32, #tpu.memory_space<vmem>>
        %dma_start3A_219 = arith.constant 0 : i32
        %dma_start3A_220 = arith.constant 0 : i32
        %dma_start3A_221 = tpu.memref_slice %arg2[%dma_start3A_219, %dma_start3A_220] : memref<20000x64xf32, #tpu.memory_space<hbm>> -> memref<20000x64xf32, #tpu.memory_space<hbm>>
        tpu.enqueue_indirect_dma source(%dma_start3A_221 : memref<20000x64xf32, #tpu.memory_space<hbm>>) target(%dma_start3A_215 : memref<128x64xf32, #tpu.memory_space<vmem>>) offsets(%dma_start3A_218 : memref<128xi32, #tpu.memory_space<vmem>>) semaphore(%arg15 : memref<!tpu.dma_semaphore, #tpu.memory_space<semaphore_mem>>)
      } else {
      }
      %add3A_182 = arith.constant 3 : i32
      %add3A_183 = arith.addi %add3A_102, %add3A_182 : i32
      %dma_wait3A_184 = arith.constant 3 : i32
      %dma_wait3A_185 = arith.constant 0 : i32
      %dma_wait3A_186 = arith.constant 0 : i32
      %dma_wait3A_187 = tpu.memref_slice %arg9[%dma_wait3A_184, %dma_wait3A_185, %dma_wait3A_186] : memref<4x128x64xf32, #tpu.memory_space<vmem>> -> memref<1x128x64xf32, #tpu.memory_space<vmem>>
      %dma_wait3A_188 = tpu.memref_squeeze %dma_wait3A_187 : memref<1x128x64xf32, #tpu.memory_space<vmem>> -> memref<128x64xf32, #tpu.memory_space<vmem>>
      %dma_wait3A_189 = arith.constant 0 : i32
      %dma_wait3A_190 = tpu.memref_slice %arg7[%add3A_183, %dma_wait3A_189] : memref<160x128xi32, #tpu.memory_space<vmem>> -> memref<1x128xi32, #tpu.memory_space<vmem>>
      %dma_wait3A_191 = tpu.memref_squeeze %dma_wait3A_190 : memref<1x128xi32, #tpu.memory_space<vmem>> -> memref<128xi32, #tpu.memory_space<vmem>>
      %dma_wait3A_192 = arith.constant 0 : i32
      %dma_wait3A_193 = arith.constant 0 : i32
      %dma_wait3A_194 = tpu.memref_slice %arg2[%dma_wait3A_192, %dma_wait3A_193] : memref<20000x64xf32, #tpu.memory_space<hbm>> -> memref<20000x64xf32, #tpu.memory_space<hbm>>
      tpu.wait_indirect_dma semaphore(%arg16 : memref<!tpu.dma_semaphore, #tpu.memory_space<semaphore_mem>>) src(%dma_wait3A_194 : memref<20000x64xf32, #tpu.memory_space<hbm>>) dst(%dma_wait3A_188 : memref<128x64xf32, #tpu.memory_space<vmem>>)
      %run_scoped3A_195 = arith.constant 3 : i32
      "tpu.region"() ({
        %run_scoped3A_209 = tpu.sem_alloc : memref<!tpu.dma_semaphore, #tpu.memory_space<semaphore_mem>>
        %dma_start3A_210 = arith.constant 0 : i32
        %dma_start3A_211 = arith.constant 0 : i32
        %dma_start3A_212 = tpu.memref_slice %arg9[%run_scoped3A_195, %dma_start3A_210, %dma_start3A_211] : memref<4x128x64xf32, #tpu.memory_space<vmem>> -> memref<1x128x64xf32, #tpu.memory_space<vmem>>
        %dma_start3A_213 = tpu.memref_squeeze %dma_start3A_212 : memref<1x128x64xf32, #tpu.memory_space<vmem>> -> memref<128x64xf32, #tpu.memory_space<vmem>>
        %dma_start3A_214 = arith.constant 0 : i32
        %dma_start3A_215 = tpu.memref_slice %arg8[%add3A_183, %dma_start3A_214] : memref<160x128xi32, #tpu.memory_space<vmem>> -> memref<1x128xi32, #tpu.memory_space<vmem>>
        %dma_start3A_216 = tpu.memref_squeeze %dma_start3A_215 : memref<1x128xi32, #tpu.memory_space<vmem>> -> memref<128xi32, #tpu.memory_space<vmem>>
        %dma_start3A_217 = arith.constant 0 : i32
        %dma_start3A_218 = arith.constant 0 : i32
        %dma_start3A_219 = tpu.memref_slice %arg11[%dma_start3A_217, %dma_start3A_218] : memref<10240x64xf32, #tpu.memory_space<vmem_shared>> -> memref<10240x64xf32, #tpu.memory_space<vmem_shared>>
        tpu.enqueue_indirect_dma source(%dma_start3A_213 : memref<128x64xf32, #tpu.memory_space<vmem>>) target(%dma_start3A_219 : memref<10240x64xf32, #tpu.memory_space<vmem_shared>>) offsets(%dma_start3A_216 : memref<128xi32, #tpu.memory_space<vmem>>) semaphore(%run_scoped3A_209 : memref<!tpu.dma_semaphore, #tpu.memory_space<semaphore_mem>>) {add = true}
        %dma_wait3A_220 = arith.constant 0 : i32
        %dma_wait3A_221 = arith.constant 0 : i32
        %dma_wait3A_222 = tpu.memref_slice %arg9[%run_scoped3A_195, %dma_wait3A_220, %dma_wait3A_221] : memref<4x128x64xf32, #tpu.memory_space<vmem>> -> memref<1x128x64xf32, #tpu.memory_space<vmem>>
        %dma_wait3A_223 = tpu.memref_squeeze %dma_wait3A_222 : memref<1x128x64xf32, #tpu.memory_space<vmem>> -> memref<128x64xf32, #tpu.memory_space<vmem>>
        %dma_wait3A_224 = arith.constant 0 : i32
        %dma_wait3A_225 = tpu.memref_slice %arg8[%add3A_183, %dma_wait3A_224] : memref<160x128xi32, #tpu.memory_space<vmem>> -> memref<1x128xi32, #tpu.memory_space<vmem>>
        %dma_wait3A_226 = tpu.memref_squeeze %dma_wait3A_225 : memref<1x128xi32, #tpu.memory_space<vmem>> -> memref<128xi32, #tpu.memory_space<vmem>>
        %dma_wait3A_227 = arith.constant 0 : i32
        %dma_wait3A_228 = arith.constant 0 : i32
        %dma_wait3A_229 = tpu.memref_slice %arg11[%dma_wait3A_227, %dma_wait3A_228] : memref<10240x64xf32, #tpu.memory_space<vmem_shared>> -> memref<10240x64xf32, #tpu.memory_space<vmem_shared>>
        tpu.wait_indirect_dma semaphore(%run_scoped3A_209 : memref<!tpu.dma_semaphore, #tpu.memory_space<semaphore_mem>>) src(%dma_wait3A_223 : memref<128x64xf32, #tpu.memory_space<vmem>>) dst(%dma_wait3A_229 : memref<10240x64xf32, #tpu.memory_space<vmem_shared>>)
        tpu.yield
      }) : () -> ()
      %rem3A_196 = arith.constant 2 : i32
      %rem3A_197 = arith.remsi %add3A_183, %rem3A_196 : i32
      %eq3A_198 = arith.cmpi eq, %rem3A_197, %arg0 : i32
      %convert_element_type3A_199 = arith.extui %eq3A_198 : i1 to i32
      %cond3A_200 = arith.constant 0 : i32
      %cond3A_201 = arith.cmpi ne, %convert_element_type3A_199, %cond3A_200 : i32
      scf.if %cond3A_201 {
        "tpu.region"() ({
          %run_scoped3A_209 = tpu.sem_alloc : memref<!tpu.dma_semaphore, #tpu.memory_space<semaphore_mem>>
          %dma_start3A_210 = arith.constant 0 : i32
          %dma_start3A_211 = tpu.memref_slice %arg8[%add3A_183, %dma_start3A_210] : memref<160x128xi32, #tpu.memory_space<vmem>> -> memref<1x128xi32, #tpu.memory_space<vmem>>
          %dma_start3A_212 = tpu.memref_squeeze %dma_start3A_211 : memref<1x128xi32, #tpu.memory_space<vmem>> -> memref<128xi32, #tpu.memory_space<vmem>>
          %dma_start3A_213 = arith.constant 0 : i32
          %dma_start3A_214 = arith.constant 0 : i32
          %dma_start3A_215 = tpu.memref_slice %arg12[%dma_start3A_213, %dma_start3A_214] : memref<10240x16xf32, #tpu.memory_space<vmem_shared>> -> memref<10240x16xf32, #tpu.memory_space<vmem_shared>>
          tpu.enqueue_indirect_dma source(%arg10 : memref<128x16xf32, #tpu.memory_space<vmem>>) target(%dma_start3A_215 : memref<10240x16xf32, #tpu.memory_space<vmem_shared>>) offsets(%dma_start3A_212 : memref<128xi32, #tpu.memory_space<vmem>>) semaphore(%run_scoped3A_209 : memref<!tpu.dma_semaphore, #tpu.memory_space<semaphore_mem>>) {add = true}
          %dma_wait3A_216 = arith.constant 0 : i32
          %dma_wait3A_217 = tpu.memref_slice %arg8[%add3A_183, %dma_wait3A_216] : memref<160x128xi32, #tpu.memory_space<vmem>> -> memref<1x128xi32, #tpu.memory_space<vmem>>
          %dma_wait3A_218 = tpu.memref_squeeze %dma_wait3A_217 : memref<1x128xi32, #tpu.memory_space<vmem>> -> memref<128xi32, #tpu.memory_space<vmem>>
          %dma_wait3A_219 = arith.constant 0 : i32
          %dma_wait3A_220 = arith.constant 0 : i32
          %dma_wait3A_221 = tpu.memref_slice %arg12[%dma_wait3A_219, %dma_wait3A_220] : memref<10240x16xf32, #tpu.memory_space<vmem_shared>> -> memref<10240x16xf32, #tpu.memory_space<vmem_shared>>
          tpu.wait_indirect_dma semaphore(%run_scoped3A_209 : memref<!tpu.dma_semaphore, #tpu.memory_space<semaphore_mem>>) src(%arg10 : memref<128x16xf32, #tpu.memory_space<vmem>>) dst(%dma_wait3A_221 : memref<10240x16xf32, #tpu.memory_space<vmem_shared>>)
          tpu.yield
        }) : () -> ()
      } else {
      }
      %add3A_202 = arith.constant 4 : i32
      %add3A_203 = arith.addi %add3A_183, %add3A_202 : i32
      %lt3A_204 = arith.constant 160 : i32
      %lt3A_205 = arith.cmpi slt, %add3A_203, %lt3A_204 : i32
      %convert_element_type3A_206 = arith.extui %lt3A_205 : i1 to i32
      %cond3A_207 = arith.constant 0 : i32
      %cond3A_208 = arith.cmpi ne, %convert_element_type3A_206, %cond3A_207 : i32
      scf.if %cond3A_208 {
        %add3A_209 = arith.constant 4 : i32
        %add3A_210 = arith.addi %add3A_183, %add3A_209 : i32
        %dma_start3A_211 = arith.constant 3 : i32
        %dma_start3A_212 = arith.constant 0 : i32
        %dma_start3A_213 = arith.constant 0 : i32
        %dma_start3A_214 = tpu.memref_slice %arg9[%dma_start3A_211, %dma_start3A_212, %dma_start3A_213] : memref<4x128x64xf32, #tpu.memory_space<vmem>> -> memref<1x128x64xf32, #tpu.memory_space<vmem>>
        %dma_start3A_215 = tpu.memref_squeeze %dma_start3A_214 : memref<1x128x64xf32, #tpu.memory_space<vmem>> -> memref<128x64xf32, #tpu.memory_space<vmem>>
        %dma_start3A_216 = arith.constant 0 : i32
        %dma_start3A_217 = tpu.memref_slice %arg7[%add3A_210, %dma_start3A_216] : memref<160x128xi32, #tpu.memory_space<vmem>> -> memref<1x128xi32, #tpu.memory_space<vmem>>
        %dma_start3A_218 = tpu.memref_squeeze %dma_start3A_217 : memref<1x128xi32, #tpu.memory_space<vmem>> -> memref<128xi32, #tpu.memory_space<vmem>>
        %dma_start3A_219 = arith.constant 0 : i32
        %dma_start3A_220 = arith.constant 0 : i32
        %dma_start3A_221 = tpu.memref_slice %arg2[%dma_start3A_219, %dma_start3A_220] : memref<20000x64xf32, #tpu.memory_space<hbm>> -> memref<20000x64xf32, #tpu.memory_space<hbm>>
        tpu.enqueue_indirect_dma source(%dma_start3A_221 : memref<20000x64xf32, #tpu.memory_space<hbm>>) target(%dma_start3A_215 : memref<128x64xf32, #tpu.memory_space<vmem>>) offsets(%dma_start3A_218 : memref<128xi32, #tpu.memory_space<vmem>>) semaphore(%arg16 : memref<!tpu.dma_semaphore, #tpu.memory_space<semaphore_mem>>)
      } else {
      }
    }
    %scan3A_90 = arith.constant 40 : i32
    %barrier3A_91 = arith.constant 0 : index
    tpu.barrier barrier_id(%barrier3A_91)
    %lt3A = arith.constant 15 : i32
    %lt3A_92 = arith.cmpi slt, %arg1, %lt3A : i32
    %convert_element_type3A = arith.extui %lt3A_92 : i1 to i32
    %cond3A = arith.constant 0 : i32
    %cond3A_93 = arith.cmpi ne, %convert_element_type3A, %cond3A : i32
    scf.if %cond3A_93 {
      "tpu.region"() ({
        %run_scoped3A_98 = tpu.sem_alloc : memref<!tpu.dma_semaphore, #tpu.memory_space<semaphore_mem>>
        %dma_start3A_99 = arith.constant 0 : i32
        %dma_start3A_100 = tpu.memref_slice %arg5[%arg0, %mul3A_0, %dma_start3A_99] : memref<2x10000x64xf32, #tpu.memory_space<hbm>> -> memref<1x640x64xf32, #tpu.memory_space<hbm>>
        %dma_start3A_101 = tpu.memref_squeeze %dma_start3A_100 : memref<1x640x64xf32, #tpu.memory_space<hbm>> -> memref<640x64xf32, #tpu.memory_space<hbm>>
        %dma_start3A_102 = arith.constant 0 : i32
        %dma_start3A_103 = tpu.memref_slice %arg11[%mul3A_0, %dma_start3A_102] : memref<10240x64xf32, #tpu.memory_space<vmem_shared>> -> memref<640x64xf32, #tpu.memory_space<vmem_shared>>
        tpu.enqueue_dma source(%dma_start3A_103 : memref<640x64xf32, #tpu.memory_space<vmem_shared>>) target(%dma_start3A_101 : memref<640x64xf32, #tpu.memory_space<hbm>>) target_semaphore(%run_scoped3A_98 : memref<!tpu.dma_semaphore, #tpu.memory_space<semaphore_mem>>)
        %dma_wait3A = arith.constant 0 : i32
        %dma_wait3A_104 = tpu.memref_slice %arg5[%arg0, %mul3A_0, %dma_wait3A] : memref<2x10000x64xf32, #tpu.memory_space<hbm>> -> memref<1x640x64xf32, #tpu.memory_space<hbm>>
        %dma_wait3A_105 = tpu.memref_squeeze %dma_wait3A_104 : memref<1x640x64xf32, #tpu.memory_space<hbm>> -> memref<640x64xf32, #tpu.memory_space<hbm>>
        %dma_wait3A_106 = arith.constant 0 : i32
        %dma_wait3A_107 = tpu.memref_slice %arg11[%mul3A_0, %dma_wait3A_106] : memref<10240x64xf32, #tpu.memory_space<vmem_shared>> -> memref<640x64xf32, #tpu.memory_space<vmem_shared>>
        tpu.wait_dma2 semaphore(%run_scoped3A_98 : memref<!tpu.dma_semaphore, #tpu.memory_space<semaphore_mem>>) src(%dma_wait3A_107 : memref<640x64xf32, #tpu.memory_space<vmem_shared>>) dst(%dma_wait3A_105 : memref<640x64xf32, #tpu.memory_space<hbm>>)
        tpu.yield
      }) : () -> ()
      "tpu.region"() ({
        %run_scoped3A_98 = tpu.sem_alloc : memref<!tpu.dma_semaphore, #tpu.memory_space<semaphore_mem>>
        %dma_start3A_99 = arith.constant 0 : i32
        %dma_start3A_100 = tpu.memref_slice %arg6[%arg0, %mul3A_0, %dma_start3A_99] : memref<2x10000x16xf32, #tpu.memory_space<hbm>> -> memref<1x640x16xf32, #tpu.memory_space<hbm>>
        %dma_start3A_101 = tpu.memref_squeeze %dma_start3A_100 : memref<1x640x16xf32, #tpu.memory_space<hbm>> -> memref<640x16xf32, #tpu.memory_space<hbm>>
        %dma_start3A_102 = arith.constant 0 : i32
        %dma_start3A_103 = tpu.memref_slice %arg12[%mul3A_0, %dma_start3A_102] : memref<10240x16xf32, #tpu.memory_space<vmem_shared>> -> memref<640x16xf32, #tpu.memory_space<vmem_shared>>
        tpu.enqueue_dma source(%dma_start3A_103 : memref<640x16xf32, #tpu.memory_space<vmem_shared>>) target(%dma_start3A_101 : memref<640x16xf32, #tpu.memory_space<hbm>>) target_semaphore(%run_scoped3A_98 : memref<!tpu.dma_semaphore, #tpu.memory_space<semaphore_mem>>)
        %dma_wait3A = arith.constant 0 : i32
        %dma_wait3A_104 = tpu.memref_slice %arg6[%arg0, %mul3A_0, %dma_wait3A] : memref<2x10000x16xf32, #tpu.memory_space<hbm>> -> memref<1x640x16xf32, #tpu.memory_space<hbm>>
        %dma_wait3A_105 = tpu.memref_squeeze %dma_wait3A_104 : memref<1x640x16xf32, #tpu.memory_space<hbm>> -> memref<640x16xf32, #tpu.memory_space<hbm>>
        %dma_wait3A_106 = arith.constant 0 : i32
        %dma_wait3A_107 = tpu.memref_slice %arg12[%mul3A_0, %dma_wait3A_106] : memref<10240x16xf32, #tpu.memory_space<vmem_shared>> -> memref<640x16xf32, #tpu.memory_space<vmem_shared>>
        tpu.wait_dma2 semaphore(%run_scoped3A_98 : memref<!tpu.dma_semaphore, #tpu.memory_space<semaphore_mem>>) src(%dma_wait3A_107 : memref<640x16xf32, #tpu.memory_space<vmem_shared>>) dst(%dma_wait3A_105 : memref<640x16xf32, #tpu.memory_space<hbm>>)
        tpu.yield
      }) : () -> ()
    } else {
    }
    %eq3A = arith.constant 15 : i32
    %eq3A_94 = arith.cmpi eq, %arg1, %eq3A : i32
    %convert_element_type3A_95 = arith.extui %eq3A_94 : i1 to i32
    %cond3A_96 = arith.constant 0 : i32
    %cond3A_97 = arith.cmpi ne, %convert_element_type3A_95, %cond3A_96 : i32
    scf.if %cond3A_97 {
      "tpu.region"() ({
        %run_scoped3A_98 = tpu.sem_alloc : memref<!tpu.dma_semaphore, #tpu.memory_space<semaphore_mem>>
        %dma_start3A_99 = arith.constant 9600 : i32
        %dma_start3A_100 = arith.constant 0 : i32
        %dma_start3A_101 = tpu.memref_slice %arg5[%arg0, %dma_start3A_99, %dma_start3A_100] : memref<2x10000x64xf32, #tpu.memory_space<hbm>> -> memref<1x400x64xf32, #tpu.memory_space<hbm>>
        %dma_start3A_102 = tpu.memref_squeeze %dma_start3A_101 : memref<1x400x64xf32, #tpu.memory_space<hbm>> -> memref<400x64xf32, #tpu.memory_space<hbm>>
        %dma_start3A_103 = arith.constant 9600 : i32
        %dma_start3A_104 = arith.constant 0 : i32
        %dma_start3A_105 = tpu.memref_slice %arg11[%dma_start3A_103, %dma_start3A_104] : memref<10240x64xf32, #tpu.memory_space<vmem_shared>> -> memref<400x64xf32, #tpu.memory_space<vmem_shared>>
        tpu.enqueue_dma source(%dma_start3A_105 : memref<400x64xf32, #tpu.memory_space<vmem_shared>>) target(%dma_start3A_102 : memref<400x64xf32, #tpu.memory_space<hbm>>) target_semaphore(%run_scoped3A_98 : memref<!tpu.dma_semaphore, #tpu.memory_space<semaphore_mem>>)
        %dma_wait3A = arith.constant 9600 : i32
        %dma_wait3A_106 = arith.constant 0 : i32
        %dma_wait3A_107 = tpu.memref_slice %arg5[%arg0, %dma_wait3A, %dma_wait3A_106] : memref<2x10000x64xf32, #tpu.memory_space<hbm>> -> memref<1x400x64xf32, #tpu.memory_space<hbm>>
        %dma_wait3A_108 = tpu.memref_squeeze %dma_wait3A_107 : memref<1x400x64xf32, #tpu.memory_space<hbm>> -> memref<400x64xf32, #tpu.memory_space<hbm>>
        %dma_wait3A_109 = arith.constant 9600 : i32
        %dma_wait3A_110 = arith.constant 0 : i32
        %dma_wait3A_111 = tpu.memref_slice %arg11[%dma_wait3A_109, %dma_wait3A_110] : memref<10240x64xf32, #tpu.memory_space<vmem_shared>> -> memref<400x64xf32, #tpu.memory_space<vmem_shared>>
        tpu.wait_dma2 semaphore(%run_scoped3A_98 : memref<!tpu.dma_semaphore, #tpu.memory_space<semaphore_mem>>) src(%dma_wait3A_111 : memref<400x64xf32, #tpu.memory_space<vmem_shared>>) dst(%dma_wait3A_108 : memref<400x64xf32, #tpu.memory_space<hbm>>)
        tpu.yield
      }) : () -> ()
      "tpu.region"() ({
        %run_scoped3A_98 = tpu.sem_alloc : memref<!tpu.dma_semaphore, #tpu.memory_space<semaphore_mem>>
        %dma_start3A_99 = arith.constant 9600 : i32
        %dma_start3A_100 = arith.constant 0 : i32
        %dma_start3A_101 = tpu.memref_slice %arg6[%arg0, %dma_start3A_99, %dma_start3A_100] : memref<2x10000x16xf32, #tpu.memory_space<hbm>> -> memref<1x400x16xf32, #tpu.memory_space<hbm>>
        %dma_start3A_102 = tpu.memref_squeeze %dma_start3A_101 : memref<1x400x16xf32, #tpu.memory_space<hbm>> -> memref<400x16xf32, #tpu.memory_space<hbm>>
        %dma_start3A_103 = arith.constant 9600 : i32
        %dma_start3A_104 = arith.constant 0 : i32
        %dma_start3A_105 = tpu.memref_slice %arg12[%dma_start3A_103, %dma_start3A_104] : memref<10240x16xf32, #tpu.memory_space<vmem_shared>> -> memref<400x16xf32, #tpu.memory_space<vmem_shared>>
        tpu.enqueue_dma source(%dma_start3A_105 : memref<400x16xf32, #tpu.memory_space<vmem_shared>>) target(%dma_start3A_102 : memref<400x16xf32, #tpu.memory_space<hbm>>) target_semaphore(%run_scoped3A_98 : memref<!tpu.dma_semaphore, #tpu.memory_space<semaphore_mem>>)
        %dma_wait3A = arith.constant 9600 : i32
        %dma_wait3A_106 = arith.constant 0 : i32
        %dma_wait3A_107 = tpu.memref_slice %arg6[%arg0, %dma_wait3A, %dma_wait3A_106] : memref<2x10000x16xf32, #tpu.memory_space<hbm>> -> memref<1x400x16xf32, #tpu.memory_space<hbm>>
        %dma_wait3A_108 = tpu.memref_squeeze %dma_wait3A_107 : memref<1x400x16xf32, #tpu.memory_space<hbm>> -> memref<400x16xf32, #tpu.memory_space<hbm>>
        %dma_wait3A_109 = arith.constant 9600 : i32
        %dma_wait3A_110 = arith.constant 0 : i32
        %dma_wait3A_111 = tpu.memref_slice %arg12[%dma_wait3A_109, %dma_wait3A_110] : memref<10240x16xf32, #tpu.memory_space<vmem_shared>> -> memref<400x16xf32, #tpu.memory_space<vmem_shared>>
        tpu.wait_dma2 semaphore(%run_scoped3A_98 : memref<!tpu.dma_semaphore, #tpu.memory_space<semaphore_mem>>) src(%dma_wait3A_111 : memref<400x16xf32, #tpu.memory_space<vmem_shared>>) dst(%dma_wait3A_108 : memref<400x16xf32, #tpu.memory_space<hbm>>)
        tpu.yield
      }) : () -> ()
    } else {
    }
    return
  }
}

#map = affine_map<(d0, d1) -> (0, 0)>
#map1 = affine_map<(d0, d1) -> (0, 0, 0, 0)>
#map2 = affine_map<(d0, d1) -> (0, 0, 0)>
module attributes {stable_mosaic.version = 14 : i64} {
  func.func @body(%arg0: i32, %arg1: i32, %arg2: memref<10000x128xf32, #tpu.memory_space<hbm>>, %arg3: memref<2x16x125x80xi32, #tpu.memory_space<hbm>>, %arg4: memref<2x16x125x80xi32, #tpu.memory_space<hbm>>, %arg5: memref<2x10000x128xf32, #tpu.memory_space<hbm>>, %arg6: memref<125x80xi32, #tpu.memory_space<vmem>>, %arg7: memref<80x80xi32, #tpu.memory_space<vmem>>, %arg8: memref<10000x128xf32, #tpu.memory_space<vmem_shared>>, %arg9: memref<80x128xf32, #tpu.memory_space<vmem>>, %arg10: memref<80x128xf32, #tpu.memory_space<vmem>>, %arg11: memref<!tpu.dma_semaphore, #tpu.memory_space<semaphore_mem>>, %arg12: memref<!tpu.dma_semaphore, #tpu.memory_space<semaphore_mem>>) attributes {dimension_semantics = [#tpu.dimension_semantics<core_parallel>, #tpu.dimension_semantics<subcore_parallel>], iteration_bounds = array<i64: 2, 16>, scalar_prefetch = 0 : i64, scratch_operands = 7 : i64, tpu.core_type = #tpu.core_type<sc_vector_subcore>, window_params = [{transform_indices = #map}, {transform_indices = #map1}, {transform_indices = #map1}, {transform_indices = #map2}]} {
    %mul3A = arith.constant 632 : i32
    %mul3A_0 = arith.muli %arg1, %mul3A : i32
    %scan3A = arith.constant 0 : i32
    %scan3A_1 = arith.constant 80 : i32
    %scan3A_2 = arith.addi %scan3A, %scan3A_1 : i32
    %scan3A_3 = arith.constant 1 : i32
    scf.for %scan3A_51 = %scan3A to %scan3A_2 step %scan3A_3  : i32 {
      %mul3A_52 = arith.constant 1 : i32
      %mul3A_53 = arith.muli %scan3A_51, %mul3A_52 : i32
      %add3A = arith.constant 0 : i32
      %add3A_54 = arith.addi %add3A, %mul3A_53 : i32
      %scan3A_55 = arith.constant 0 : i32
      %scan3A_56 = arith.constant 8 : i32
      %scan3A_57 = arith.addi %scan3A_55, %scan3A_56 : i32
      %scan3A_58 = arith.constant 1 : i32
      scf.for %scan3A_60 = %scan3A_55 to %scan3A_57 step %scan3A_58  : i32 {
        %mul3A_61 = arith.constant 16 : i32
        %mul3A_62 = arith.muli %scan3A_60, %mul3A_61 : i32
        %add3A_63 = arith.constant 0 : i32
        %add3A_64 = arith.addi %add3A_63, %mul3A_62 : i32
        %broadcast_in_dim3A = arith.constant 0.000000e+00 : f32
        %broadcast_in_dim3A_65 = vector.broadcast %broadcast_in_dim3A : f32 to vector<16xf32>
        %swap3A = arith.index_cast %add3A_54 : i32 to index
        %swap3A_66 = arith.index_cast %add3A_64 : i32 to index
        %swap3A_67 = tpu.vector_load %arg9[%swap3A, %swap3A_66] {strides = array<i32>} : memref<80x128xf32, #tpu.memory_space<vmem>>, vector<1x16xf32>,
        %swap3A_68 = vector.shape_cast %swap3A_67 : vector<1x16xf32> to vector<16xf32>
        %swap3A_69 = vector.shape_cast %broadcast_in_dim3A_65 : vector<16xf32> to vector<1x16xf32>
        tpu.vector_store %arg9[%swap3A, %swap3A_66], %swap3A_69 {strides = array<i32>} : memref<80x128xf32, #tpu.memory_space<vmem>>, vector<1x16xf32>,
      }
      %scan3A_59 = arith.constant 8 : i32
    }
    %scan3A_4 = arith.constant 80 : i32
    %lt3A = arith.constant 15 : i32
    %lt3A_5 = arith.cmpi slt, %arg1, %lt3A : i32
    %convert_element_type3A = arith.extui %lt3A_5 : i1 to i32
    %cond3A = arith.constant 0 : i32
    %cond3A_6 = arith.cmpi ne, %convert_element_type3A, %cond3A : i32
    scf.if %cond3A_6 {
      %add3A = arith.constant 0 : i32
      %add3A_51 = arith.addi %mul3A_0, %add3A : i32
      "tpu.region"() ({
        %run_scoped3A_66 = tpu.sem_alloc : memref<!tpu.dma_semaphore, #tpu.memory_space<semaphore_mem>>
        %dma_start3A_67 = arith.constant 0 : i32
        %dma_start3A_68 = tpu.memref_slice %arg8[%add3A_51, %dma_start3A_67] : memref<10000x128xf32, #tpu.memory_space<vmem_shared>> -> memref<80x128xf32, #tpu.memory_space<vmem_shared>>
        %dma_start3A_69 = arith.constant 0 : i32
        %dma_start3A_70 = tpu.memref_slice %arg8[%add3A_51, %dma_start3A_69] : memref<10000x128xf32, #tpu.memory_space<vmem_shared>> -> memref<80x128xf32, #tpu.memory_space<vmem_shared>>
        tpu.enqueue_dma source(%arg9 : memref<80x128xf32, #tpu.memory_space<vmem>>) target(%dma_start3A_70 : memref<80x128xf32, #tpu.memory_space<vmem_shared>>) target_semaphore(%run_scoped3A_66 : memref<!tpu.dma_semaphore, #tpu.memory_space<semaphore_mem>>)
        %dma_wait3A_71 = arith.constant 0 : i32
        %dma_wait3A_72 = tpu.memref_slice %arg8[%add3A_51, %dma_wait3A_71] : memref<10000x128xf32, #tpu.memory_space<vmem_shared>> -> memref<80x128xf32, #tpu.memory_space<vmem_shared>>
        %dma_wait3A_73 = arith.constant 0 : i32
        %dma_wait3A_74 = tpu.memref_slice %arg8[%add3A_51, %dma_wait3A_73] : memref<10000x128xf32, #tpu.memory_space<vmem_shared>> -> memref<80x128xf32, #tpu.memory_space<vmem_shared>>
        tpu.wait_dma2 semaphore(%run_scoped3A_66 : memref<!tpu.dma_semaphore, #tpu.memory_space<semaphore_mem>>) src(%arg9 : memref<80x128xf32, #tpu.memory_space<vmem>>) dst(%dma_wait3A_74 : memref<80x128xf32, #tpu.memory_space<vmem_shared>>)
        tpu.yield
      }) : () -> ()
      %add3A_52 = arith.constant 80 : i32
      %add3A_53 = arith.addi %mul3A_0, %add3A_52 : i32
      "tpu.region"() ({
        %run_scoped3A_66 = tpu.sem_alloc : memref<!tpu.dma_semaphore, #tpu.memory_space<semaphore_mem>>
        %dma_start3A_67 = arith.constant 0 : i32
        %dma_start3A_68 = tpu.memref_slice %arg8[%add3A_53, %dma_start3A_67] : memref<10000x128xf32, #tpu.memory_space<vmem_shared>> -> memref<80x128xf32, #tpu.memory_space<vmem_shared>>
        %dma_start3A_69 = arith.constant 0 : i32
        %dma_start3A_70 = tpu.memref_slice %arg8[%add3A_53, %dma_start3A_69] : memref<10000x128xf32, #tpu.memory_space<vmem_shared>> -> memref<80x128xf32, #tpu.memory_space<vmem_shared>>
        tpu.enqueue_dma source(%arg9 : memref<80x128xf32, #tpu.memory_space<vmem>>) target(%dma_start3A_70 : memref<80x128xf32, #tpu.memory_space<vmem_shared>>) target_semaphore(%run_scoped3A_66 : memref<!tpu.dma_semaphore, #tpu.memory_space<semaphore_mem>>)
        %dma_wait3A_71 = arith.constant 0 : i32
        %dma_wait3A_72 = tpu.memref_slice %arg8[%add3A_53, %dma_wait3A_71] : memref<10000x128xf32, #tpu.memory_space<vmem_shared>> -> memref<80x128xf32, #tpu.memory_space<vmem_shared>>
        %dma_wait3A_73 = arith.constant 0 : i32
        %dma_wait3A_74 = tpu.memref_slice %arg8[%add3A_53, %dma_wait3A_73] : memref<10000x128xf32, #tpu.memory_space<vmem_shared>> -> memref<80x128xf32, #tpu.memory_space<vmem_shared>>
        tpu.wait_dma2 semaphore(%run_scoped3A_66 : memref<!tpu.dma_semaphore, #tpu.memory_space<semaphore_mem>>) src(%arg9 : memref<80x128xf32, #tpu.memory_space<vmem>>) dst(%dma_wait3A_74 : memref<80x128xf32, #tpu.memory_space<vmem_shared>>)
        tpu.yield
      }) : () -> ()
      %add3A_54 = arith.constant 160 : i32
      %add3A_55 = arith.addi %mul3A_0, %add3A_54 : i32
      "tpu.region"() ({
        %run_scoped3A_66 = tpu.sem_alloc : memref<!tpu.dma_semaphore, #tpu.memory_space<semaphore_mem>>
        %dma_start3A_67 = arith.constant 0 : i32
        %dma_start3A_68 = tpu.memref_slice %arg8[%add3A_55, %dma_start3A_67] : memref<10000x128xf32, #tpu.memory_space<vmem_shared>> -> memref<80x128xf32, #tpu.memory_space<vmem_shared>>
        %dma_start3A_69 = arith.constant 0 : i32
        %dma_start3A_70 = tpu.memref_slice %arg8[%add3A_55, %dma_start3A_69] : memref<10000x128xf32, #tpu.memory_space<vmem_shared>> -> memref<80x128xf32, #tpu.memory_space<vmem_shared>>
        tpu.enqueue_dma source(%arg9 : memref<80x128xf32, #tpu.memory_space<vmem>>) target(%dma_start3A_70 : memref<80x128xf32, #tpu.memory_space<vmem_shared>>) target_semaphore(%run_scoped3A_66 : memref<!tpu.dma_semaphore, #tpu.memory_space<semaphore_mem>>)
        %dma_wait3A_71 = arith.constant 0 : i32
        %dma_wait3A_72 = tpu.memref_slice %arg8[%add3A_55, %dma_wait3A_71] : memref<10000x128xf32, #tpu.memory_space<vmem_shared>> -> memref<80x128xf32, #tpu.memory_space<vmem_shared>>
        %dma_wait3A_73 = arith.constant 0 : i32
        %dma_wait3A_74 = tpu.memref_slice %arg8[%add3A_55, %dma_wait3A_73] : memref<10000x128xf32, #tpu.memory_space<vmem_shared>> -> memref<80x128xf32, #tpu.memory_space<vmem_shared>>
        tpu.wait_dma2 semaphore(%run_scoped3A_66 : memref<!tpu.dma_semaphore, #tpu.memory_space<semaphore_mem>>) src(%arg9 : memref<80x128xf32, #tpu.memory_space<vmem>>) dst(%dma_wait3A_74 : memref<80x128xf32, #tpu.memory_space<vmem_shared>>)
        tpu.yield
      }) : () -> ()
      %add3A_56 = arith.constant 240 : i32
      %add3A_57 = arith.addi %mul3A_0, %add3A_56 : i32
      "tpu.region"() ({
        %run_scoped3A_66 = tpu.sem_alloc : memref<!tpu.dma_semaphore, #tpu.memory_space<semaphore_mem>>
        %dma_start3A_67 = arith.constant 0 : i32
        %dma_start3A_68 = tpu.memref_slice %arg8[%add3A_57, %dma_start3A_67] : memref<10000x128xf32, #tpu.memory_space<vmem_shared>> -> memref<80x128xf32, #tpu.memory_space<vmem_shared>>
        %dma_start3A_69 = arith.constant 0 : i32
        %dma_start3A_70 = tpu.memref_slice %arg8[%add3A_57, %dma_start3A_69] : memref<10000x128xf32, #tpu.memory_space<vmem_shared>> -> memref<80x128xf32, #tpu.memory_space<vmem_shared>>
        tpu.enqueue_dma source(%arg9 : memref<80x128xf32, #tpu.memory_space<vmem>>) target(%dma_start3A_70 : memref<80x128xf32, #tpu.memory_space<vmem_shared>>) target_semaphore(%run_scoped3A_66 : memref<!tpu.dma_semaphore, #tpu.memory_space<semaphore_mem>>)
        %dma_wait3A_71 = arith.constant 0 : i32
        %dma_wait3A_72 = tpu.memref_slice %arg8[%add3A_57, %dma_wait3A_71] : memref<10000x128xf32, #tpu.memory_space<vmem_shared>> -> memref<80x128xf32, #tpu.memory_space<vmem_shared>>
        %dma_wait3A_73 = arith.constant 0 : i32
        %dma_wait3A_74 = tpu.memref_slice %arg8[%add3A_57, %dma_wait3A_73] : memref<10000x128xf32, #tpu.memory_space<vmem_shared>> -> memref<80x128xf32, #tpu.memory_space<vmem_shared>>
        tpu.wait_dma2 semaphore(%run_scoped3A_66 : memref<!tpu.dma_semaphore, #tpu.memory_space<semaphore_mem>>) src(%arg9 : memref<80x128xf32, #tpu.memory_space<vmem>>) dst(%dma_wait3A_74 : memref<80x128xf32, #tpu.memory_space<vmem_shared>>)
        tpu.yield
      }) : () -> ()
      %add3A_58 = arith.constant 320 : i32
      %add3A_59 = arith.addi %mul3A_0, %add3A_58 : i32
      "tpu.region"() ({
        %run_scoped3A_66 = tpu.sem_alloc : memref<!tpu.dma_semaphore, #tpu.memory_space<semaphore_mem>>
        %dma_start3A_67 = arith.constant 0 : i32
        %dma_start3A_68 = tpu.memref_slice %arg8[%add3A_59, %dma_start3A_67] : memref<10000x128xf32, #tpu.memory_space<vmem_shared>> -> memref<80x128xf32, #tpu.memory_space<vmem_shared>>
        %dma_start3A_69 = arith.constant 0 : i32
        %dma_start3A_70 = tpu.memref_slice %arg8[%add3A_59, %dma_start3A_69] : memref<10000x128xf32, #tpu.memory_space<vmem_shared>> -> memref<80x128xf32, #tpu.memory_space<vmem_shared>>
        tpu.enqueue_dma source(%arg9 : memref<80x128xf32, #tpu.memory_space<vmem>>) target(%dma_start3A_70 : memref<80x128xf32, #tpu.memory_space<vmem_shared>>) target_semaphore(%run_scoped3A_66 : memref<!tpu.dma_semaphore, #tpu.memory_space<semaphore_mem>>)
        %dma_wait3A_71 = arith.constant 0 : i32
        %dma_wait3A_72 = tpu.memref_slice %arg8[%add3A_59, %dma_wait3A_71] : memref<10000x128xf32, #tpu.memory_space<vmem_shared>> -> memref<80x128xf32, #tpu.memory_space<vmem_shared>>
        %dma_wait3A_73 = arith.constant 0 : i32
        %dma_wait3A_74 = tpu.memref_slice %arg8[%add3A_59, %dma_wait3A_73] : memref<10000x128xf32, #tpu.memory_space<vmem_shared>> -> memref<80x128xf32, #tpu.memory_space<vmem_shared>>
        tpu.wait_dma2 semaphore(%run_scoped3A_66 : memref<!tpu.dma_semaphore, #tpu.memory_space<semaphore_mem>>) src(%arg9 : memref<80x128xf32, #tpu.memory_space<vmem>>) dst(%dma_wait3A_74 : memref<80x128xf32, #tpu.memory_space<vmem_shared>>)
        tpu.yield
      }) : () -> ()
      %add3A_60 = arith.constant 400 : i32
      %add3A_61 = arith.addi %mul3A_0, %add3A_60 : i32
      "tpu.region"() ({
        %run_scoped3A_66 = tpu.sem_alloc : memref<!tpu.dma_semaphore, #tpu.memory_space<semaphore_mem>>
        %dma_start3A_67 = arith.constant 0 : i32
        %dma_start3A_68 = tpu.memref_slice %arg8[%add3A_61, %dma_start3A_67] : memref<10000x128xf32, #tpu.memory_space<vmem_shared>> -> memref<80x128xf32, #tpu.memory_space<vmem_shared>>
        %dma_start3A_69 = arith.constant 0 : i32
        %dma_start3A_70 = tpu.memref_slice %arg8[%add3A_61, %dma_start3A_69] : memref<10000x128xf32, #tpu.memory_space<vmem_shared>> -> memref<80x128xf32, #tpu.memory_space<vmem_shared>>
        tpu.enqueue_dma source(%arg9 : memref<80x128xf32, #tpu.memory_space<vmem>>) target(%dma_start3A_70 : memref<80x128xf32, #tpu.memory_space<vmem_shared>>) target_semaphore(%run_scoped3A_66 : memref<!tpu.dma_semaphore, #tpu.memory_space<semaphore_mem>>)
        %dma_wait3A_71 = arith.constant 0 : i32
        %dma_wait3A_72 = tpu.memref_slice %arg8[%add3A_61, %dma_wait3A_71] : memref<10000x128xf32, #tpu.memory_space<vmem_shared>> -> memref<80x128xf32, #tpu.memory_space<vmem_shared>>
        %dma_wait3A_73 = arith.constant 0 : i32
        %dma_wait3A_74 = tpu.memref_slice %arg8[%add3A_61, %dma_wait3A_73] : memref<10000x128xf32, #tpu.memory_space<vmem_shared>> -> memref<80x128xf32, #tpu.memory_space<vmem_shared>>
        tpu.wait_dma2 semaphore(%run_scoped3A_66 : memref<!tpu.dma_semaphore, #tpu.memory_space<semaphore_mem>>) src(%arg9 : memref<80x128xf32, #tpu.memory_space<vmem>>) dst(%dma_wait3A_74 : memref<80x128xf32, #tpu.memory_space<vmem_shared>>)
        tpu.yield
      }) : () -> ()
      %add3A_62 = arith.constant 480 : i32
      %add3A_63 = arith.addi %mul3A_0, %add3A_62 : i32
      "tpu.region"() ({
        %run_scoped3A_66 = tpu.sem_alloc : memref<!tpu.dma_semaphore, #tpu.memory_space<semaphore_mem>>
        %dma_start3A_67 = arith.constant 0 : i32
        %dma_start3A_68 = tpu.memref_slice %arg8[%add3A_63, %dma_start3A_67] : memref<10000x128xf32, #tpu.memory_space<vmem_shared>> -> memref<80x128xf32, #tpu.memory_space<vmem_shared>>
        %dma_start3A_69 = arith.constant 0 : i32
        %dma_start3A_70 = tpu.memref_slice %arg8[%add3A_63, %dma_start3A_69] : memref<10000x128xf32, #tpu.memory_space<vmem_shared>> -> memref<80x128xf32, #tpu.memory_space<vmem_shared>>
        tpu.enqueue_dma source(%arg9 : memref<80x128xf32, #tpu.memory_space<vmem>>) target(%dma_start3A_70 : memref<80x128xf32, #tpu.memory_space<vmem_shared>>) target_semaphore(%run_scoped3A_66 : memref<!tpu.dma_semaphore, #tpu.memory_space<semaphore_mem>>)
        %dma_wait3A_71 = arith.constant 0 : i32
        %dma_wait3A_72 = tpu.memref_slice %arg8[%add3A_63, %dma_wait3A_71] : memref<10000x128xf32, #tpu.memory_space<vmem_shared>> -> memref<80x128xf32, #tpu.memory_space<vmem_shared>>
        %dma_wait3A_73 = arith.constant 0 : i32
        %dma_wait3A_74 = tpu.memref_slice %arg8[%add3A_63, %dma_wait3A_73] : memref<10000x128xf32, #tpu.memory_space<vmem_shared>> -> memref<80x128xf32, #tpu.memory_space<vmem_shared>>
        tpu.wait_dma2 semaphore(%run_scoped3A_66 : memref<!tpu.dma_semaphore, #tpu.memory_space<semaphore_mem>>) src(%arg9 : memref<80x128xf32, #tpu.memory_space<vmem>>) dst(%dma_wait3A_74 : memref<80x128xf32, #tpu.memory_space<vmem_shared>>)
        tpu.yield
      }) : () -> ()
      %add3A_64 = arith.constant 560 : i32
      %add3A_65 = arith.addi %mul3A_0, %add3A_64 : i32
      "tpu.region"() ({
        %run_scoped3A_66 = tpu.sem_alloc : memref<!tpu.dma_semaphore, #tpu.memory_space<semaphore_mem>>
        %dma_start3A_67 = arith.constant 0 : i32
        %dma_start3A_68 = arith.constant 0 : i32
        %dma_start3A_69 = tpu.memref_slice %arg9[%dma_start3A_67, %dma_start3A_68] : memref<80x128xf32, #tpu.memory_space<vmem>> -> memref<72x128xf32, #tpu.memory_space<vmem>>
        %dma_start3A_70 = arith.constant 0 : i32
        %dma_start3A_71 = tpu.memref_slice %arg8[%add3A_65, %dma_start3A_70] : memref<10000x128xf32, #tpu.memory_space<vmem_shared>> -> memref<72x128xf32, #tpu.memory_space<vmem_shared>>
        %dma_start3A_72 = arith.constant 0 : i32
        %dma_start3A_73 = tpu.memref_slice %arg8[%add3A_65, %dma_start3A_72] : memref<10000x128xf32, #tpu.memory_space<vmem_shared>> -> memref<72x128xf32, #tpu.memory_space<vmem_shared>>
        %dma_start3A_74 = arith.constant 0 : i32
        %dma_start3A_75 = arith.constant 0 : i32
        %dma_start3A_76 = tpu.memref_slice %arg9[%dma_start3A_74, %dma_start3A_75] : memref<80x128xf32, #tpu.memory_space<vmem>> -> memref<72x128xf32, #tpu.memory_space<vmem>>
        tpu.enqueue_dma source(%dma_start3A_76 : memref<72x128xf32, #tpu.memory_space<vmem>>) target(%dma_start3A_73 : memref<72x128xf32, #tpu.memory_space<vmem_shared>>) target_semaphore(%run_scoped3A_66 : memref<!tpu.dma_semaphore, #tpu.memory_space<semaphore_mem>>)
        %dma_wait3A_77 = arith.constant 0 : i32
        %dma_wait3A_78 = arith.constant 0 : i32
        %dma_wait3A_79 = tpu.memref_slice %arg9[%dma_wait3A_77, %dma_wait3A_78] : memref<80x128xf32, #tpu.memory_space<vmem>> -> memref<72x128xf32, #tpu.memory_space<vmem>>
        %dma_wait3A_80 = arith.constant 0 : i32
        %dma_wait3A_81 = tpu.memref_slice %arg8[%add3A_65, %dma_wait3A_80] : memref<10000x128xf32, #tpu.memory_space<vmem_shared>> -> memref<72x128xf32, #tpu.memory_space<vmem_shared>>
        %dma_wait3A_82 = arith.constant 0 : i32
        %dma_wait3A_83 = tpu.memref_slice %arg8[%add3A_65, %dma_wait3A_82] : memref<10000x128xf32, #tpu.memory_space<vmem_shared>> -> memref<72x128xf32, #tpu.memory_space<vmem_shared>>
        %dma_wait3A_84 = arith.constant 0 : i32
        %dma_wait3A_85 = arith.constant 0 : i32
        %dma_wait3A_86 = tpu.memref_slice %arg9[%dma_wait3A_84, %dma_wait3A_85] : memref<80x128xf32, #tpu.memory_space<vmem>> -> memref<72x128xf32, #tpu.memory_space<vmem>>
        tpu.wait_dma2 semaphore(%run_scoped3A_66 : memref<!tpu.dma_semaphore, #tpu.memory_space<semaphore_mem>>) src(%dma_wait3A_86 : memref<72x128xf32, #tpu.memory_space<vmem>>) dst(%dma_wait3A_83 : memref<72x128xf32, #tpu.memory_space<vmem_shared>>)
        tpu.yield
      }) : () -> ()
    } else {
    }
    %eq3A = arith.constant 15 : i32
    %eq3A_7 = arith.cmpi eq, %arg1, %eq3A : i32
    %convert_element_type3A_8 = arith.extui %eq3A_7 : i1 to i32
    %cond3A_9 = arith.constant 0 : i32
    %cond3A_10 = arith.cmpi ne, %convert_element_type3A_8, %cond3A_9 : i32
    scf.if %cond3A_10 {
      "tpu.region"() ({
        %run_scoped3A_51 = tpu.sem_alloc : memref<!tpu.dma_semaphore, #tpu.memory_space<semaphore_mem>>
        %dma_start3A_52 = arith.constant 9480 : i32
        %dma_start3A_53 = arith.constant 0 : i32
        %dma_start3A_54 = tpu.memref_slice %arg8[%dma_start3A_52, %dma_start3A_53] : memref<10000x128xf32, #tpu.memory_space<vmem_shared>> -> memref<80x128xf32, #tpu.memory_space<vmem_shared>>
        %dma_start3A_55 = arith.constant 9480 : i32
        %dma_start3A_56 = arith.constant 0 : i32
        %dma_start3A_57 = tpu.memref_slice %arg8[%dma_start3A_55, %dma_start3A_56] : memref<10000x128xf32, #tpu.memory_space<vmem_shared>> -> memref<80x128xf32, #tpu.memory_space<vmem_shared>>
        tpu.enqueue_dma source(%arg9 : memref<80x128xf32, #tpu.memory_space<vmem>>) target(%dma_start3A_57 : memref<80x128xf32, #tpu.memory_space<vmem_shared>>) target_semaphore(%run_scoped3A_51 : memref<!tpu.dma_semaphore, #tpu.memory_space<semaphore_mem>>)
        %dma_wait3A_58 = arith.constant 9480 : i32
        %dma_wait3A_59 = arith.constant 0 : i32
        %dma_wait3A_60 = tpu.memref_slice %arg8[%dma_wait3A_58, %dma_wait3A_59] : memref<10000x128xf32, #tpu.memory_space<vmem_shared>> -> memref<80x128xf32, #tpu.memory_space<vmem_shared>>
        %dma_wait3A_61 = arith.constant 9480 : i32
        %dma_wait3A_62 = arith.constant 0 : i32
        %dma_wait3A_63 = tpu.memref_slice %arg8[%dma_wait3A_61, %dma_wait3A_62] : memref<10000x128xf32, #tpu.memory_space<vmem_shared>> -> memref<80x128xf32, #tpu.memory_space<vmem_shared>>
        tpu.wait_dma2 semaphore(%run_scoped3A_51 : memref<!tpu.dma_semaphore, #tpu.memory_space<semaphore_mem>>) src(%arg9 : memref<80x128xf32, #tpu.memory_space<vmem>>) dst(%dma_wait3A_63 : memref<80x128xf32, #tpu.memory_space<vmem_shared>>)
        tpu.yield
      }) : () -> ()
      "tpu.region"() ({
        %run_scoped3A_51 = tpu.sem_alloc : memref<!tpu.dma_semaphore, #tpu.memory_space<semaphore_mem>>
        %dma_start3A_52 = arith.constant 9560 : i32
        %dma_start3A_53 = arith.constant 0 : i32
        %dma_start3A_54 = tpu.memref_slice %arg8[%dma_start3A_52, %dma_start3A_53] : memref<10000x128xf32, #tpu.memory_space<vmem_shared>> -> memref<80x128xf32, #tpu.memory_space<vmem_shared>>
        %dma_start3A_55 = arith.constant 9560 : i32
        %dma_start3A_56 = arith.constant 0 : i32
        %dma_start3A_57 = tpu.memref_slice %arg8[%dma_start3A_55, %dma_start3A_56] : memref<10000x128xf32, #tpu.memory_space<vmem_shared>> -> memref<80x128xf32, #tpu.memory_space<vmem_shared>>
        tpu.enqueue_dma source(%arg9 : memref<80x128xf32, #tpu.memory_space<vmem>>) target(%dma_start3A_57 : memref<80x128xf32, #tpu.memory_space<vmem_shared>>) target_semaphore(%run_scoped3A_51 : memref<!tpu.dma_semaphore, #tpu.memory_space<semaphore_mem>>)
        %dma_wait3A_58 = arith.constant 9560 : i32
        %dma_wait3A_59 = arith.constant 0 : i32
        %dma_wait3A_60 = tpu.memref_slice %arg8[%dma_wait3A_58, %dma_wait3A_59] : memref<10000x128xf32, #tpu.memory_space<vmem_shared>> -> memref<80x128xf32, #tpu.memory_space<vmem_shared>>
        %dma_wait3A_61 = arith.constant 9560 : i32
        %dma_wait3A_62 = arith.constant 0 : i32
        %dma_wait3A_63 = tpu.memref_slice %arg8[%dma_wait3A_61, %dma_wait3A_62] : memref<10000x128xf32, #tpu.memory_space<vmem_shared>> -> memref<80x128xf32, #tpu.memory_space<vmem_shared>>
        tpu.wait_dma2 semaphore(%run_scoped3A_51 : memref<!tpu.dma_semaphore, #tpu.memory_space<semaphore_mem>>) src(%arg9 : memref<80x128xf32, #tpu.memory_space<vmem>>) dst(%dma_wait3A_63 : memref<80x128xf32, #tpu.memory_space<vmem_shared>>)
        tpu.yield
      }) : () -> ()
      "tpu.region"() ({
        %run_scoped3A_51 = tpu.sem_alloc : memref<!tpu.dma_semaphore, #tpu.memory_space<semaphore_mem>>
        %dma_start3A_52 = arith.constant 9640 : i32
        %dma_start3A_53 = arith.constant 0 : i32
        %dma_start3A_54 = tpu.memref_slice %arg8[%dma_start3A_52, %dma_start3A_53] : memref<10000x128xf32, #tpu.memory_space<vmem_shared>> -> memref<80x128xf32, #tpu.memory_space<vmem_shared>>
        %dma_start3A_55 = arith.constant 9640 : i32
        %dma_start3A_56 = arith.constant 0 : i32
        %dma_start3A_57 = tpu.memref_slice %arg8[%dma_start3A_55, %dma_start3A_56] : memref<10000x128xf32, #tpu.memory_space<vmem_shared>> -> memref<80x128xf32, #tpu.memory_space<vmem_shared>>
        tpu.enqueue_dma source(%arg9 : memref<80x128xf32, #tpu.memory_space<vmem>>) target(%dma_start3A_57 : memref<80x128xf32, #tpu.memory_space<vmem_shared>>) target_semaphore(%run_scoped3A_51 : memref<!tpu.dma_semaphore, #tpu.memory_space<semaphore_mem>>)
        %dma_wait3A_58 = arith.constant 9640 : i32
        %dma_wait3A_59 = arith.constant 0 : i32
        %dma_wait3A_60 = tpu.memref_slice %arg8[%dma_wait3A_58, %dma_wait3A_59] : memref<10000x128xf32, #tpu.memory_space<vmem_shared>> -> memref<80x128xf32, #tpu.memory_space<vmem_shared>>
        %dma_wait3A_61 = arith.constant 9640 : i32
        %dma_wait3A_62 = arith.constant 0 : i32
        %dma_wait3A_63 = tpu.memref_slice %arg8[%dma_wait3A_61, %dma_wait3A_62] : memref<10000x128xf32, #tpu.memory_space<vmem_shared>> -> memref<80x128xf32, #tpu.memory_space<vmem_shared>>
        tpu.wait_dma2 semaphore(%run_scoped3A_51 : memref<!tpu.dma_semaphore, #tpu.memory_space<semaphore_mem>>) src(%arg9 : memref<80x128xf32, #tpu.memory_space<vmem>>) dst(%dma_wait3A_63 : memref<80x128xf32, #tpu.memory_space<vmem_shared>>)
        tpu.yield
      }) : () -> ()
      "tpu.region"() ({
        %run_scoped3A_51 = tpu.sem_alloc : memref<!tpu.dma_semaphore, #tpu.memory_space<semaphore_mem>>
        %dma_start3A_52 = arith.constant 9720 : i32
        %dma_start3A_53 = arith.constant 0 : i32
        %dma_start3A_54 = tpu.memref_slice %arg8[%dma_start3A_52, %dma_start3A_53] : memref<10000x128xf32, #tpu.memory_space<vmem_shared>> -> memref<80x128xf32, #tpu.memory_space<vmem_shared>>
        %dma_start3A_55 = arith.constant 9720 : i32
        %dma_start3A_56 = arith.constant 0 : i32
        %dma_start3A_57 = tpu.memref_slice %arg8[%dma_start3A_55, %dma_start3A_56] : memref<10000x128xf32, #tpu.memory_space<vmem_shared>> -> memref<80x128xf32, #tpu.memory_space<vmem_shared>>
        tpu.enqueue_dma source(%arg9 : memref<80x128xf32, #tpu.memory_space<vmem>>) target(%dma_start3A_57 : memref<80x128xf32, #tpu.memory_space<vmem_shared>>) target_semaphore(%run_scoped3A_51 : memref<!tpu.dma_semaphore, #tpu.memory_space<semaphore_mem>>)
        %dma_wait3A_58 = arith.constant 9720 : i32
        %dma_wait3A_59 = arith.constant 0 : i32
        %dma_wait3A_60 = tpu.memref_slice %arg8[%dma_wait3A_58, %dma_wait3A_59] : memref<10000x128xf32, #tpu.memory_space<vmem_shared>> -> memref<80x128xf32, #tpu.memory_space<vmem_shared>>
        %dma_wait3A_61 = arith.constant 9720 : i32
        %dma_wait3A_62 = arith.constant 0 : i32
        %dma_wait3A_63 = tpu.memref_slice %arg8[%dma_wait3A_61, %dma_wait3A_62] : memref<10000x128xf32, #tpu.memory_space<vmem_shared>> -> memref<80x128xf32, #tpu.memory_space<vmem_shared>>
        tpu.wait_dma2 semaphore(%run_scoped3A_51 : memref<!tpu.dma_semaphore, #tpu.memory_space<semaphore_mem>>) src(%arg9 : memref<80x128xf32, #tpu.memory_space<vmem>>) dst(%dma_wait3A_63 : memref<80x128xf32, #tpu.memory_space<vmem_shared>>)
        tpu.yield
      }) : () -> ()
      "tpu.region"() ({
        %run_scoped3A_51 = tpu.sem_alloc : memref<!tpu.dma_semaphore, #tpu.memory_space<semaphore_mem>>
        %dma_start3A_52 = arith.constant 9800 : i32
        %dma_start3A_53 = arith.constant 0 : i32
        %dma_start3A_54 = tpu.memref_slice %arg8[%dma_start3A_52, %dma_start3A_53] : memref<10000x128xf32, #tpu.memory_space<vmem_shared>> -> memref<80x128xf32, #tpu.memory_space<vmem_shared>>
        %dma_start3A_55 = arith.constant 9800 : i32
        %dma_start3A_56 = arith.constant 0 : i32
        %dma_start3A_57 = tpu.memref_slice %arg8[%dma_start3A_55, %dma_start3A_56] : memref<10000x128xf32, #tpu.memory_space<vmem_shared>> -> memref<80x128xf32, #tpu.memory_space<vmem_shared>>
        tpu.enqueue_dma source(%arg9 : memref<80x128xf32, #tpu.memory_space<vmem>>) target(%dma_start3A_57 : memref<80x128xf32, #tpu.memory_space<vmem_shared>>) target_semaphore(%run_scoped3A_51 : memref<!tpu.dma_semaphore, #tpu.memory_space<semaphore_mem>>)
        %dma_wait3A_58 = arith.constant 9800 : i32
        %dma_wait3A_59 = arith.constant 0 : i32
        %dma_wait3A_60 = tpu.memref_slice %arg8[%dma_wait3A_58, %dma_wait3A_59] : memref<10000x128xf32, #tpu.memory_space<vmem_shared>> -> memref<80x128xf32, #tpu.memory_space<vmem_shared>>
        %dma_wait3A_61 = arith.constant 9800 : i32
        %dma_wait3A_62 = arith.constant 0 : i32
        %dma_wait3A_63 = tpu.memref_slice %arg8[%dma_wait3A_61, %dma_wait3A_62] : memref<10000x128xf32, #tpu.memory_space<vmem_shared>> -> memref<80x128xf32, #tpu.memory_space<vmem_shared>>
        tpu.wait_dma2 semaphore(%run_scoped3A_51 : memref<!tpu.dma_semaphore, #tpu.memory_space<semaphore_mem>>) src(%arg9 : memref<80x128xf32, #tpu.memory_space<vmem>>) dst(%dma_wait3A_63 : memref<80x128xf32, #tpu.memory_space<vmem_shared>>)
        tpu.yield
      }) : () -> ()
      "tpu.region"() ({
        %run_scoped3A_51 = tpu.sem_alloc : memref<!tpu.dma_semaphore, #tpu.memory_space<semaphore_mem>>
        %dma_start3A_52 = arith.constant 9880 : i32
        %dma_start3A_53 = arith.constant 0 : i32
        %dma_start3A_54 = tpu.memref_slice %arg8[%dma_start3A_52, %dma_start3A_53] : memref<10000x128xf32, #tpu.memory_space<vmem_shared>> -> memref<80x128xf32, #tpu.memory_space<vmem_shared>>
        %dma_start3A_55 = arith.constant 9880 : i32
        %dma_start3A_56 = arith.constant 0 : i32
        %dma_start3A_57 = tpu.memref_slice %arg8[%dma_start3A_55, %dma_start3A_56] : memref<10000x128xf32, #tpu.memory_space<vmem_shared>> -> memref<80x128xf32, #tpu.memory_space<vmem_shared>>
        tpu.enqueue_dma source(%arg9 : memref<80x128xf32, #tpu.memory_space<vmem>>) target(%dma_start3A_57 : memref<80x128xf32, #tpu.memory_space<vmem_shared>>) target_semaphore(%run_scoped3A_51 : memref<!tpu.dma_semaphore, #tpu.memory_space<semaphore_mem>>)
        %dma_wait3A_58 = arith.constant 9880 : i32
        %dma_wait3A_59 = arith.constant 0 : i32
        %dma_wait3A_60 = tpu.memref_slice %arg8[%dma_wait3A_58, %dma_wait3A_59] : memref<10000x128xf32, #tpu.memory_space<vmem_shared>> -> memref<80x128xf32, #tpu.memory_space<vmem_shared>>
        %dma_wait3A_61 = arith.constant 9880 : i32
        %dma_wait3A_62 = arith.constant 0 : i32
        %dma_wait3A_63 = tpu.memref_slice %arg8[%dma_wait3A_61, %dma_wait3A_62] : memref<10000x128xf32, #tpu.memory_space<vmem_shared>> -> memref<80x128xf32, #tpu.memory_space<vmem_shared>>
        tpu.wait_dma2 semaphore(%run_scoped3A_51 : memref<!tpu.dma_semaphore, #tpu.memory_space<semaphore_mem>>) src(%arg9 : memref<80x128xf32, #tpu.memory_space<vmem>>) dst(%dma_wait3A_63 : memref<80x128xf32, #tpu.memory_space<vmem_shared>>)
        tpu.yield
      }) : () -> ()
      "tpu.region"() ({
        %run_scoped3A_51 = tpu.sem_alloc : memref<!tpu.dma_semaphore, #tpu.memory_space<semaphore_mem>>
        %dma_start3A_52 = arith.constant 0 : i32
        %dma_start3A_53 = arith.constant 0 : i32
        %dma_start3A_54 = tpu.memref_slice %arg9[%dma_start3A_52, %dma_start3A_53] : memref<80x128xf32, #tpu.memory_space<vmem>> -> memref<40x128xf32, #tpu.memory_space<vmem>>
        %dma_start3A_55 = arith.constant 9960 : i32
        %dma_start3A_56 = arith.constant 0 : i32
        %dma_start3A_57 = tpu.memref_slice %arg8[%dma_start3A_55, %dma_start3A_56] : memref<10000x128xf32, #tpu.memory_space<vmem_shared>> -> memref<40x128xf32, #tpu.memory_space<vmem_shared>>
        %dma_start3A_58 = arith.constant 9960 : i32
        %dma_start3A_59 = arith.constant 0 : i32
        %dma_start3A_60 = tpu.memref_slice %arg8[%dma_start3A_58, %dma_start3A_59] : memref<10000x128xf32, #tpu.memory_space<vmem_shared>> -> memref<40x128xf32, #tpu.memory_space<vmem_shared>>
        %dma_start3A_61 = arith.constant 0 : i32
        %dma_start3A_62 = arith.constant 0 : i32
        %dma_start3A_63 = tpu.memref_slice %arg9[%dma_start3A_61, %dma_start3A_62] : memref<80x128xf32, #tpu.memory_space<vmem>> -> memref<40x128xf32, #tpu.memory_space<vmem>>
        tpu.enqueue_dma source(%dma_start3A_63 : memref<40x128xf32, #tpu.memory_space<vmem>>) target(%dma_start3A_60 : memref<40x128xf32, #tpu.memory_space<vmem_shared>>) target_semaphore(%run_scoped3A_51 : memref<!tpu.dma_semaphore, #tpu.memory_space<semaphore_mem>>)
        %dma_wait3A_64 = arith.constant 0 : i32
        %dma_wait3A_65 = arith.constant 0 : i32
        %dma_wait3A_66 = tpu.memref_slice %arg9[%dma_wait3A_64, %dma_wait3A_65] : memref<80x128xf32, #tpu.memory_space<vmem>> -> memref<40x128xf32, #tpu.memory_space<vmem>>
        %dma_wait3A_67 = arith.constant 9960 : i32
        %dma_wait3A_68 = arith.constant 0 : i32
        %dma_wait3A_69 = tpu.memref_slice %arg8[%dma_wait3A_67, %dma_wait3A_68] : memref<10000x128xf32, #tpu.memory_space<vmem_shared>> -> memref<40x128xf32, #tpu.memory_space<vmem_shared>>
        %dma_wait3A_70 = arith.constant 9960 : i32
        %dma_wait3A_71 = arith.constant 0 : i32
        %dma_wait3A_72 = tpu.memref_slice %arg8[%dma_wait3A_70, %dma_wait3A_71] : memref<10000x128xf32, #tpu.memory_space<vmem_shared>> -> memref<40x128xf32, #tpu.memory_space<vmem_shared>>
        %dma_wait3A_73 = arith.constant 0 : i32
        %dma_wait3A_74 = arith.constant 0 : i32
        %dma_wait3A_75 = tpu.memref_slice %arg9[%dma_wait3A_73, %dma_wait3A_74] : memref<80x128xf32, #tpu.memory_space<vmem>> -> memref<40x128xf32, #tpu.memory_space<vmem>>
        tpu.wait_dma2 semaphore(%run_scoped3A_51 : memref<!tpu.dma_semaphore, #tpu.memory_space<semaphore_mem>>) src(%dma_wait3A_75 : memref<40x128xf32, #tpu.memory_space<vmem>>) dst(%dma_wait3A_72 : memref<40x128xf32, #tpu.memory_space<vmem_shared>>)
        tpu.yield
      }) : () -> ()
    } else {
    }
    "tpu.region"() ({
      %run_scoped3A_51 = tpu.sem_alloc : memref<!tpu.dma_semaphore, #tpu.memory_space<semaphore_mem>>
      %dma_start3A_52 = arith.constant 0 : i32
      %dma_start3A_53 = arith.constant 0 : i32
      %dma_start3A_54 = tpu.memref_slice %arg3[%arg0, %arg1, %dma_start3A_52, %dma_start3A_53] : memref<2x16x125x80xi32, #tpu.memory_space<hbm>> -> memref<1x1x125x80xi32, #tpu.memory_space<hbm>>
      %dma_start3A_55 = tpu.memref_squeeze %dma_start3A_54 : memref<1x1x125x80xi32, #tpu.memory_space<hbm>> -> memref<125x80xi32, #tpu.memory_space<hbm>>
      %dma_start3A_56 = arith.constant 0 : i32
      %dma_start3A_57 = arith.constant 0 : i32
      %dma_start3A_58 = tpu.memref_slice %arg3[%arg0, %arg1, %dma_start3A_56, %dma_start3A_57] : memref<2x16x125x80xi32, #tpu.memory_space<hbm>> -> memref<1x1x125x80xi32, #tpu.memory_space<hbm>>
      %dma_start3A_59 = tpu.memref_squeeze %dma_start3A_58 : memref<1x1x125x80xi32, #tpu.memory_space<hbm>> -> memref<125x80xi32, #tpu.memory_space<hbm>>
      tpu.enqueue_dma source(%dma_start3A_59 : memref<125x80xi32, #tpu.memory_space<hbm>>) target(%arg6 : memref<125x80xi32, #tpu.memory_space<vmem>>) target_semaphore(%run_scoped3A_51 : memref<!tpu.dma_semaphore, #tpu.memory_space<semaphore_mem>>)
      %dma_wait3A_60 = arith.constant 0 : i32
      %dma_wait3A_61 = arith.constant 0 : i32
      %dma_wait3A_62 = tpu.memref_slice %arg3[%arg0, %arg1, %dma_wait3A_60, %dma_wait3A_61] : memref<2x16x125x80xi32, #tpu.memory_space<hbm>> -> memref<1x1x125x80xi32, #tpu.memory_space<hbm>>
      %dma_wait3A_63 = tpu.memref_squeeze %dma_wait3A_62 : memref<1x1x125x80xi32, #tpu.memory_space<hbm>> -> memref<125x80xi32, #tpu.memory_space<hbm>>
      %dma_wait3A_64 = arith.constant 0 : i32
      %dma_wait3A_65 = arith.constant 0 : i32
      %dma_wait3A_66 = tpu.memref_slice %arg3[%arg0, %arg1, %dma_wait3A_64, %dma_wait3A_65] : memref<2x16x125x80xi32, #tpu.memory_space<hbm>> -> memref<1x1x125x80xi32, #tpu.memory_space<hbm>>
      %dma_wait3A_67 = tpu.memref_squeeze %dma_wait3A_66 : memref<1x1x125x80xi32, #tpu.memory_space<hbm>> -> memref<125x80xi32, #tpu.memory_space<hbm>>
      tpu.wait_dma2 semaphore(%run_scoped3A_51 : memref<!tpu.dma_semaphore, #tpu.memory_space<semaphore_mem>>) src(%dma_wait3A_67 : memref<125x80xi32, #tpu.memory_space<hbm>>) dst(%arg6 : memref<125x80xi32, #tpu.memory_space<vmem>>)
      tpu.yield
    }) : () -> ()
    "tpu.region"() ({
      %run_scoped3A_51 = tpu.sem_alloc : memref<!tpu.dma_semaphore, #tpu.memory_space<semaphore_mem>>
      %dma_start3A_52 = arith.constant 0 : i32
      %dma_start3A_53 = arith.constant 0 : i32
      %dma_start3A_54 = tpu.memref_slice %arg7[%dma_start3A_52, %dma_start3A_53] : memref<80x80xi32, #tpu.memory_space<vmem>> -> memref<48x80xi32, #tpu.memory_space<vmem>>
      %dma_start3A_55 = arith.constant 0 : i32
      %dma_start3A_56 = arith.constant 0 : i32
      %dma_start3A_57 = tpu.memref_slice %arg4[%arg0, %arg1, %dma_start3A_55, %dma_start3A_56] : memref<2x16x125x80xi32, #tpu.memory_space<hbm>> -> memref<1x1x48x80xi32, #tpu.memory_space<hbm>>
      %dma_start3A_58 = tpu.memref_squeeze %dma_start3A_57 : memref<1x1x48x80xi32, #tpu.memory_space<hbm>> -> memref<48x80xi32, #tpu.memory_space<hbm>>
      %dma_start3A_59 = arith.constant 0 : i32
      %dma_start3A_60 = arith.constant 0 : i32
      %dma_start3A_61 = tpu.memref_slice %arg7[%dma_start3A_59, %dma_start3A_60] : memref<80x80xi32, #tpu.memory_space<vmem>> -> memref<48x80xi32, #tpu.memory_space<vmem>>
      %dma_start3A_62 = arith.constant 0 : i32
      %dma_start3A_63 = arith.constant 0 : i32
      %dma_start3A_64 = tpu.memref_slice %arg4[%arg0, %arg1, %dma_start3A_62, %dma_start3A_63] : memref<2x16x125x80xi32, #tpu.memory_space<hbm>> -> memref<1x1x48x80xi32, #tpu.memory_space<hbm>>
      %dma_start3A_65 = tpu.memref_squeeze %dma_start3A_64 : memref<1x1x48x80xi32, #tpu.memory_space<hbm>> -> memref<48x80xi32, #tpu.memory_space<hbm>>
      tpu.enqueue_dma source(%dma_start3A_65 : memref<48x80xi32, #tpu.memory_space<hbm>>) target(%dma_start3A_61 : memref<48x80xi32, #tpu.memory_space<vmem>>) target_semaphore(%run_scoped3A_51 : memref<!tpu.dma_semaphore, #tpu.memory_space<semaphore_mem>>)
      %dma_wait3A_66 = arith.constant 0 : i32
      %dma_wait3A_67 = arith.constant 0 : i32
      %dma_wait3A_68 = tpu.memref_slice %arg7[%dma_wait3A_66, %dma_wait3A_67] : memref<80x80xi32, #tpu.memory_space<vmem>> -> memref<48x80xi32, #tpu.memory_space<vmem>>
      %dma_wait3A_69 = arith.constant 0 : i32
      %dma_wait3A_70 = arith.constant 0 : i32
      %dma_wait3A_71 = tpu.memref_slice %arg4[%arg0, %arg1, %dma_wait3A_69, %dma_wait3A_70] : memref<2x16x125x80xi32, #tpu.memory_space<hbm>> -> memref<1x1x48x80xi32, #tpu.memory_space<hbm>>
      %dma_wait3A_72 = tpu.memref_squeeze %dma_wait3A_71 : memref<1x1x48x80xi32, #tpu.memory_space<hbm>> -> memref<48x80xi32, #tpu.memory_space<hbm>>
      %dma_wait3A_73 = arith.constant 0 : i32
      %dma_wait3A_74 = arith.constant 0 : i32
      %dma_wait3A_75 = tpu.memref_slice %arg7[%dma_wait3A_73, %dma_wait3A_74] : memref<80x80xi32, #tpu.memory_space<vmem>> -> memref<48x80xi32, #tpu.memory_space<vmem>>
      %dma_wait3A_76 = arith.constant 0 : i32
      %dma_wait3A_77 = arith.constant 0 : i32
      %dma_wait3A_78 = tpu.memref_slice %arg4[%arg0, %arg1, %dma_wait3A_76, %dma_wait3A_77] : memref<2x16x125x80xi32, #tpu.memory_space<hbm>> -> memref<1x1x48x80xi32, #tpu.memory_space<hbm>>
      %dma_wait3A_79 = tpu.memref_squeeze %dma_wait3A_78 : memref<1x1x48x80xi32, #tpu.memory_space<hbm>> -> memref<48x80xi32, #tpu.memory_space<hbm>>
      tpu.wait_dma2 semaphore(%run_scoped3A_51 : memref<!tpu.dma_semaphore, #tpu.memory_space<semaphore_mem>>) src(%dma_wait3A_79 : memref<48x80xi32, #tpu.memory_space<hbm>>) dst(%dma_wait3A_75 : memref<48x80xi32, #tpu.memory_space<vmem>>)
      tpu.yield
    }) : () -> ()
    %barrier3A = arith.constant 0 : index
    tpu.barrier barrier_id(%barrier3A)
    %dma_start3A = arith.constant 0 : i32
    %dma_start3A_11 = arith.constant 0 : i32
    %dma_start3A_12 = tpu.memref_slice %arg6[%dma_start3A, %dma_start3A_11] : memref<125x80xi32, #tpu.memory_space<vmem>> -> memref<1x80xi32, #tpu.memory_space<vmem>>
    %dma_start3A_13 = tpu.memref_squeeze %dma_start3A_12 : memref<1x80xi32, #tpu.memory_space<vmem>> -> memref<80xi32, #tpu.memory_space<vmem>>
    %dma_start3A_14 = arith.constant 0 : i32
    %dma_start3A_15 = arith.constant 0 : i32
    %dma_start3A_16 = tpu.memref_slice %arg2[%dma_start3A_14, %dma_start3A_15] : memref<10000x128xf32, #tpu.memory_space<hbm>> -> memref<10000x128xf32, #tpu.memory_space<hbm>>
    tpu.enqueue_indirect_dma source(%dma_start3A_16 : memref<10000x128xf32, #tpu.memory_space<hbm>>) target(%arg9 : memref<80x128xf32, #tpu.memory_space<vmem>>) offsets(%dma_start3A_13 : memref<80xi32, #tpu.memory_space<vmem>>) semaphore(%arg11 : memref<!tpu.dma_semaphore, #tpu.memory_space<semaphore_mem>>)
    %dma_start3A_17 = arith.constant 1 : i32
    %dma_start3A_18 = arith.constant 0 : i32
    %dma_start3A_19 = tpu.memref_slice %arg6[%dma_start3A_17, %dma_start3A_18] : memref<125x80xi32, #tpu.memory_space<vmem>> -> memref<1x80xi32, #tpu.memory_space<vmem>>
    %dma_start3A_20 = tpu.memref_squeeze %dma_start3A_19 : memref<1x80xi32, #tpu.memory_space<vmem>> -> memref<80xi32, #tpu.memory_space<vmem>>
    %dma_start3A_21 = arith.constant 0 : i32
    %dma_start3A_22 = arith.constant 0 : i32
    %dma_start3A_23 = tpu.memref_slice %arg2[%dma_start3A_21, %dma_start3A_22] : memref<10000x128xf32, #tpu.memory_space<hbm>> -> memref<10000x128xf32, #tpu.memory_space<hbm>>
    tpu.enqueue_indirect_dma source(%dma_start3A_23 : memref<10000x128xf32, #tpu.memory_space<hbm>>) target(%arg10 : memref<80x128xf32, #tpu.memory_space<vmem>>) offsets(%dma_start3A_20 : memref<80xi32, #tpu.memory_space<vmem>>) semaphore(%arg12 : memref<!tpu.dma_semaphore, #tpu.memory_space<semaphore_mem>>)
    %scan3A_24 = arith.constant 0 : i32
    %scan3A_25 = arith.constant 24 : i32
    %scan3A_26 = arith.addi %scan3A_24, %scan3A_25 : i32
    %scan3A_27 = arith.constant 1 : i32
    scf.for %scan3A_51 = %scan3A_24 to %scan3A_26 step %scan3A_27  : i32 {
      %mul3A_52 = arith.constant 2 : i32
      %mul3A_53 = arith.muli %scan3A_51, %mul3A_52 : i32
      %add3A = arith.constant 0 : i32
      %add3A_54 = arith.addi %add3A, %mul3A_53 : i32
      %add3A_55 = arith.constant 0 : i32
      %add3A_56 = arith.addi %add3A_54, %add3A_55 : i32
      %dma_wait3A_57 = arith.constant 0 : i32
      %dma_wait3A_58 = tpu.memref_slice %arg6[%add3A_56, %dma_wait3A_57] : memref<125x80xi32, #tpu.memory_space<vmem>> -> memref<1x80xi32, #tpu.memory_space<vmem>>
      %dma_wait3A_59 = tpu.memref_squeeze %dma_wait3A_58 : memref<1x80xi32, #tpu.memory_space<vmem>> -> memref<80xi32, #tpu.memory_space<vmem>>
      %dma_wait3A_60 = arith.constant 0 : i32
      %dma_wait3A_61 = arith.constant 0 : i32
      %dma_wait3A_62 = tpu.memref_slice %arg2[%dma_wait3A_60, %dma_wait3A_61] : memref<10000x128xf32, #tpu.memory_space<hbm>> -> memref<10000x128xf32, #tpu.memory_space<hbm>>
      tpu.wait_indirect_dma semaphore(%arg11 : memref<!tpu.dma_semaphore, #tpu.memory_space<semaphore_mem>>) src(%dma_wait3A_62 : memref<10000x128xf32, #tpu.memory_space<hbm>>) dst(%arg9 : memref<80x128xf32, #tpu.memory_space<vmem>>)
      "tpu.region"() ({
        %run_scoped3A_87 = tpu.sem_alloc : memref<!tpu.dma_semaphore, #tpu.memory_space<semaphore_mem>>
        %dma_start3A_88 = arith.constant 0 : i32
        %dma_start3A_89 = tpu.memref_slice %arg7[%add3A_56, %dma_start3A_88] : memref<80x80xi32, #tpu.memory_space<vmem>> -> memref<1x80xi32, #tpu.memory_space<vmem>>
        %dma_start3A_90 = tpu.memref_squeeze %dma_start3A_89 : memref<1x80xi32, #tpu.memory_space<vmem>> -> memref<80xi32, #tpu.memory_space<vmem>>
        %dma_start3A_91 = arith.constant 0 : i32
        %dma_start3A_92 = arith.constant 0 : i32
        %dma_start3A_93 = tpu.memref_slice %arg8[%dma_start3A_91, %dma_start3A_92] : memref<10000x128xf32, #tpu.memory_space<vmem_shared>> -> memref<10000x128xf32, #tpu.memory_space<vmem_shared>>
        tpu.enqueue_indirect_dma source(%arg9 : memref<80x128xf32, #tpu.memory_space<vmem>>) target(%dma_start3A_93 : memref<10000x128xf32, #tpu.memory_space<vmem_shared>>) offsets(%dma_start3A_90 : memref<80xi32, #tpu.memory_space<vmem>>) semaphore(%run_scoped3A_87 : memref<!tpu.dma_semaphore, #tpu.memory_space<semaphore_mem>>) {add = true}
        %dma_wait3A_94 = arith.constant 0 : i32
        %dma_wait3A_95 = tpu.memref_slice %arg7[%add3A_56, %dma_wait3A_94] : memref<80x80xi32, #tpu.memory_space<vmem>> -> memref<1x80xi32, #tpu.memory_space<vmem>>
        %dma_wait3A_96 = tpu.memref_squeeze %dma_wait3A_95 : memref<1x80xi32, #tpu.memory_space<vmem>> -> memref<80xi32, #tpu.memory_space<vmem>>
        %dma_wait3A_97 = arith.constant 0 : i32
        %dma_wait3A_98 = arith.constant 0 : i32
        %dma_wait3A_99 = tpu.memref_slice %arg8[%dma_wait3A_97, %dma_wait3A_98] : memref<10000x128xf32, #tpu.memory_space<vmem_shared>> -> memref<10000x128xf32, #tpu.memory_space<vmem_shared>>
        tpu.wait_indirect_dma semaphore(%run_scoped3A_87 : memref<!tpu.dma_semaphore, #tpu.memory_space<semaphore_mem>>) src(%arg9 : memref<80x128xf32, #tpu.memory_space<vmem>>) dst(%dma_wait3A_99 : memref<10000x128xf32, #tpu.memory_space<vmem_shared>>)
        tpu.yield
      }) : () -> ()
      %add3A_63 = arith.constant 2 : i32
      %add3A_64 = arith.addi %add3A_56, %add3A_63 : i32
      %dma_start3A_65 = arith.constant 0 : i32
      %dma_start3A_66 = tpu.memref_slice %arg6[%add3A_64, %dma_start3A_65] : memref<125x80xi32, #tpu.memory_space<vmem>> -> memref<1x80xi32, #tpu.memory_space<vmem>>
      %dma_start3A_67 = tpu.memref_squeeze %dma_start3A_66 : memref<1x80xi32, #tpu.memory_space<vmem>> -> memref<80xi32, #tpu.memory_space<vmem>>
      %dma_start3A_68 = arith.constant 0 : i32
      %dma_start3A_69 = arith.constant 0 : i32
      %dma_start3A_70 = tpu.memref_slice %arg2[%dma_start3A_68, %dma_start3A_69] : memref<10000x128xf32, #tpu.memory_space<hbm>> -> memref<10000x128xf32, #tpu.memory_space<hbm>>
      tpu.enqueue_indirect_dma source(%dma_start3A_70 : memref<10000x128xf32, #tpu.memory_space<hbm>>) target(%arg9 : memref<80x128xf32, #tpu.memory_space<vmem>>) offsets(%dma_start3A_67 : memref<80xi32, #tpu.memory_space<vmem>>) semaphore(%arg11 : memref<!tpu.dma_semaphore, #tpu.memory_space<semaphore_mem>>)
      %add3A_71 = arith.constant 1 : i32
      %add3A_72 = arith.addi %add3A_54, %add3A_71 : i32
      %dma_wait3A_73 = arith.constant 0 : i32
      %dma_wait3A_74 = tpu.memref_slice %arg6[%add3A_72, %dma_wait3A_73] : memref<125x80xi32, #tpu.memory_space<vmem>> -> memref<1x80xi32, #tpu.memory_space<vmem>>
      %dma_wait3A_75 = tpu.memref_squeeze %dma_wait3A_74 : memref<1x80xi32, #tpu.memory_space<vmem>> -> memref<80xi32, #tpu.memory_space<vmem>>
      %dma_wait3A_76 = arith.constant 0 : i32
      %dma_wait3A_77 = arith.constant 0 : i32
      %dma_wait3A_78 = tpu.memref_slice %arg2[%dma_wait3A_76, %dma_wait3A_77] : memref<10000x128xf32, #tpu.memory_space<hbm>> -> memref<10000x128xf32, #tpu.memory_space<hbm>>
      tpu.wait_indirect_dma semaphore(%arg12 : memref<!tpu.dma_semaphore, #tpu.memory_space<semaphore_mem>>) src(%dma_wait3A_78 : memref<10000x128xf32, #tpu.memory_space<hbm>>) dst(%arg10 : memref<80x128xf32, #tpu.memory_space<vmem>>)
      "tpu.region"() ({
        %run_scoped3A_87 = tpu.sem_alloc : memref<!tpu.dma_semaphore, #tpu.memory_space<semaphore_mem>>
        %dma_start3A_88 = arith.constant 0 : i32
        %dma_start3A_89 = tpu.memref_slice %arg7[%add3A_72, %dma_start3A_88] : memref<80x80xi32, #tpu.memory_space<vmem>> -> memref<1x80xi32, #tpu.memory_space<vmem>>
        %dma_start3A_90 = tpu.memref_squeeze %dma_start3A_89 : memref<1x80xi32, #tpu.memory_space<vmem>> -> memref<80xi32, #tpu.memory_space<vmem>>
        %dma_start3A_91 = arith.constant 0 : i32
        %dma_start3A_92 = arith.constant 0 : i32
        %dma_start3A_93 = tpu.memref_slice %arg8[%dma_start3A_91, %dma_start3A_92] : memref<10000x128xf32, #tpu.memory_space<vmem_shared>> -> memref<10000x128xf32, #tpu.memory_space<vmem_shared>>
        tpu.enqueue_indirect_dma source(%arg10 : memref<80x128xf32, #tpu.memory_space<vmem>>) target(%dma_start3A_93 : memref<10000x128xf32, #tpu.memory_space<vmem_shared>>) offsets(%dma_start3A_90 : memref<80xi32, #tpu.memory_space<vmem>>) semaphore(%run_scoped3A_87 : memref<!tpu.dma_semaphore, #tpu.memory_space<semaphore_mem>>) {add = true}
        %dma_wait3A_94 = arith.constant 0 : i32
        %dma_wait3A_95 = tpu.memref_slice %arg7[%add3A_72, %dma_wait3A_94] : memref<80x80xi32, #tpu.memory_space<vmem>> -> memref<1x80xi32, #tpu.memory_space<vmem>>
        %dma_wait3A_96 = tpu.memref_squeeze %dma_wait3A_95 : memref<1x80xi32, #tpu.memory_space<vmem>> -> memref<80xi32, #tpu.memory_space<vmem>>
        %dma_wait3A_97 = arith.constant 0 : i32
        %dma_wait3A_98 = arith.constant 0 : i32
        %dma_wait3A_99 = tpu.memref_slice %arg8[%dma_wait3A_97, %dma_wait3A_98] : memref<10000x128xf32, #tpu.memory_space<vmem_shared>> -> memref<10000x128xf32, #tpu.memory_space<vmem_shared>>
        tpu.wait_indirect_dma semaphore(%run_scoped3A_87 : memref<!tpu.dma_semaphore, #tpu.memory_space<semaphore_mem>>) src(%arg10 : memref<80x128xf32, #tpu.memory_space<vmem>>) dst(%dma_wait3A_99 : memref<10000x128xf32, #tpu.memory_space<vmem_shared>>)
        tpu.yield
      }) : () -> ()
      %add3A_79 = arith.constant 2 : i32
      %add3A_80 = arith.addi %add3A_72, %add3A_79 : i32
      %dma_start3A_81 = arith.constant 0 : i32
      %dma_start3A_82 = tpu.memref_slice %arg6[%add3A_80, %dma_start3A_81] : memref<125x80xi32, #tpu.memory_space<vmem>> -> memref<1x80xi32, #tpu.memory_space<vmem>>
      %dma_start3A_83 = tpu.memref_squeeze %dma_start3A_82 : memref<1x80xi32, #tpu.memory_space<vmem>> -> memref<80xi32, #tpu.memory_space<vmem>>
      %dma_start3A_84 = arith.constant 0 : i32
      %dma_start3A_85 = arith.constant 0 : i32
      %dma_start3A_86 = tpu.memref_slice %arg2[%dma_start3A_84, %dma_start3A_85] : memref<10000x128xf32, #tpu.memory_space<hbm>> -> memref<10000x128xf32, #tpu.memory_space<hbm>>
      tpu.enqueue_indirect_dma source(%dma_start3A_86 : memref<10000x128xf32, #tpu.memory_space<hbm>>) target(%arg10 : memref<80x128xf32, #tpu.memory_space<vmem>>) offsets(%dma_start3A_83 : memref<80xi32, #tpu.memory_space<vmem>>) semaphore(%arg12 : memref<!tpu.dma_semaphore, #tpu.memory_space<semaphore_mem>>)
    }
    %scan3A_28 = arith.constant 24 : i32
    "tpu.region"() ({
      %run_scoped3A_51 = tpu.sem_alloc : memref<!tpu.dma_semaphore, #tpu.memory_space<semaphore_mem>>
      %dma_start3A_52 = arith.constant 0 : i32
      %dma_start3A_53 = arith.constant 0 : i32
      %dma_start3A_54 = tpu.memref_slice %arg7[%dma_start3A_52, %dma_start3A_53] : memref<80x80xi32, #tpu.memory_space<vmem>> -> memref<77x80xi32, #tpu.memory_space<vmem>>
      %dma_start3A_55 = arith.constant 48 : i32
      %dma_start3A_56 = arith.constant 0 : i32
      %dma_start3A_57 = tpu.memref_slice %arg4[%arg0, %arg1, %dma_start3A_55, %dma_start3A_56] : memref<2x16x125x80xi32, #tpu.memory_space<hbm>> -> memref<1x1x77x80xi32, #tpu.memory_space<hbm>>
      %dma_start3A_58 = tpu.memref_squeeze %dma_start3A_57 : memref<1x1x77x80xi32, #tpu.memory_space<hbm>> -> memref<77x80xi32, #tpu.memory_space<hbm>>
      %dma_start3A_59 = arith.constant 0 : i32
      %dma_start3A_60 = arith.constant 0 : i32
      %dma_start3A_61 = tpu.memref_slice %arg7[%dma_start3A_59, %dma_start3A_60] : memref<80x80xi32, #tpu.memory_space<vmem>> -> memref<77x80xi32, #tpu.memory_space<vmem>>
      %dma_start3A_62 = arith.constant 48 : i32
      %dma_start3A_63 = arith.constant 0 : i32
      %dma_start3A_64 = tpu.memref_slice %arg4[%arg0, %arg1, %dma_start3A_62, %dma_start3A_63] : memref<2x16x125x80xi32, #tpu.memory_space<hbm>> -> memref<1x1x77x80xi32, #tpu.memory_space<hbm>>
      %dma_start3A_65 = tpu.memref_squeeze %dma_start3A_64 : memref<1x1x77x80xi32, #tpu.memory_space<hbm>> -> memref<77x80xi32, #tpu.memory_space<hbm>>
      tpu.enqueue_dma source(%dma_start3A_65 : memref<77x80xi32, #tpu.memory_space<hbm>>) target(%dma_start3A_61 : memref<77x80xi32, #tpu.memory_space<vmem>>) target_semaphore(%run_scoped3A_51 : memref<!tpu.dma_semaphore, #tpu.memory_space<semaphore_mem>>)
      %dma_wait3A_66 = arith.constant 0 : i32
      %dma_wait3A_67 = arith.constant 0 : i32
      %dma_wait3A_68 = tpu.memref_slice %arg7[%dma_wait3A_66, %dma_wait3A_67] : memref<80x80xi32, #tpu.memory_space<vmem>> -> memref<77x80xi32, #tpu.memory_space<vmem>>
      %dma_wait3A_69 = arith.constant 48 : i32
      %dma_wait3A_70 = arith.constant 0 : i32
      %dma_wait3A_71 = tpu.memref_slice %arg4[%arg0, %arg1, %dma_wait3A_69, %dma_wait3A_70] : memref<2x16x125x80xi32, #tpu.memory_space<hbm>> -> memref<1x1x77x80xi32, #tpu.memory_space<hbm>>
      %dma_wait3A_72 = tpu.memref_squeeze %dma_wait3A_71 : memref<1x1x77x80xi32, #tpu.memory_space<hbm>> -> memref<77x80xi32, #tpu.memory_space<hbm>>
      %dma_wait3A_73 = arith.constant 0 : i32
      %dma_wait3A_74 = arith.constant 0 : i32
      %dma_wait3A_75 = tpu.memref_slice %arg7[%dma_wait3A_73, %dma_wait3A_74] : memref<80x80xi32, #tpu.memory_space<vmem>> -> memref<77x80xi32, #tpu.memory_space<vmem>>
      %dma_wait3A_76 = arith.constant 48 : i32
      %dma_wait3A_77 = arith.constant 0 : i32
      %dma_wait3A_78 = tpu.memref_slice %arg4[%arg0, %arg1, %dma_wait3A_76, %dma_wait3A_77] : memref<2x16x125x80xi32, #tpu.memory_space<hbm>> -> memref<1x1x77x80xi32, #tpu.memory_space<hbm>>
      %dma_wait3A_79 = tpu.memref_squeeze %dma_wait3A_78 : memref<1x1x77x80xi32, #tpu.memory_space<hbm>> -> memref<77x80xi32, #tpu.memory_space<hbm>>
      tpu.wait_dma2 semaphore(%run_scoped3A_51 : memref<!tpu.dma_semaphore, #tpu.memory_space<semaphore_mem>>) src(%dma_wait3A_79 : memref<77x80xi32, #tpu.memory_space<hbm>>) dst(%dma_wait3A_75 : memref<77x80xi32, #tpu.memory_space<vmem>>)
      tpu.yield
    }) : () -> ()
    %scan3A_29 = arith.constant 0 : i32
    %scan3A_30 = arith.constant 38 : i32
    %scan3A_31 = arith.addi %scan3A_29, %scan3A_30 : i32
    %scan3A_32 = arith.constant 1 : i32
    scf.for %scan3A_51 = %scan3A_29 to %scan3A_31 step %scan3A_32  : i32 {
      %mul3A_52 = arith.constant 2 : i32
      %mul3A_53 = arith.muli %scan3A_51, %mul3A_52 : i32
      %add3A = arith.constant 48 : i32
      %add3A_54 = arith.addi %add3A, %mul3A_53 : i32
      %add3A_55 = arith.constant 0 : i32
      %add3A_56 = arith.addi %add3A_54, %add3A_55 : i32
      %dma_wait3A_57 = arith.constant 0 : i32
      %dma_wait3A_58 = tpu.memref_slice %arg6[%add3A_56, %dma_wait3A_57] : memref<125x80xi32, #tpu.memory_space<vmem>> -> memref<1x80xi32, #tpu.memory_space<vmem>>
      %dma_wait3A_59 = tpu.memref_squeeze %dma_wait3A_58 : memref<1x80xi32, #tpu.memory_space<vmem>> -> memref<80xi32, #tpu.memory_space<vmem>>
      %dma_wait3A_60 = arith.constant 0 : i32
      %dma_wait3A_61 = arith.constant 0 : i32
      %dma_wait3A_62 = tpu.memref_slice %arg2[%dma_wait3A_60, %dma_wait3A_61] : memref<10000x128xf32, #tpu.memory_space<hbm>> -> memref<10000x128xf32, #tpu.memory_space<hbm>>
      tpu.wait_indirect_dma semaphore(%arg11 : memref<!tpu.dma_semaphore, #tpu.memory_space<semaphore_mem>>) src(%dma_wait3A_62 : memref<10000x128xf32, #tpu.memory_space<hbm>>) dst(%arg9 : memref<80x128xf32, #tpu.memory_space<vmem>>)
      %sub3A = arith.constant 48 : i32
      %sub3A_63 = arith.subi %add3A_56, %sub3A : i32
      "tpu.region"() ({
        %run_scoped3A_88 = tpu.sem_alloc : memref<!tpu.dma_semaphore, #tpu.memory_space<semaphore_mem>>
        %dma_start3A_89 = arith.constant 0 : i32
        %dma_start3A_90 = tpu.memref_slice %arg7[%sub3A_63, %dma_start3A_89] : memref<80x80xi32, #tpu.memory_space<vmem>> -> memref<1x80xi32, #tpu.memory_space<vmem>>
        %dma_start3A_91 = tpu.memref_squeeze %dma_start3A_90 : memref<1x80xi32, #tpu.memory_space<vmem>> -> memref<80xi32, #tpu.memory_space<vmem>>
        %dma_start3A_92 = arith.constant 0 : i32
        %dma_start3A_93 = arith.constant 0 : i32
        %dma_start3A_94 = tpu.memref_slice %arg8[%dma_start3A_92, %dma_start3A_93] : memref<10000x128xf32, #tpu.memory_space<vmem_shared>> -> memref<10000x128xf32, #tpu.memory_space<vmem_shared>>
        tpu.enqueue_indirect_dma source(%arg9 : memref<80x128xf32, #tpu.memory_space<vmem>>) target(%dma_start3A_94 : memref<10000x128xf32, #tpu.memory_space<vmem_shared>>) offsets(%dma_start3A_91 : memref<80xi32, #tpu.memory_space<vmem>>) semaphore(%run_scoped3A_88 : memref<!tpu.dma_semaphore, #tpu.memory_space<semaphore_mem>>) {add = true}
        %dma_wait3A_95 = arith.constant 0 : i32
        %dma_wait3A_96 = tpu.memref_slice %arg7[%sub3A_63, %dma_wait3A_95] : memref<80x80xi32, #tpu.memory_space<vmem>> -> memref<1x80xi32, #tpu.memory_space<vmem>>
        %dma_wait3A_97 = tpu.memref_squeeze %dma_wait3A_96 : memref<1x80xi32, #tpu.memory_space<vmem>> -> memref<80xi32, #tpu.memory_space<vmem>>
        %dma_wait3A_98 = arith.constant 0 : i32
        %dma_wait3A_99 = arith.constant 0 : i32
        %dma_wait3A_100 = tpu.memref_slice %arg8[%dma_wait3A_98, %dma_wait3A_99] : memref<10000x128xf32, #tpu.memory_space<vmem_shared>> -> memref<10000x128xf32, #tpu.memory_space<vmem_shared>>
        tpu.wait_indirect_dma semaphore(%run_scoped3A_88 : memref<!tpu.dma_semaphore, #tpu.memory_space<semaphore_mem>>) src(%arg9 : memref<80x128xf32, #tpu.memory_space<vmem>>) dst(%dma_wait3A_100 : memref<10000x128xf32, #tpu.memory_space<vmem_shared>>)
        tpu.yield
      }) : () -> ()
      %add3A_64 = arith.constant 2 : i32
      %add3A_65 = arith.addi %add3A_56, %add3A_64 : i32
      %lt3A_66 = arith.constant 125 : i32
      %lt3A_67 = arith.cmpi slt, %add3A_65, %lt3A_66 : i32
      %convert_element_type3A_68 = arith.extui %lt3A_67 : i1 to i32
      %cond3A_69 = arith.constant 0 : i32
      %cond3A_70 = arith.cmpi ne, %convert_element_type3A_68, %cond3A_69 : i32
      scf.if %cond3A_70 {
        %add3A_88 = arith.constant 2 : i32
        %add3A_89 = arith.addi %add3A_56, %add3A_88 : i32
        %dma_start3A_90 = arith.constant 0 : i32
        %dma_start3A_91 = tpu.memref_slice %arg6[%add3A_89, %dma_start3A_90] : memref<125x80xi32, #tpu.memory_space<vmem>> -> memref<1x80xi32, #tpu.memory_space<vmem>>
        %dma_start3A_92 = tpu.memref_squeeze %dma_start3A_91 : memref<1x80xi32, #tpu.memory_space<vmem>> -> memref<80xi32, #tpu.memory_space<vmem>>
        %dma_start3A_93 = arith.constant 0 : i32
        %dma_start3A_94 = arith.constant 0 : i32
        %dma_start3A_95 = tpu.memref_slice %arg2[%dma_start3A_93, %dma_start3A_94] : memref<10000x128xf32, #tpu.memory_space<hbm>> -> memref<10000x128xf32, #tpu.memory_space<hbm>>
        tpu.enqueue_indirect_dma source(%dma_start3A_95 : memref<10000x128xf32, #tpu.memory_space<hbm>>) target(%arg9 : memref<80x128xf32, #tpu.memory_space<vmem>>) offsets(%dma_start3A_92 : memref<80xi32, #tpu.memory_space<vmem>>) semaphore(%arg11 : memref<!tpu.dma_semaphore, #tpu.memory_space<semaphore_mem>>)
      } else {
      }
      %add3A_71 = arith.constant 1 : i32
      %add3A_72 = arith.addi %add3A_54, %add3A_71 : i32
      %dma_wait3A_73 = arith.constant 0 : i32
      %dma_wait3A_74 = tpu.memref_slice %arg6[%add3A_72, %dma_wait3A_73] : memref<125x80xi32, #tpu.memory_space<vmem>> -> memref<1x80xi32, #tpu.memory_space<vmem>>
      %dma_wait3A_75 = tpu.memref_squeeze %dma_wait3A_74 : memref<1x80xi32, #tpu.memory_space<vmem>> -> memref<80xi32, #tpu.memory_space<vmem>>
      %dma_wait3A_76 = arith.constant 0 : i32
      %dma_wait3A_77 = arith.constant 0 : i32
      %dma_wait3A_78 = tpu.memref_slice %arg2[%dma_wait3A_76, %dma_wait3A_77] : memref<10000x128xf32, #tpu.memory_space<hbm>> -> memref<10000x128xf32, #tpu.memory_space<hbm>>
      tpu.wait_indirect_dma semaphore(%arg12 : memref<!tpu.dma_semaphore, #tpu.memory_space<semaphore_mem>>) src(%dma_wait3A_78 : memref<10000x128xf32, #tpu.memory_space<hbm>>) dst(%arg10 : memref<80x128xf32, #tpu.memory_space<vmem>>)
      %sub3A_79 = arith.constant 48 : i32
      %sub3A_80 = arith.subi %add3A_72, %sub3A_79 : i32
      "tpu.region"() ({
        %run_scoped3A_88 = tpu.sem_alloc : memref<!tpu.dma_semaphore, #tpu.memory_space<semaphore_mem>>
        %dma_start3A_89 = arith.constant 0 : i32
        %dma_start3A_90 = tpu.memref_slice %arg7[%sub3A_80, %dma_start3A_89] : memref<80x80xi32, #tpu.memory_space<vmem>> -> memref<1x80xi32, #tpu.memory_space<vmem>>
        %dma_start3A_91 = tpu.memref_squeeze %dma_start3A_90 : memref<1x80xi32, #tpu.memory_space<vmem>> -> memref<80xi32, #tpu.memory_space<vmem>>
        %dma_start3A_92 = arith.constant 0 : i32
        %dma_start3A_93 = arith.constant 0 : i32
        %dma_start3A_94 = tpu.memref_slice %arg8[%dma_start3A_92, %dma_start3A_93] : memref<10000x128xf32, #tpu.memory_space<vmem_shared>> -> memref<10000x128xf32, #tpu.memory_space<vmem_shared>>
        tpu.enqueue_indirect_dma source(%arg10 : memref<80x128xf32, #tpu.memory_space<vmem>>) target(%dma_start3A_94 : memref<10000x128xf32, #tpu.memory_space<vmem_shared>>) offsets(%dma_start3A_91 : memref<80xi32, #tpu.memory_space<vmem>>) semaphore(%run_scoped3A_88 : memref<!tpu.dma_semaphore, #tpu.memory_space<semaphore_mem>>) {add = true}
        %dma_wait3A_95 = arith.constant 0 : i32
        %dma_wait3A_96 = tpu.memref_slice %arg7[%sub3A_80, %dma_wait3A_95] : memref<80x80xi32, #tpu.memory_space<vmem>> -> memref<1x80xi32, #tpu.memory_space<vmem>>
        %dma_wait3A_97 = tpu.memref_squeeze %dma_wait3A_96 : memref<1x80xi32, #tpu.memory_space<vmem>> -> memref<80xi32, #tpu.memory_space<vmem>>
        %dma_wait3A_98 = arith.constant 0 : i32
        %dma_wait3A_99 = arith.constant 0 : i32
        %dma_wait3A_100 = tpu.memref_slice %arg8[%dma_wait3A_98, %dma_wait3A_99] : memref<10000x128xf32, #tpu.memory_space<vmem_shared>> -> memref<10000x128xf32, #tpu.memory_space<vmem_shared>>
        tpu.wait_indirect_dma semaphore(%run_scoped3A_88 : memref<!tpu.dma_semaphore, #tpu.memory_space<semaphore_mem>>) src(%arg10 : memref<80x128xf32, #tpu.memory_space<vmem>>) dst(%dma_wait3A_100 : memref<10000x128xf32, #tpu.memory_space<vmem_shared>>)
        tpu.yield
      }) : () -> ()
      %add3A_81 = arith.constant 2 : i32
      %add3A_82 = arith.addi %add3A_72, %add3A_81 : i32
      %lt3A_83 = arith.constant 125 : i32
      %lt3A_84 = arith.cmpi slt, %add3A_82, %lt3A_83 : i32
      %convert_element_type3A_85 = arith.extui %lt3A_84 : i1 to i32
      %cond3A_86 = arith.constant 0 : i32
      %cond3A_87 = arith.cmpi ne, %convert_element_type3A_85, %cond3A_86 : i32
      scf.if %cond3A_87 {
        %add3A_88 = arith.constant 2 : i32
        %add3A_89 = arith.addi %add3A_72, %add3A_88 : i32
        %dma_start3A_90 = arith.constant 0 : i32
        %dma_start3A_91 = tpu.memref_slice %arg6[%add3A_89, %dma_start3A_90] : memref<125x80xi32, #tpu.memory_space<vmem>> -> memref<1x80xi32, #tpu.memory_space<vmem>>
        %dma_start3A_92 = tpu.memref_squeeze %dma_start3A_91 : memref<1x80xi32, #tpu.memory_space<vmem>> -> memref<80xi32, #tpu.memory_space<vmem>>
        %dma_start3A_93 = arith.constant 0 : i32
        %dma_start3A_94 = arith.constant 0 : i32
        %dma_start3A_95 = tpu.memref_slice %arg2[%dma_start3A_93, %dma_start3A_94] : memref<10000x128xf32, #tpu.memory_space<hbm>> -> memref<10000x128xf32, #tpu.memory_space<hbm>>
        tpu.enqueue_indirect_dma source(%dma_start3A_95 : memref<10000x128xf32, #tpu.memory_space<hbm>>) target(%arg10 : memref<80x128xf32, #tpu.memory_space<vmem>>) offsets(%dma_start3A_92 : memref<80xi32, #tpu.memory_space<vmem>>) semaphore(%arg12 : memref<!tpu.dma_semaphore, #tpu.memory_space<semaphore_mem>>)
      } else {
      }
    }
    %scan3A_33 = arith.constant 38 : i32
    %dma_wait3A = arith.constant 124 : i32
    %dma_wait3A_34 = arith.constant 0 : i32
    %dma_wait3A_35 = tpu.memref_slice %arg6[%dma_wait3A, %dma_wait3A_34] : memref<125x80xi32, #tpu.memory_space<vmem>> -> memref<1x80xi32, #tpu.memory_space<vmem>>
    %dma_wait3A_36 = tpu.memref_squeeze %dma_wait3A_35 : memref<1x80xi32, #tpu.memory_space<vmem>> -> memref<80xi32, #tpu.memory_space<vmem>>
    %dma_wait3A_37 = arith.constant 0 : i32
    %dma_wait3A_38 = arith.constant 0 : i32
    %dma_wait3A_39 = tpu.memref_slice %arg2[%dma_wait3A_37, %dma_wait3A_38] : memref<10000x128xf32, #tpu.memory_space<hbm>> -> memref<10000x128xf32, #tpu.memory_space<hbm>>
    tpu.wait_indirect_dma semaphore(%arg11 : memref<!tpu.dma_semaphore, #tpu.memory_space<semaphore_mem>>) src(%dma_wait3A_39 : memref<10000x128xf32, #tpu.memory_space<hbm>>) dst(%arg9 : memref<80x128xf32, #tpu.memory_space<vmem>>)
    %run_scoped3A = arith.constant 76 : i32
    "tpu.region"() ({
      %run_scoped3A_51 = tpu.sem_alloc : memref<!tpu.dma_semaphore, #tpu.memory_space<semaphore_mem>>
      %dma_start3A_52 = arith.constant 0 : i32
      %dma_start3A_53 = tpu.memref_slice %arg7[%run_scoped3A, %dma_start3A_52] : memref<80x80xi32, #tpu.memory_space<vmem>> -> memref<1x80xi32, #tpu.memory_space<vmem>>
      %dma_start3A_54 = tpu.memref_squeeze %dma_start3A_53 : memref<1x80xi32, #tpu.memory_space<vmem>> -> memref<80xi32, #tpu.memory_space<vmem>>
      %dma_start3A_55 = arith.constant 0 : i32
      %dma_start3A_56 = arith.constant 0 : i32
      %dma_start3A_57 = tpu.memref_slice %arg8[%dma_start3A_55, %dma_start3A_56] : memref<10000x128xf32, #tpu.memory_space<vmem_shared>> -> memref<10000x128xf32, #tpu.memory_space<vmem_shared>>
      tpu.enqueue_indirect_dma source(%arg9 : memref<80x128xf32, #tpu.memory_space<vmem>>) target(%dma_start3A_57 : memref<10000x128xf32, #tpu.memory_space<vmem_shared>>) offsets(%dma_start3A_54 : memref<80xi32, #tpu.memory_space<vmem>>) semaphore(%run_scoped3A_51 : memref<!tpu.dma_semaphore, #tpu.memory_space<semaphore_mem>>) {add = true}
      %dma_wait3A_58 = arith.constant 0 : i32
      %dma_wait3A_59 = tpu.memref_slice %arg7[%run_scoped3A, %dma_wait3A_58] : memref<80x80xi32, #tpu.memory_space<vmem>> -> memref<1x80xi32, #tpu.memory_space<vmem>>
      %dma_wait3A_60 = tpu.memref_squeeze %dma_wait3A_59 : memref<1x80xi32, #tpu.memory_space<vmem>> -> memref<80xi32, #tpu.memory_space<vmem>>
      %dma_wait3A_61 = arith.constant 0 : i32
      %dma_wait3A_62 = arith.constant 0 : i32
      %dma_wait3A_63 = tpu.memref_slice %arg8[%dma_wait3A_61, %dma_wait3A_62] : memref<10000x128xf32, #tpu.memory_space<vmem_shared>> -> memref<10000x128xf32, #tpu.memory_space<vmem_shared>>
      tpu.wait_indirect_dma semaphore(%run_scoped3A_51 : memref<!tpu.dma_semaphore, #tpu.memory_space<semaphore_mem>>) src(%arg9 : memref<80x128xf32, #tpu.memory_space<vmem>>) dst(%dma_wait3A_63 : memref<10000x128xf32, #tpu.memory_space<vmem_shared>>)
      tpu.yield
    }) : () -> ()
    %barrier3A_40 = arith.constant 0 : index
    tpu.barrier barrier_id(%barrier3A_40)
    %lt3A_41 = arith.constant 15 : i32
    %lt3A_42 = arith.cmpi slt, %arg1, %lt3A_41 : i32
    %convert_element_type3A_43 = arith.extui %lt3A_42 : i1 to i32
    %cond3A_44 = arith.constant 0 : i32
    %cond3A_45 = arith.cmpi ne, %convert_element_type3A_43, %cond3A_44 : i32
    scf.if %cond3A_45 {
      "tpu.region"() ({
        %run_scoped3A_51 = tpu.sem_alloc : memref<!tpu.dma_semaphore, #tpu.memory_space<semaphore_mem>>
        %dma_start3A_52 = arith.constant 0 : i32
        %dma_start3A_53 = tpu.memref_slice %arg5[%arg0, %mul3A_0, %dma_start3A_52] : memref<2x10000x128xf32, #tpu.memory_space<hbm>> -> memref<1x632x128xf32, #tpu.memory_space<hbm>>
        %dma_start3A_54 = tpu.memref_squeeze %dma_start3A_53 : memref<1x632x128xf32, #tpu.memory_space<hbm>> -> memref<632x128xf32, #tpu.memory_space<hbm>>
        %dma_start3A_55 = arith.constant 0 : i32
        %dma_start3A_56 = tpu.memref_slice %arg8[%mul3A_0, %dma_start3A_55] : memref<10000x128xf32, #tpu.memory_space<vmem_shared>> -> memref<632x128xf32, #tpu.memory_space<vmem_shared>>
        tpu.enqueue_dma source(%dma_start3A_56 : memref<632x128xf32, #tpu.memory_space<vmem_shared>>) target(%dma_start3A_54 : memref<632x128xf32, #tpu.memory_space<hbm>>) target_semaphore(%run_scoped3A_51 : memref<!tpu.dma_semaphore, #tpu.memory_space<semaphore_mem>>)
        %dma_wait3A_57 = arith.constant 0 : i32
        %dma_wait3A_58 = tpu.memref_slice %arg5[%arg0, %mul3A_0, %dma_wait3A_57] : memref<2x10000x128xf32, #tpu.memory_space<hbm>> -> memref<1x632x128xf32, #tpu.memory_space<hbm>>
        %dma_wait3A_59 = tpu.memref_squeeze %dma_wait3A_58 : memref<1x632x128xf32, #tpu.memory_space<hbm>> -> memref<632x128xf32, #tpu.memory_space<hbm>>
        %dma_wait3A_60 = arith.constant 0 : i32
        %dma_wait3A_61 = tpu.memref_slice %arg8[%mul3A_0, %dma_wait3A_60] : memref<10000x128xf32, #tpu.memory_space<vmem_shared>> -> memref<632x128xf32, #tpu.memory_space<vmem_shared>>
        tpu.wait_dma2 semaphore(%run_scoped3A_51 : memref<!tpu.dma_semaphore, #tpu.memory_space<semaphore_mem>>) src(%dma_wait3A_61 : memref<632x128xf32, #tpu.memory_space<vmem_shared>>) dst(%dma_wait3A_59 : memref<632x128xf32, #tpu.memory_space<hbm>>)
        tpu.yield
      }) : () -> ()
    } else {
    }
    %eq3A_46 = arith.constant 15 : i32
    %eq3A_47 = arith.cmpi eq, %arg1, %eq3A_46 : i32
    %convert_element_type3A_48 = arith.extui %eq3A_47 : i1 to i32
    %cond3A_49 = arith.constant 0 : i32
    %cond3A_50 = arith.cmpi ne, %convert_element_type3A_48, %cond3A_49 : i32
    scf.if %cond3A_50 {
      "tpu.region"() ({
        %run_scoped3A_51 = tpu.sem_alloc : memref<!tpu.dma_semaphore, #tpu.memory_space<semaphore_mem>>
        %dma_start3A_52 = arith.constant 9480 : i32
        %dma_start3A_53 = arith.constant 0 : i32
        %dma_start3A_54 = tpu.memref_slice %arg5[%arg0, %dma_start3A_52, %dma_start3A_53] : memref<2x10000x128xf32, #tpu.memory_space<hbm>> -> memref<1x520x128xf32, #tpu.memory_space<hbm>>
        %dma_start3A_55 = tpu.memref_squeeze %dma_start3A_54 : memref<1x520x128xf32, #tpu.memory_space<hbm>> -> memref<520x128xf32, #tpu.memory_space<hbm>>
        %dma_start3A_56 = arith.constant 9480 : i32
        %dma_start3A_57 = arith.constant 0 : i32
        %dma_start3A_58 = tpu.memref_slice %arg8[%dma_start3A_56, %dma_start3A_57] : memref<10000x128xf32, #tpu.memory_space<vmem_shared>> -> memref<520x128xf32, #tpu.memory_space<vmem_shared>>
        tpu.enqueue_dma source(%dma_start3A_58 : memref<520x128xf32, #tpu.memory_space<vmem_shared>>) target(%dma_start3A_55 : memref<520x128xf32, #tpu.memory_space<hbm>>) target_semaphore(%run_scoped3A_51 : memref<!tpu.dma_semaphore, #tpu.memory_space<semaphore_mem>>)
        %dma_wait3A_59 = arith.constant 9480 : i32
        %dma_wait3A_60 = arith.constant 0 : i32
        %dma_wait3A_61 = tpu.memref_slice %arg5[%arg0, %dma_wait3A_59, %dma_wait3A_60] : memref<2x10000x128xf32, #tpu.memory_space<hbm>> -> memref<1x520x128xf32, #tpu.memory_space<hbm>>
        %dma_wait3A_62 = tpu.memref_squeeze %dma_wait3A_61 : memref<1x520x128xf32, #tpu.memory_space<hbm>> -> memref<520x128xf32, #tpu.memory_space<hbm>>
        %dma_wait3A_63 = arith.constant 9480 : i32
        %dma_wait3A_64 = arith.constant 0 : i32
        %dma_wait3A_65 = tpu.memref_slice %arg8[%dma_wait3A_63, %dma_wait3A_64] : memref<10000x128xf32, #tpu.memory_space<vmem_shared>> -> memref<520x128xf32, #tpu.memory_space<vmem_shared>>
        tpu.wait_dma2 semaphore(%run_scoped3A_51 : memref<!tpu.dma_semaphore, #tpu.memory_space<semaphore_mem>>) src(%dma_wait3A_65 : memref<520x128xf32, #tpu.memory_space<vmem_shared>>) dst(%dma_wait3A_62 : memref<520x128xf32, #tpu.memory_space<hbm>>)
        tpu.yield
      }) : () -> ()
    } else {
    }
    return
  }
}

module attributes {stable_mosaic.version = 14 : i64} {
  func.func @_self_body(%arg0: i32, %arg1: memref<1000x128xf32, #tpu.memory_space<vmem>>, %arg2: memref<128x128xf32, #tpu.memory_space<vmem>>, %arg3: memref<1x128xf32, #tpu.memory_space<vmem>>, %arg4: memref<1000x128xf32, #tpu.memory_space<vmem>>) attributes {dimension_semantics = [#tpu.dimension_semantics<arbitrary>], iteration_bounds = array<i64: 10>, scalar_prefetch = 0 : i64, scratch_operands = 0 : i64, tpu.core_type = #tpu.core_type<tc>, window_params = [{transform_indices = @transform_0, window_bounds = array<i64: 1000, 128>}, {pipeline_mode = #tpu.pipeline_mode<synchronous>, transform_indices = @transform_1, window_bounds = array<i64: 128, 128>}, {pipeline_mode = #tpu.pipeline_mode<synchronous>, transform_indices = @transform_2, window_bounds = array<i64: 1, 128>}, {transform_indices = @transform_3, window_bounds = array<i64: 1000, 128>}]} {
    %get3A = arith.constant 0 : index
    %get3A_0 = arith.constant 0 : index
    %get3A_1 = vector.load %arg1[%get3A, %get3A_0] : memref<1000x128xf32, #tpu.memory_space<vmem>>, vector<1000x128xf32>
    %get3A_2 = arith.constant 0 : index
    %get3A_3 = arith.constant 0 : index
    %get3A_4 = vector.load %arg2[%get3A_2, %get3A_3] : memref<128x128xf32, #tpu.memory_space<vmem>>, vector<128x128xf32>
    %dot_general3A = arith.constant dense<0.000000e+00> : vector<1000x128xf32>
    %dot_general3A_5 = tpu.matmul %get3A_1, %get3A_4, %dot_general3A {dimension_numbers = #tpu.dot_dimension_numbers<[1], [0], [0], [1], [0, 0, 1, 1], [], []>, transpose_lhs_hint = false} : vector<1000x128xf32>, vector<128x128xf32>, vector<1000x128xf32> -> vector<1000x128xf32>
    %get3A_6 = arith.constant 0 : index
    %get3A_7 = arith.constant 0 : index
    %get3A_8 = vector.load %arg3[%get3A_6, %get3A_7] : memref<1x128xf32, #tpu.memory_space<vmem>>, vector<1x128xf32>
    %add3A = vector.broadcast %get3A_8 : vector<1x128xf32> to vector<1000x128xf32>
    %add3A_9 = arith.addf %dot_general3A_5, %add3A : vector<1000x128xf32>
    %swap3A = arith.constant 0 : index
    %swap3A_10 = arith.constant 0 : index
    %swap3A_11 = vector.load %arg4[%swap3A, %swap3A_10] : memref<1000x128xf32, #tpu.memory_space<vmem>>, vector<1000x128xf32>
    tpu.vector_store %arg4[%swap3A, %swap3A_10], %add3A_9 {strides = array<i32>} : memref<1000x128xf32, #tpu.memory_space<vmem>>, vector<1000x128xf32>,
    return
  }
  func.func @transform_0(%arg0: i32) -> (i32, i32) {
    %c0_i32 = arith.constant 0 : i32
    %c0_i32_0 = arith.constant 0 : i32
    return %arg0, %c0_i32 : i32, i32
  }
  func.func @transform_1(%arg0: i32) -> (i32, i32) {
    %c0_i32 = arith.constant 0 : i32
    %c0_i32_0 = arith.constant 0 : i32
    %c0_i32_1 = arith.constant 0 : i32
    return %c0_i32, %c0_i32_0 : i32, i32
  }
  func.func @transform_2(%arg0: i32) -> (i32, i32) {
    %c0_i32 = arith.constant 0 : i32
    %c0_i32_0 = arith.constant 0 : i32
    %c0_i32_1 = arith.constant 0 : i32
    return %c0_i32, %c0_i32_0 : i32, i32
  }
  func.func @transform_3(%arg0: i32) -> (i32, i32) {
    %c0_i32 = arith.constant 0 : i32
    %c0_i32_0 = arith.constant 0 : i32
    return %arg0, %c0_i32 : i32, i32
  }
}

module attributes {stable_mosaic.version = 14 : i64} {
  func.func @_combine0_body(%arg0: i32, %arg1: memref<2x1000x64xf32, #tpu.memory_space<vmem>>, %arg2: memref<2x1000x16xf32, #tpu.memory_space<vmem>>, %arg3: memref<1000x128xf32, #tpu.memory_space<vmem>>, %arg4: memref<128x128xf32, #tpu.memory_space<vmem>>, %arg5: memref<1000x128xf32, #tpu.memory_space<vmem>>) attributes {dimension_semantics = [#tpu.dimension_semantics<arbitrary>], iteration_bounds = array<i64: 10>, scalar_prefetch = 0 : i64, scratch_operands = 0 : i64, tpu.core_type = #tpu.core_type<tc>, window_params = [{transform_indices = @transform_0, window_bounds = array<i64: 2, 1000, 64>}, {transform_indices = @transform_1, window_bounds = array<i64: 2, 1000, 16>}, {transform_indices = @transform_2, window_bounds = array<i64: 1000, 128>}, {pipeline_mode = #tpu.pipeline_mode<synchronous>, transform_indices = @transform_3, window_bounds = array<i64: 128, 128>}, {transform_indices = @transform_4, window_bounds = array<i64: 1000, 128>}]} {
    %get3A = arith.constant 0 : index
    %get3A_0 = arith.constant 0 : index
    %get3A_1 = arith.constant 0 : index
    %get3A_2 = vector.load %arg1[%get3A, %get3A_0, %get3A_1] : memref<2x1000x64xf32, #tpu.memory_space<vmem>>, vector<1x1000x64xf32>
    %get3A_3 = vector.shape_cast %get3A_2 : vector<1x1000x64xf32> to vector<1000x64xf32>
    %get3A_4 = arith.constant 1 : index
    %get3A_5 = arith.constant 0 : index
    %get3A_6 = arith.constant 0 : index
    %get3A_7 = vector.load %arg1[%get3A_4, %get3A_5, %get3A_6] : memref<2x1000x64xf32, #tpu.memory_space<vmem>>, vector<1x1000x64xf32>
    %get3A_8 = vector.shape_cast %get3A_7 : vector<1x1000x64xf32> to vector<1000x64xf32>
    %concatenate3A = tpu.concatenate %get3A_3, %get3A_8 in 1 : vector<1000x64xf32>, vector<1000x64xf32> -> vector<1000x128xf32>
    %get3A_9 = arith.constant 0 : index
    %get3A_10 = arith.constant 0 : index
    %get3A_11 = arith.constant 0 : index
    %get3A_12 = vector.load %arg2[%get3A_9, %get3A_10, %get3A_11] : memref<2x1000x16xf32, #tpu.memory_space<vmem>>, vector<1x1000x1xf32>
    %get3A_13 = vector.shape_cast %get3A_12 : vector<1x1000x1xf32> to vector<1000x1xf32>
    %get3A_14 = arith.constant 1 : index
    %get3A_15 = arith.constant 0 : index
    %get3A_16 = arith.constant 0 : index
    %get3A_17 = vector.load %arg2[%get3A_14, %get3A_15, %get3A_16] : memref<2x1000x16xf32, #tpu.memory_space<vmem>>, vector<1x1000x1xf32>
    %get3A_18 = vector.shape_cast %get3A_17 : vector<1x1000x1xf32> to vector<1000x1xf32>
    %add3A = arith.addf %get3A_13, %get3A_18 : vector<1000x1xf32>
    %max3A = arith.constant 1.000000e+00 : f32
    %max3A_19 = vector.broadcast %max3A : f32 to vector<1000x1xf32>
    %max3A_20 = arith.maximumf %add3A, %max3A_19 : vector<1000x1xf32>
    %div3A = vector.broadcast %max3A_20 : vector<1000x1xf32> to vector<1000x128xf32>
    %div3A_21 = arith.divf %concatenate3A, %div3A : vector<1000x128xf32>
    %get3A_22 = arith.constant 0 : index
    %get3A_23 = arith.constant 0 : index
    %get3A_24 = vector.load %arg4[%get3A_22, %get3A_23] : memref<128x128xf32, #tpu.memory_space<vmem>>, vector<128x128xf32>
    %dot_general3A = arith.constant dense<0.000000e+00> : vector<1000x128xf32>
    %dot_general3A_25 = tpu.matmul %div3A_21, %get3A_24, %dot_general3A {dimension_numbers = #tpu.dot_dimension_numbers<[1], [0], [0], [1], [0, 0, 1, 1], [], []>, transpose_lhs_hint = false} : vector<1000x128xf32>, vector<128x128xf32>, vector<1000x128xf32> -> vector<1000x128xf32>
    %get3A_26 = arith.constant 0 : index
    %get3A_27 = arith.constant 0 : index
    %get3A_28 = vector.load %arg3[%get3A_26, %get3A_27] : memref<1000x128xf32, #tpu.memory_space<vmem>>, vector<1000x128xf32>
    %add3A_29 = arith.addf %dot_general3A_25, %get3A_28 : vector<1000x128xf32>
    %max3A_30 = arith.constant 0.000000e+00 : f32
    %max3A_31 = vector.broadcast %max3A_30 : f32 to vector<1000x128xf32>
    %max3A_32 = arith.maximumf %add3A_29, %max3A_31 : vector<1000x128xf32>
    %swap3A = arith.constant 0 : index
    %swap3A_33 = arith.constant 0 : index
    %swap3A_34 = vector.load %arg5[%swap3A, %swap3A_33] : memref<1000x128xf32, #tpu.memory_space<vmem>>, vector<1000x128xf32>
    tpu.vector_store %arg5[%swap3A, %swap3A_33], %max3A_32 {strides = array<i32>} : memref<1000x128xf32, #tpu.memory_space<vmem>>, vector<1000x128xf32>,
    return
  }
  func.func @transform_0(%arg0: i32) -> (i32, i32, i32) {
    %c0_i32 = arith.constant 0 : i32
    %c0_i32_0 = arith.constant 0 : i32
    %c0_i32_1 = arith.constant 0 : i32
    return %c0_i32, %arg0, %c0_i32_0 : i32, i32, i32
  }
  func.func @transform_1(%arg0: i32) -> (i32, i32, i32) {
    %c0_i32 = arith.constant 0 : i32
    %c0_i32_0 = arith.constant 0 : i32
    %c0_i32_1 = arith.constant 0 : i32
    return %c0_i32, %arg0, %c0_i32_0 : i32, i32, i32
  }
  func.func @transform_2(%arg0: i32) -> (i32, i32) {
    %c0_i32 = arith.constant 0 : i32
    %c0_i32_0 = arith.constant 0 : i32
    return %arg0, %c0_i32 : i32, i32
  }
  func.func @transform_3(%arg0: i32) -> (i32, i32) {
    %c0_i32 = arith.constant 0 : i32
    %c0_i32_0 = arith.constant 0 : i32
    %c0_i32_1 = arith.constant 0 : i32
    return %c0_i32, %c0_i32_0 : i32, i32
  }
  func.func @transform_4(%arg0: i32) -> (i32, i32) {
    %c0_i32 = arith.constant 0 : i32
    %c0_i32_0 = arith.constant 0 : i32
    return %arg0, %c0_i32 : i32, i32
  }
}

module attributes {stable_mosaic.version = 14 : i64} {
  func.func @_combine1_body(%arg0: i32, %arg1: memref<2x1000x128xf32, #tpu.memory_space<vmem>>, %arg2: memref<2x1000x16xf32, #tpu.memory_space<vmem>>, %arg3: memref<1000x128xf32, #tpu.memory_space<vmem>>, %arg4: memref<128x128xf32, #tpu.memory_space<vmem>>, %arg5: memref<128x64xf32, #tpu.memory_space<vmem>>, %arg6: memref<128x8xf32, #tpu.memory_space<vmem>>, %arg7: memref<1000x64xf32, #tpu.memory_space<vmem>>) attributes {dimension_semantics = [#tpu.dimension_semantics<arbitrary>], iteration_bounds = array<i64: 10>, scalar_prefetch = 0 : i64, scratch_operands = 0 : i64, tpu.core_type = #tpu.core_type<tc>, window_params = [{transform_indices = @transform_0, window_bounds = array<i64: 2, 1000, 128>}, {transform_indices = @transform_1, window_bounds = array<i64: 2, 1000, 16>}, {transform_indices = @transform_2, window_bounds = array<i64: 1000, 128>}, {pipeline_mode = #tpu.pipeline_mode<synchronous>, transform_indices = @transform_3, window_bounds = array<i64: 128, 128>}, {pipeline_mode = #tpu.pipeline_mode<synchronous>, transform_indices = @transform_4, window_bounds = array<i64: 128, 64>}, {pipeline_mode = #tpu.pipeline_mode<synchronous>, transform_indices = @transform_5, window_bounds = array<i64: 128, 8>}, {transform_indices = @transform_6, window_bounds = array<i64: 1000, 64>}]} {
    %get3A = arith.constant 0 : index
    %get3A_0 = arith.constant 0 : index
    %get3A_1 = arith.constant 0 : index
    %get3A_2 = vector.load %arg1[%get3A, %get3A_0, %get3A_1] : memref<2x1000x128xf32, #tpu.memory_space<vmem>>, vector<1x1000x128xf32>
    %get3A_3 = vector.shape_cast %get3A_2 : vector<1x1000x128xf32> to vector<1000x128xf32>
    %get3A_4 = arith.constant 1 : index
    %get3A_5 = arith.constant 0 : index
    %get3A_6 = arith.constant 0 : index
    %get3A_7 = vector.load %arg1[%get3A_4, %get3A_5, %get3A_6] : memref<2x1000x128xf32, #tpu.memory_space<vmem>>, vector<1x1000x128xf32>
    %get3A_8 = vector.shape_cast %get3A_7 : vector<1x1000x128xf32> to vector<1000x128xf32>
    %add3A = arith.addf %get3A_3, %get3A_8 : vector<1000x128xf32>
    %get3A_9 = arith.constant 0 : index
    %get3A_10 = arith.constant 0 : index
    %get3A_11 = arith.constant 0 : index
    %get3A_12 = vector.load %arg2[%get3A_9, %get3A_10, %get3A_11] : memref<2x1000x16xf32, #tpu.memory_space<vmem>>, vector<1x1000x1xf32>
    %get3A_13 = vector.shape_cast %get3A_12 : vector<1x1000x1xf32> to vector<1000x1xf32>
    %get3A_14 = arith.constant 1 : index
    %get3A_15 = arith.constant 0 : index
    %get3A_16 = arith.constant 0 : index
    %get3A_17 = vector.load %arg2[%get3A_14, %get3A_15, %get3A_16] : memref<2x1000x16xf32, #tpu.memory_space<vmem>>, vector<1x1000x1xf32>
    %get3A_18 = vector.shape_cast %get3A_17 : vector<1x1000x1xf32> to vector<1000x1xf32>
    %add3A_19 = arith.addf %get3A_13, %get3A_18 : vector<1000x1xf32>
    %max3A = arith.constant 1.000000e+00 : f32
    %max3A_20 = vector.broadcast %max3A : f32 to vector<1000x1xf32>
    %max3A_21 = arith.maximumf %add3A_19, %max3A_20 : vector<1000x1xf32>
    %div3A = vector.broadcast %max3A_21 : vector<1000x1xf32> to vector<1000x128xf32>
    %div3A_22 = arith.divf %add3A, %div3A : vector<1000x128xf32>
    %get3A_23 = arith.constant 0 : index
    %get3A_24 = arith.constant 0 : index
    %get3A_25 = vector.load %arg4[%get3A_23, %get3A_24] : memref<128x128xf32, #tpu.memory_space<vmem>>, vector<128x128xf32>
    %dot_general3A = arith.constant dense<0.000000e+00> : vector<1000x128xf32>
    %dot_general3A_26 = tpu.matmul %div3A_22, %get3A_25, %dot_general3A {dimension_numbers = #tpu.dot_dimension_numbers<[1], [0], [0], [1], [0, 0, 1, 1], [], []>, transpose_lhs_hint = false} : vector<1000x128xf32>, vector<128x128xf32>, vector<1000x128xf32> -> vector<1000x128xf32>
    %get3A_27 = arith.constant 0 : index
    %get3A_28 = arith.constant 0 : index
    %get3A_29 = vector.load %arg3[%get3A_27, %get3A_28] : memref<1000x128xf32, #tpu.memory_space<vmem>>, vector<1000x128xf32>
    %add3A_30 = arith.addf %dot_general3A_26, %get3A_29 : vector<1000x128xf32>
    %get3A_31 = arith.constant 0 : index
    %get3A_32 = arith.constant 0 : index
    %get3A_33 = vector.load %arg5[%get3A_31, %get3A_32] : memref<128x64xf32, #tpu.memory_space<vmem>>, vector<128x64xf32>
    %dot_general3A_34 = arith.constant dense<0.000000e+00> : vector<1000x64xf32>
    %dot_general3A_35 = tpu.matmul %add3A_30, %get3A_33, %dot_general3A_34 {dimension_numbers = #tpu.dot_dimension_numbers<[1], [0], [0], [1], [0, 0, 1, 1], [], []>, transpose_lhs_hint = false} : vector<1000x128xf32>, vector<128x64xf32>, vector<1000x64xf32> -> vector<1000x64xf32>
    %mul3A = arith.mulf %add3A_30, %add3A_30 : vector<1000x128xf32>
    %get3A_36 = arith.constant 0 : index
    %get3A_37 = arith.constant 0 : index
    %get3A_38 = vector.load %arg6[%get3A_36, %get3A_37] : memref<128x8xf32, #tpu.memory_space<vmem>>, vector<128x8xf32>
    %dot_general3A_39 = arith.constant dense<0.000000e+00> : vector<1000x8xf32>
    %dot_general3A_40 = tpu.matmul %mul3A, %get3A_38, %dot_general3A_39 {dimension_numbers = #tpu.dot_dimension_numbers<[1], [0], [0], [1], [0, 0, 1, 1], [], []>, precision = #tpu.contract_precision<fp32>, transpose_lhs_hint = false} : vector<1000x128xf32>, vector<128x8xf32>, vector<1000x8xf32> -> vector<1000x8xf32>
    %slice3A = vector.extract_strided_slice %dot_general3A_40 {offsets = [0, 0], sizes = [1000, 1], strides = [1, 1]} : vector<1000x8xf32> to vector<1000x1xf32>
    %sqrt3A = math.sqrt %slice3A : vector<1000x1xf32>
    %max3A_41 = arith.constant 9.99999996E-13 : f32
    %max3A_42 = vector.broadcast %max3A_41 : f32 to vector<1000x1xf32>
    %max3A_43 = arith.maximumf %sqrt3A, %max3A_42 : vector<1000x1xf32>
    %div3A_44 = vector.broadcast %max3A_43 : vector<1000x1xf32> to vector<1000x64xf32>
    %div3A_45 = arith.divf %dot_general3A_35, %div3A_44 : vector<1000x64xf32>
    %swap3A = arith.constant 0 : index
    %swap3A_46 = arith.constant 0 : index
    %swap3A_47 = vector.load %arg7[%swap3A, %swap3A_46] : memref<1000x64xf32, #tpu.memory_space<vmem>>, vector<1000x64xf32>
    tpu.vector_store %arg7[%swap3A, %swap3A_46], %div3A_45 {strides = array<i32>} : memref<1000x64xf32, #tpu.memory_space<vmem>>, vector<1000x64xf32>,
    return
  }
  func.func @transform_0(%arg0: i32) -> (i32, i32, i32) {
    %c0_i32 = arith.constant 0 : i32
    %c0_i32_0 = arith.constant 0 : i32
    %c0_i32_1 = arith.constant 0 : i32
    return %c0_i32, %arg0, %c0_i32_0 : i32, i32, i32
  }
  func.func @transform_1(%arg0: i32) -> (i32, i32, i32) {
    %c0_i32 = arith.constant 0 : i32
    %c0_i32_0 = arith.constant 0 : i32
    %c0_i32_1 = arith.constant 0 : i32
    return %c0_i32, %arg0, %c0_i32_0 : i32, i32, i32
  }
  func.func @transform_2(%arg0: i32) -> (i32, i32) {
    %c0_i32 = arith.constant 0 : i32
    %c0_i32_0 = arith.constant 0 : i32
    return %arg0, %c0_i32 : i32, i32
  }
  func.func @transform_3(%arg0: i32) -> (i32, i32) {
    %c0_i32 = arith.constant 0 : i32
    %c0_i32_0 = arith.constant 0 : i32
    %c0_i32_1 = arith.constant 0 : i32
    return %c0_i32, %c0_i32_0 : i32, i32
  }
  func.func @transform_4(%arg0: i32) -> (i32, i32) {
    %c0_i32 = arith.constant 0 : i32
    %c0_i32_0 = arith.constant 0 : i32
    %c0_i32_1 = arith.constant 0 : i32
    return %c0_i32, %c0_i32_0 : i32, i32
  }
  func.func @transform_5(%arg0: i32) -> (i32, i32) {
    %c0_i32 = arith.constant 0 : i32
    %c0_i32_0 = arith.constant 0 : i32
    %c0_i32_1 = arith.constant 0 : i32
    return %c0_i32, %c0_i32_0 : i32, i32
  }
  func.func @transform_6(%arg0: i32) -> (i32, i32) {
    %c0_i32 = arith.constant 0 : i32
    %c0_i32_0 = arith.constant 0 : i32
    return %arg0, %c0_i32 : i32, i32
  }
}

</mosaic_0001>

<sc_bundles>
// kernel: kernel.11.cloned.1.call-start
scs
__scs_entry_jumppad:
0x0: {  	(pc) =	sbr.rel $0x88, $3  }
0x1: {  	(tag) =	ssettag $0x0;
	lr =	simm.s32 $0x1  }
0x2: {  	[smem:$0x3F98] =	sst lr;
	_ =	strace $0xD0000000  }
0x3: {  	_ = 	snop  }
0x4: {  	_ = 	snop  }
0x5: {  	_ = 	snop  }
0x6: {  	_ = 	snop  }
0x7: {  	_ = 	snop  }
__scs_overlays_trampoline_lowered:
0x8: {  	[smem:$0x3FA7] =	sst s0  }
0x9: {  	[smem:$0x3FA8] =	sst s1  }
0xa: {  	[smem:$0x3FA9] =	sst s2  }
0xb: {  	[smem:$0x3FAA] =	sst s3  }
0xc: {  	[smem:$0x3FAB] =	sst s4  }
0xd: {  	[smem:$0x3FAC] =	sst s5  }
0xe: {  	[smem:$0x3FAD] =	sst s6  }
0xf: {  	[smem:$0x3FAE] =	sst s7  }
0x10: {  	[smem:$0x3FAF] =	sst s8  }
0x11: {  	[smem:$0x3FB0] =	sst s9;
	s0 =	simm.s32 @!p0 $0x0  }
0x12: {  	s1 =	sld [smem:$0x3F96];
	s0 =	simm.s32 @p0 $0x1  }
0x13: {  	[smem:$0x3FB1] =	sst s0;
	s0 =	simm.s32 @!p1 $0x0  }
0x14: {  	s2 =	sld [smem:$0x3F95];
	s0 =	simm.s32 @p1 $0x1  }
0x15: {  	[smem:$0x3FB2] =	sst s0;
	s0 =	simm.s32 @!p2 $0x0  }
0x16: {  	s3 =	sld [smem:$0x3FDB];
	s0 =	simm.s32 @p2 $0x1  }
0x17: {  	s4 =	simm.s32 $0x1BF5;
	[smem:$0x3FB4] =	sst s0  }
0x18: {  	s0 =	sld [smem:$0x3F97];
	_ =	swait.ge [sflag:s4], $0x0  }
0x19: {  	s7 =	sld [smem:$0x3F98]  }
0x1a: {  	s8 =	sadd.s32 $0xFFFFE003, lr  }
0x1b: {  	s9 =	sadd.s32 $0xFFFFFEF7, lr;
	s5 =	simm.s32 $0xFFFFFFFF;
	p2 =	slt.u32 s8, $0xFFFFF086  }
0x1c: {  	p1 =	slt.u32 s9, $0xF7A;
	s5 =	simm.s32 @!p2 $0x0  }
0x1d: {  	s5 =	simm.s32 @p1 $0x1;
	p0 =	seq.s32 s7, s2  }
0x1e: {  	s7 =	smul.u32 @!p0 $0xF7A, s2;
	p2 =	seq.s32 @!p0 s5, $0x0  }
0x1f: {  	s9 =	smul.u32 $0xF7A, s1;
	s8 =	simm.s32 @!p0 $0x1BF5;
	p2 =	por !p2, p0  }
0x20: {  	[sflag:s8] =	ssyncset.s32 @!p0 $0xFFFFF086;
	s6 =	sadd.s32 @!p0 s3, s7;
	s7 =	simm.s32 @!p0 $0x108  }
0x21: {  	s3 =	sadd.s32 s3, s9;
	s6 =	sadd.s32 @!p0 $0x88, s6;
	s7 =	simm.s32 @p2 $0x1082  }
0x22: {  	[simem:s7], [sflag:s8] =	dma.local @!p0 [hbm:s6], $0xF7A  }
0x23: {  	s9 =	sor.u32 $0xD0000000, s2;
	s6 =	simm.s32 $0x108;
	_ =	swait.ge @!p0 [sflag:s8], $0x0  }
0x24: {  	s3 =	sadd.s32 $0x88, s3;
	s6 =	simm.s32 @!p1 $0x1082;
	[sflag:s4] =	ssyncset.s32 $0xFFFFF086  }
0x25: {  	[simem:s6], [sflag:s4] =	dma.local [hbm:s3], $0xF7A  }
0x26: {  	[smem:$0x3F98] =	sst s1;
	(tag) =	ssettag s2;
	_ =	strace s9  }
0x27: {  	s1 =	sld [smem:$0x3FA8]  }
0x28: {  	s2 =	sld [smem:$0x3FA9]  }
0x29: {  	s4 =	sld [smem:$0x3FAB]  }
0x2a: {  	p0 =	seq.s32 s5, $0x0;
	s5 =	sld [smem:$0x3FAC]  }
0x2b: {  	s6 =	sld [smem:$0x3FAD]  }
0x2c: {  	s7 =	sld [smem:$0x3FAE]  }
0x2d: {  	s3 =	simm.s32 $0x108;
	s8 =	sld [smem:$0x3FAF]  }
0x2e: {  	s3 =	simm.s32 @!p0 $0x1082;
	s9 =	sld [smem:$0x3FB0]  }
0x2f: {  	lr =	sadd.s32 s0, s3;
	s0 =	sld [smem:$0x3FA7]  }
0x30: {  	s3 =	sld [smem:$0x3FAA]  }
0x31: {  	[smem:$0x3FB3] =	sst s10  }
0x32: {  	s10 =	sld [smem:$0x3FB1];
	_ =	sdelay $0x3  }
0x33: {  	p0 =	seq.s32 s10, $0x1;
	s10 =	sld [smem:$0x3FB3];
	_ =	sdelay $0x3  }
0x34: {  	[smem:$0x3FB3] =	sst s10  }
0x35: {  	s10 =	sld [smem:$0x3FB2];
	_ =	sdelay $0x3  }
0x36: {  	p1 =	seq.s32 s10, $0x1;
	s10 =	sld [smem:$0x3FB3];
	_ =	sdelay $0x3  }
0x37: {  	[smem:$0x3FB3] =	sst s10  }
0x38: {  	s10 =	sld [smem:$0x3FB4]  }
0x39: {  	_ = 	snop;
	(pc) =	sbr.ind lr, $3  }
0x3a: {  	_ = 	snop  }
0x3b: {  	_ = 	snop  }
0x3c: {  	p2 =	seq.s32 s10, $0x1;
	s10 =	sld [smem:$0x3FB3]  }
0x3d: {  	_ =	shalt  }
0x3e: {  	_ =	shalt  }
0x3f: {  	_ =	shalt  }
0x40: {  	_ =	shalt  }
0x41: {  	_ =	shalt  }
0x42: {  	_ =	shalt  }
0x43: {  	_ =	shalt  }
0x44: {  	_ =	shalt  }
0x45: {  	_ =	shalt  }
0x46: {  	_ =	shalt  }
0x47: {  	_ =	shalt  }
0x48: {  	_ =	shalt  }
0x49: {  	_ =	shalt  }
0x4a: {  	_ =	shalt  }
0x4b: {  	_ =	shalt  }
0x4c: {  	_ =	shalt  }
0x4d: {  	_ =	shalt  }
0x4e: {  	_ =	shalt  }
0x4f: {  	_ =	shalt  }
0x50: {  	_ =	shalt  }
0x51: {  	_ =	shalt  }
0x52: {  	_ =	shalt  }
0x53: {  	_ =	shalt  }
0x54: {  	_ =	shalt  }
0x55: {  	_ =	shalt  }
0x56: {  	_ =	shalt  }
0x57: {  	_ =	shalt  }
0x58: {  	_ =	shalt  }
0x59: {  	_ =	shalt  }
0x5a: {  	_ =	shalt  }
0x5b: {  	_ =	shalt  }
0x5c: {  	_ =	shalt  }
0x5d: {  	_ =	shalt  }
0x5e: {  	_ =	shalt  }
0x5f: {  	_ =	shalt  }
0x60: {  	_ =	shalt  }
0x61: {  	_ =	shalt  }
0x62: {  	_ =	shalt  }
0x63: {  	_ =	shalt  }
0x64: {  	_ =	shalt  }
0x65: {  	_ =	shalt  }
0x66: {  	_ =	shalt  }
0x67: {  	_ =	shalt  }
0x68: {  	_ =	shalt  }
0x69: {  	_ =	shalt  }
0x6a: {  	_ =	shalt  }
0x6b: {  	_ =	shalt  }
0x6c: {  	_ =	shalt  }
0x6d: {  	_ =	shalt  }
0x6e: {  	_ =	shalt  }
0x6f: {  	_ =	shalt  }
0x70: {  	_ =	shalt  }
0x71: {  	_ =	shalt  }
0x72: {  	_ =	shalt  }
0x73: {  	_ =	shalt  }
0x74: {  	_ =	shalt  }
0x75: {  	_ =	shalt  }
0x76: {  	_ =	shalt  }
0x77: {  	_ =	shalt  }
0x78: {  	_ =	shalt  }
0x79: {  	_ =	shalt  }
0x7a: {  	_ =	shalt  }
0x7b: {  	_ =	shalt  }
0x7c: {  	_ =	shalt  }
0x7d: {  	_ =	shalt  }
0x7e: {  	_ =	shalt  }
0x7f: {  	_ =	shalt  }
0x80: {  	_ =	shalt  }
0x81: {  	_ =	shalt  }
0x82: {  	_ =	shalt  }
0x83: {  	_ =	shalt  }
0x84: {  	_ =	shalt  }
0x85: {  	_ =	shalt  }
0x86: {  	_ =	shalt  }
0x87: {  	_ =	shalt  }
.Lfunc_end0:
.L_simem_size_0:
called_computation.1_lowered:
.L_overlay_start_0:
0x88: {  	s2 =	sld [smem:$0x3FD9]  }
0x89: {  	s3 =	sld [smem:$0x3FFE];
	_ =	sdelay $0x1  }
0x8a: {  	s1 =	srdreg.scid  }
0x8b: {  	s0 =	sand.u32 $0x1, s1  }
0x8c: {  	s17 =	sshll.u32 s0, $0xA;
	s2 =	sadd.s32 s3, s2  }
0x8d: {  	s2 =	sadd.s32 s2, s17  }
0x8e: {  	[smem:$0x3FBF] =	sst s2  }
0x8f: {  	_ = 	snop  }
0x90: {  	s2 =	sld [smem:$0x3FD0];
	(tm) =	ssettm $0x1  }
0x91: {  	s18 =	sld [smem:$0x3FFB];
	_ =	sdelay $0x3  }
0x92: {  	_ =	strace s18  }
0x93: {  	s3 =	sld [smem:$0x3FFC];
	_ =	sdelay $0x3  }
0x94: {  	_ =	strace s3  }
0x95: {  	s3 =	sld [smem:$0x3FFD];
	_ =	sdelay $0x3  }
0x96: {  	_ =	strace s3  }
0x97: {  	_ =	strace $0x8FFFFFFF  }
0x98: {  	s19 =	sld [smem:$0x3FDB];
	_ =	sdelay $0x1  }
0x99: {  	s4 =	simm.s32 $_scs_section_size  }
0x9a: {  	s5 =	simm.s32 $_size__tile_overlayer_lowered;
	s6 =	simm.s32 $_tile_overlayer_lowered  }
0x9b: {  	s22 =	simm.s32 $0x1BFF;
	s21 =	sshll.u32 s6, $0x1;
	s3 =	sadd.s32 s4, s19  }
0x9c: {  	s7 =	simm.s32 $0x0;
	s20 =	sshll.u32 s5, $0x1;
	s5 =	sadd.s32 s21, s3  }
0x9d: {  	[timem:s7], [sflag:s22] =	dma.local [hbm:s5], s20  }
0x9e: {  	_ =	swait.ge [sflag:s22], s20  }
0x9f: {  	s4 =	ssub.s32 $0x0, s20;
	[sflag:s22] =	ssyncset.done $0x0  }
0xa0: {  	[sflag:s22] =	ssyncadd.s32 s4;
	_ =	sdelay $0x1  }
0xa1: {  	s23 =	simm.s32 $0x1B8B  }
0xa2: {  	_ =	swait.ge [sflag:s23], $0x1  }
0xa3: {  	[sflag:s23] =	ssyncset.done $0x0  }
0xa4: {  	s25 =	simm.s32 $0x1B8E;
	s24 =	sld [smem:$0x3FFE];
	[sflag:s23] =	ssyncadd.s32 $0xFFFFFFFF  }
0xa5: {  	s26 =	simm.s32 $execute0_lowered;
	[smem:$0x3FD2] =	sst s25  }
0xa6: {  	s5 =	sshll.u32 s26, $0x1;
	_ =	strace $0x80000049;
	[dreg:$0x1] =	wrdreg $0xFFFFFFFF  }
0xa7: {  	s28 =	simm.s32 $_size_execute0_lowered;
	s3 =	sadd.s32 s3, s5;
	[dreg:$0x0] =	wrdreg $0x0  }
0xa8: {  	s5 =	sshll.u32 s28, $0x1;
	[dreg:$0x2] =	wrdreg s3  }
0xa9: {  	[dreg:$0x3] =	wrdreg s5  }
0xaa: {  	[dreg:$0x4] =	wrdreg $0xC0  }
0xab: {  	_ =	task [dreg:s7], $0x5FFFF  }
0xac: {  	[dreg:$0x1] =	wrdreg $0xFFFFFFFF  }
0xad: {  	[dreg:$0x0] =	wrdreg $0x60  }
0xae: {  	[dreg:$0x2] =	wrdreg s24  }
0xaf: {  	[dreg:$0x3] =	wrdreg s2  }
0xb0: {  	[dreg:$0x4] =	wrdreg $0x68000  }
0xb1: {  	[dreg:$0x5] =	wrdreg $0x9  }
0xb2: {  	_ =	task.clear_ibuf [dreg:s7], $0x6FFFF;
	_ =	strace $0x90000049  }
0xb3: {  	s29 =	simm.s32 $0x9;
	_ =	strace $0x8000004B  }
0xb4: {  	_ =	swait.ge [sflag:s29], $0x1  }
0xb5: {  	[sflag:s29] =	ssyncadd.s32 $0xFFFFFFFF  }
0xb6: {  	_ =	strace $0x9000004B  }
0xb7: {  	_ =	sfence  }
0xb8: {  	s30 =	sld [smem:$0x0];
	_ =	sdelay $0x2  }
0xb9: {  	s31 =	sshll.u32 s1, $0xD;
	s1 =	sshrl.u32 s1, $0x2  }
0xba: {  	s3 =	sand.u32 $0x4000, s31;
	s1 =	sadd.s32 s1, s30  }
0xbb: {  	s0 =	sor.u32 s3, s0;
	s1 =	sshll.u32 s1, $0x11  }
0xbc: {  	s0 =	sor.u32 s1, s0  }
0xbd: {  	s0 =	sadd.s32 $0x8F2B, s0  }
0xbe: {  	[sflag:s0] =	ssyncadd.remote.s32 $0x1  }
0xbf: {  	_ =	sfence.sel $0xFFFF  }
0xc0: {  	[dreg:$0x0] =	wrdreg $0xFFFFFFFF;
	(pc) =	sbr.abs _section_cstart, $3  }
0xc1: {  	[dreg:$0x1] =	wrdreg $0xFFFFFFFF  }
0xc2: {  	_ =	task.clear_ibuf [dreg:s7], $0x2FFFF;
	_ =	strace $0x9FFFFFFF  }
0xc3: {  	(tm) =	ssettm $0x7FFFFFFF  }
tec
execute0_lowered:
.L_overlay_start_1:
0x0: {  	(tag) =	ssettag $0x1  }
0x1: {  	s0 =	rddreg [dreg:$0x0]  }
0x2: {  	s1 =	rddreg [dreg:$0x1]  }
0x3: {  	s2 =	rddreg [dreg:$0x2];
	s3 =	simm.s32 $0x0  }
0x4: {  	s4 =	srdreg.scid;
	s26 =	stileid.u32;
	s28 =	simm.s32 $0x4000  }
0x5: {  	s29 =	simm.s32 $0x50;
	s30 =	simm.s32 $0x1A080;
	[smem:$0x7FF] =	sst s3  }
0x6: {  	s6 =	sand.u32 $0x1, s4;
	s5 =	smul.u32 $0x4F000, s26;
	s8 =	sshll.u32 s26, $0xB  }
0x7: {  	s4 =	sadd.s32 $0x2200, s0;
	s13 =	sadd.s32 $0x128400, s2;
	s18 =	smul.u32 $0x13C00, s26  }
0x8: {  	s31 =	simm.s32 $0x2;
	s16 =	sadd.s32 $0x12FC00, s2;
	s17 =	sadd.s32 $0x132400, s2  }
0x9: {  	p0 =	seq.s32 s26, $0xF;
	s26 =	simm.s32 $0x3;
	_ =	strace $0x8000004A  }
0xa: {  	s7 =	sshll.u32 s6, $0xF;
	s14 =	ssub.s32 $0x2, s6;
	s6 =	smul.u32 $0x138800, s6  }
0xb: {  	s7 =	sor.u32 s8, s7;
	s5 =	sshrl.u32 s5, $0x2;
	s15 =	sshrl.u32 s14, $0x1  }
0xc: {  	s23 =	sadd.s32 s7, s0;
	s5 =	sadd.s32 s5, s2;
	s0 =	sadd.s32 $0xAF400, s0  }
0xd: {  	s25 =	ssub.s32 s14, s15;
	s14 =	sadd.s32 $0x12AC00, s2;
	s15 =	sadd.s32 $0x12D400, s2  }
0xe: {  	s24 =	sshrl.u32 s6, $0x3;
	s19 =	sadd.s32 $0x2800, s5;
	s20 =	sadd.s32 $0x5000, s5  }
0xf: {  	s21 =	sadd.s32 $0x7800, s5;
	s9 =	sadd.s32 $0xA000, s5;
	[dreg:$0x4] =	wrdreg s19  }
0x10: {  	s10 =	sadd.s32 $0xC800, s5;
	s11 =	sadd.s32 $0xF000, s5;
	[dreg:$0x5] =	wrdreg s20  }
0x11: {  	s12 =	sadd.s32 $0x11800, s5;
	s25 =	smax.u32 s25, $0x1;
	[dreg:$0x6] =	wrdreg s21  }
0x12: {  	s20 =	sadd.s32 s18, s6;
	s18 =	sadd.s32 $0x134C00, s2;
	s19 =	sadd.s32 s1, s7  }
0x13: {  	s1 =	simm.s32 $0x1;
	s22 =	sshrl.u32 s20, $0x3;
	s20 =	sadd.s32 $0x137400, s2  }
0x14: {  	s21 =	sadd.s32 s0, s22;
	s0 =	sadd.s32 s0, s24;
	s22 =	sadd.s32 $0x51200, s23  }
0x15: {  	v0 =	vimm.f32 $0.0e+00;
	s23 =	sadd.s32 $0x51500, s23;
	s24 =	sadd.s32 $0x25080, s0;
	s0 =	simm.s32 $0x1C880  }
.LBB2_1:
0x16: {  	s6 =	simm.s32 $0x70;
	s7 =	simm.s32 $0x3C0  }
.LBB2_2:
0x17: {  	p1 =	sne.s32 s7, $0x9FC0;
	[tilespmem:s6+$0x1A080] =	vst v0  }
0x18: {  	[tilespmem:s6+$0x1A010] =	vst v0  }
0x19: {  	[tilespmem:s6+$0x1A020] =	vst v0  }
.Ltmp0:
0x1a: {  	[tilespmem:s6+$0x1A030] =	vst v0;
	(pc) =	sbr.rel @p1 .LBB2_2-.Ltmp0, $4  }
0x1b: {  	[tilespmem:s6+$0x1A040] =	vst v0  }
0x1c: {  	[tilespmem:s6+$0x1A050] =	vst v0  }
0x1d: {  	[tilespmem:s6+$0x1A060] =	vst v0  }
0x1e: {  	[tilespmem:s6+$0x1A070] =	vst v0;
	s6 =	sshra.s32 s7, $0x2;
	s7 =	sadd.s32 $0x200, s7  }
0x1f: {  	[tilespmem:s6+$0x1A080] =	vst v0  }
0x20: {  	[tilespmem:s6+$0x1A010] =	vst v0  }
0x21: {  	[tilespmem:s6+$0x1A020] =	vst v0  }
0x22: {  	[tilespmem:s6+$0x1A030] =	vst v0  }
0x23: {  	[tilespmem:s6+$0x1A040] =	vst v0  }
0x24: {  	[tilespmem:s6+$0x1A050] =	vst v0  }
0x25: {  	[tilespmem:s6+$0x1A060] =	vst v0  }
0x26: {  	[tilespmem:s6+$0x1A070] =	vst v0;
	s6 =	simm.s32 @p0 $0x1A080;
	s7 =	simm.s32 @p0 $0x3  }
0x27: {  	[spmem:s13] =	stream.linear.scatter @p0 [tilespmem:s6], [sflag:$0x3], $0x2800, $0x38;
	[tilespmem:$0x1F080] =	vst v63  }
0x28: {  	_ =	swait.ge @p0 [sflag:s7], $0x2800  }
0x29: {  	[sflag:s7] =	ssyncset.done @p0 $0x0  }
0x2a: {  	[sflag:s7] =	ssyncadd.s32 @p0 $0xFFFFD800  }
0x2b: {  	[spmem:s14] =	stream.linear.scatter @p0 [tilespmem:s6], [sflag:$0x3], $0x2800, $0x38;
	[tilespmem:$0x1F080] =	vst v63  }
0x2c: {  	_ =	swait.ge @p0 [sflag:s7], $0x2800  }
0x2d: {  	[sflag:s7] =	ssyncset.done @p0 $0x0  }
0x2e: {  	[sflag:s7] =	ssyncadd.s32 @p0 $0xFFFFD800  }
0x2f: {  	[spmem:s15] =	stream.linear.scatter @p0 [tilespmem:s6], [sflag:$0x3], $0x2800, $0x38;
	[tilespmem:$0x1F080] =	vst v63  }
0x30: {  	_ =	swait.ge @p0 [sflag:s7], $0x2800  }
0x31: {  	[sflag:s7] =	ssyncset.done @p0 $0x0  }
0x32: {  	[sflag:s7] =	ssyncadd.s32 @p0 $0xFFFFD800  }
0x33: {  	[spmem:s16] =	stream.linear.scatter @p0 [tilespmem:s6], [sflag:$0x3], $0x2800, $0x38;
	[tilespmem:$0x1F080] =	vst v63  }
0x34: {  	_ =	swait.ge @p0 [sflag:s7], $0x2800  }
0x35: {  	[sflag:s7] =	ssyncset.done @p0 $0x0  }
0x36: {  	[sflag:s7] =	ssyncadd.s32 @p0 $0xFFFFD800  }
0x37: {  	[spmem:s17] =	stream.linear.scatter @p0 [tilespmem:s6], [sflag:$0x3], $0x2800, $0x38;
	[tilespmem:$0x1F080] =	vst v63  }
0x38: {  	_ =	swait.ge @p0 [sflag:s7], $0x2800  }
0x39: {  	[sflag:s7] =	ssyncset.done @p0 $0x0  }
0x3a: {  	[sflag:s7] =	ssyncadd.s32 @p0 $0xFFFFD800  }
0x3b: {  	[spmem:s18] =	stream.linear.scatter @p0 [tilespmem:s6], [sflag:$0x3], $0x2800, $0x38;
	[tilespmem:$0x1F080] =	vst v63  }
0x3c: {  	_ =	swait.ge @p0 [sflag:s7], $0x2800  }
0x3d: {  	[sflag:s7] =	ssyncset.done @p0 $0x0  }
0x3e: {  	[sflag:s7] =	ssyncadd.s32 @p0 $0xFFFFD800  }
0x3f: {  	[spmem:s20] =	stream.linear.scatter @p0 [tilespmem:s6], [sflag:$0x3], $0x1400, $0x38;
	[tilespmem:$0x1F080] =	vst v63  }
0x40: {  	_ =	swait.ge @p0 [sflag:s7], $0x1400  }
0x41: {  	[sflag:s7] =	ssyncset.done @p0 $0x0  }
0x42: {  	s6 =	simm.s32 @!p0 $0x1A080;
	[sflag:s7] =	ssyncadd.s32 @p0 $0xFFFFEC00;
	s7 =	simm.s32 @!p0 $0x3  }
0x43: {  	[spmem:s5] =	stream.linear.scatter @!p0 [tilespmem:s6], [sflag:$0x3], $0x2800, $0x38;
	[tilespmem:$0x1F080] =	vst v63  }
0x44: {  	_ =	swait.ge @!p0 [sflag:s7], $0x2800  }
0x45: {  	[sflag:s7] =	ssyncset.done @!p0 $0x0  }
0x46: {  	s8 =	rddreg [dreg:$0x4];
	[sflag:s7] =	ssyncadd.s32 @!p0 $0xFFFFD800  }
0x47: {  	[spmem:s8] =	stream.linear.scatter @!p0 [tilespmem:s6], [sflag:$0x3], $0x2800, $0x38;
	[tilespmem:$0x1F080] =	vst v63  }
0x48: {  	_ =	swait.ge @!p0 [sflag:s7], $0x2800  }
0x49: {  	[sflag:s7] =	ssyncset.done @!p0 $0x0  }
0x4a: {  	s8 =	rddreg [dreg:$0x5];
	[sflag:s7] =	ssyncadd.s32 @!p0 $0xFFFFD800  }
0x4b: {  	[spmem:s8] =	stream.linear.scatter @!p0 [tilespmem:s6], [sflag:$0x3], $0x2800, $0x38;
	[tilespmem:$0x1F080] =	vst v63  }
0x4c: {  	_ =	swait.ge @!p0 [sflag:s7], $0x2800  }
0x4d: {  	[sflag:s7] =	ssyncset.done @!p0 $0x0  }
0x4e: {  	s8 =	rddreg [dreg:$0x6];
	[sflag:s7] =	ssyncadd.s32 @!p0 $0xFFFFD800  }
0x4f: {  	[spmem:s8] =	stream.linear.scatter @!p0 [tilespmem:s6], [sflag:$0x3], $0x2800, $0x38;
	[tilespmem:$0x1F080] =	vst v63  }
0x50: {  	_ =	swait.ge @!p0 [sflag:s7], $0x2800  }
0x51: {  	[sflag:s7] =	ssyncset.done @!p0 $0x0  }
0x52: {  	[sflag:s7] =	ssyncadd.s32 @!p0 $0xFFFFD800  }
0x53: {  	[spmem:s9] =	stream.linear.scatter @!p0 [tilespmem:s6], [sflag:$0x3], $0x2800, $0x38;
	[tilespmem:$0x1F080] =	vst v63  }
0x54: {  	_ =	swait.ge @!p0 [sflag:s7], $0x2800  }
0x55: {  	[sflag:s7] =	ssyncset.done @!p0 $0x0  }
0x56: {  	[sflag:s7] =	ssyncadd.s32 @!p0 $0xFFFFD800  }
0x57: {  	[spmem:s10] =	stream.linear.scatter @!p0 [tilespmem:s6], [sflag:$0x3], $0x2800, $0x38;
	[tilespmem:$0x1F080] =	vst v63  }
0x58: {  	_ =	swait.ge @!p0 [sflag:s7], $0x2800  }
0x59: {  	[sflag:s7] =	ssyncset.done @!p0 $0x0  }
0x5a: {  	[sflag:s7] =	ssyncadd.s32 @!p0 $0xFFFFD800  }
0x5b: {  	[spmem:s11] =	stream.linear.scatter @!p0 [tilespmem:s6], [sflag:$0x3], $0x2800, $0x38;
	[tilespmem:$0x1F080] =	vst v63  }
0x5c: {  	_ =	swait.ge @!p0 [sflag:s7], $0x2800  }
0x5d: {  	[sflag:s7] =	ssyncset.done @!p0 $0x0  }
0x5e: {  	[sflag:s7] =	ssyncadd.s32 @!p0 $0xFFFFD800  }
0x5f: {  	[spmem:s12] =	stream.linear.scatter @!p0 [tilespmem:s6], [sflag:$0x3], $0x2400, $0x38;
	[tilespmem:$0x1F080] =	vst v63  }
0x60: {  	_ =	swait.ge @!p0 [sflag:s7], $0x2400  }
0x61: {  	[sflag:s7] =	ssyncset.done @!p0 $0x0  }
0x62: {  	s8 =	simm.s32 $0x0;
	[sflag:s7] =	ssyncadd.s32 @!p0 $0xFFFFDC00  }
0x63: {  	[tilespmem:s8], [sflag:$0x3] =	stream.linear.gather [hbm4b:s19+s8], $0x3E80, $0x38;
	[tilespmem:$0x1F080] =	vst v63  }
0x64: {  	_ =	swait.ge [sflag:s26], $0x3E80  }
0x65: {  	[sflag:s26] =	ssyncset.done $0x0  }
0x66: {  	[sflag:s26] =	ssyncadd.s32 $0xFFFFC180  }
0x67: {  	[tilespmem:s28], [sflag:$0x3] =	stream.linear.gather [hbm4b:s22+s8], $0x1800, $0x38;
	[tilespmem:$0x1F080] =	vst v63  }
0x68: {  	_ =	swait.ge [sflag:s26], $0x1800  }
0x69: {  	[sflag:s26] =	ssyncset.done $0x0  }
0x6a: {  	[sflag:s26] =	ssyncadd.s32 $0xFFFFE800  }
0x6b: {  	[bflag:$0x0] =	sbarrier.arrive $0xFFFF  }
0x6c: {  	[tilespmem:s30], [sflag:$0x1] =	stream.indirect.gather [hbm4b:s4+s29], $0x80, s8, s29, $0xb8;
	[tilespmem:$0x1F080] =	vst v63  }
0x6d: {  	s7 =	simm.s32 $0x80  }
0x6e: {  	[tilespmem:s0], [sflag:$0x2] =	stream.indirect.gather [hbm4b:s4+s29], $0x80, s7, s29, $0xb8;
	[tilespmem:$0x1F080] =	vst v63  }
0x6f: {  	_ =	swait.ge [sflag:s1], $0x2800  }
0x70: {  	[sflag:s1] =	ssyncset.done $0x0  }
0x71: {  	s8 =	simm.s32 $0x4000;
	[sflag:s1] =	ssyncadd.s32 $0xFFFFD800  }
0x72: {  	[spmem:s2] =	stream.indirect.scatter.add.f32 [tilespmem:s30], [sflag:$0x3], $0x80, s8, s29, $0xb8;
	[tilespmem:$0x1F080] =	vst v63  }
0x73: {  	_ =	swait.ge [sflag:s26], $0x2800  }
0x74: {  	[sflag:s26] =	ssyncset.done $0x0  }
0x75: {  	s7 =	simm.s32 $0x100;
	[sflag:s26] =	ssyncadd.s32 $0xFFFFD800  }
0x76: {  	[tilespmem:s30], [sflag:$0x1] =	stream.indirect.gather [hbm4b:s4+s29], $0x80, s7, s29, $0xb8;
	[tilespmem:$0x1F080] =	vst v63  }
0x77: {  	_ =	swait.ge [sflag:s31], $0x2800  }
0x78: {  	[sflag:s31] =	ssyncset.done $0x0  }
0x79: {  	s8 =	simm.s32 $0x4080;
	[sflag:s31] =	ssyncadd.s32 $0xFFFFD800  }
0x7a: {  	[spmem:s2] =	stream.indirect.scatter.add.f32 [tilespmem:s0], [sflag:$0x3], $0x80, s8, s29, $0xb8;
	[tilespmem:$0x1F080] =	vst v63  }
0x7b: {  	_ =	swait.ge [sflag:s26], $0x2800  }
0x7c: {  	[sflag:s26] =	ssyncset.done $0x0  }
0x7d: {  	s6 =	simm.s32 $0x400;
	s7 =	simm.s32 $0x180;
	[sflag:s26] =	ssyncadd.s32 $0xFFFFD800  }
.LBB2_4:
0x7e: {  	[tilespmem:s0], [sflag:$0x2] =	stream.indirect.gather [hbm4b:s4+s29], $0x80, s7, s29, $0xb8;
	[tilespmem:$0x1F080] =	vst v63  }
0x7f: {  	s7 =	smov.u32 s6  }
0x80: {  	p1 =	sne.s32 s6, $0x5C00;
	s6 =	sadd.s32 $0x400, s6;
	_ =	swait.ge [sflag:s1], $0x2800  }
0x81: {  	s7 =	sshra.s32 s7, $0x2;
	[sflag:s1] =	ssyncset.done $0x0  }
0x82: {  	s8 =	sadd.s32 $0x4000, s7;
	[sflag:s1] =	ssyncadd.s32 $0xFFFFD800  }
0x83: {  	[spmem:s2] =	stream.indirect.scatter.add.f32 [tilespmem:s30], [sflag:$0x3], $0x80, s8, s29, $0xb8;
	[tilespmem:$0x1F080] =	vst v63  }
0x84: {  	_ =	swait.ge [sflag:s26], $0x2800  }
0x85: {  	[sflag:s26] =	ssyncset.done $0x0  }
0x86: {  	s8 =	sadd.s32 $0x100, s7;
	[sflag:s26] =	ssyncadd.s32 $0xFFFFD800  }
0x87: {  	[tilespmem:s30], [sflag:$0x1] =	stream.indirect.gather [hbm4b:s4+s29], $0x80, s8, s29, $0xb8;
	[tilespmem:$0x1F080] =	vst v63  }
0x88: {  	_ =	swait.ge [sflag:s31], $0x2800  }
0x89: {  	[sflag:s31] =	ssyncset.done $0x0  }
.Ltmp1:
0x8a: {  	s8 =	sadd.s32 $0x4080, s7;
	[sflag:s31] =	ssyncadd.s32 $0xFFFFD800;
	(pc) =	sbr.rel @p1 .LBB2_4-.Ltmp1, $4  }
0x8b: {  	[spmem:s2] =	stream.indirect.scatter.add.f32 [tilespmem:s0], [sflag:$0x3], $0x80, s8, s29, $0xb8;
	[tilespmem:$0x1F080] =	vst v63  }
0x8c: {  	_ =	swait.ge [sflag:s26], $0x2800  }
0x8d: {  	[sflag:s26] =	ssyncset.done $0x0  }
0x8e: {  	s7 =	sadd.s32 $0x180, s7;
	[sflag:s26] =	ssyncadd.s32 $0xFFFFD800  }
0x8f: {  	[tilespmem:s0], [sflag:$0x2] =	stream.indirect.gather [hbm4b:s4+s29], $0x80, s7, s29, $0xb8;
	[tilespmem:$0x1F080] =	vst v63  }
0x90: {  	s6 =	simm.s32 $0x0  }
0x91: {  	[tilespmem:s28], [sflag:$0x3] =	stream.linear.gather [hbm4b:s23+s6], $0x2680, $0x38;
	[tilespmem:$0x1F080] =	vst v63  }
0x92: {  	_ =	swait.ge [sflag:s26], $0x2680  }
0x93: {  	[sflag:s26] =	ssyncset.done $0x0  }
0x94: {  	[sflag:s26] =	ssyncadd.s32 $0xFFFFD980  }
0x95: {  	_ =	swait.ge [sflag:s1], $0x2800  }
0x96: {  	[sflag:s1] =	ssyncset.done $0x0  }
0x97: {  	s8 =	simm.s32 $0x4000;
	[sflag:s1] =	ssyncadd.s32 $0xFFFFD800  }
0x98: {  	[spmem:s2] =	stream.indirect.scatter.add.f32 [tilespmem:s30], [sflag:$0x3], $0x80, s8, s29, $0xb8;
	[tilespmem:$0x1F080] =	vst v63  }
0x99: {  	_ =	swait.ge [sflag:s26], $0x2800  }
0x9a: {  	[sflag:s26] =	ssyncset.done $0x0  }
0x9b: {  	s7 =	simm.s32 $0x1900;
	[sflag:s26] =	ssyncadd.s32 $0xFFFFD800  }
0x9c: {  	[tilespmem:s30], [sflag:$0x1] =	stream.indirect.gather [hbm4b:s4+s29], $0x80, s7, s29, $0xb8;
	[tilespmem:$0x1F080] =	vst v63  }
0x9d: {  	_ =	swait.ge [sflag:s31], $0x2800  }
0x9e: {  	[sflag:s31] =	ssyncset.done $0x0  }
0x9f: {  	s8 =	simm.s32 $0x4080;
	[sflag:s31] =	ssyncadd.s32 $0xFFFFD800  }
0xa0: {  	[spmem:s2] =	stream.indirect.scatter.add.f32 [tilespmem:s0], [sflag:$0x3], $0x80, s8, s29, $0xb8;
	[tilespmem:$0x1F080] =	vst v63  }
0xa1: {  	_ =	swait.ge [sflag:s26], $0x2800  }
0xa2: {  	[sflag:s26] =	ssyncset.done $0x0  }
0xa3: {  	s6 =	simm.s32 $0x400;
	s7 =	simm.s32 $0x1980;
	[sflag:s26] =	ssyncadd.s32 $0xFFFFD800  }
.LBB2_6:
0xa4: {  	[tilespmem:s0], [sflag:$0x2] =	stream.indirect.gather [hbm4b:s4+s29], $0x80, s7, s29, $0xb8;
	[tilespmem:$0x1F080] =	vst v63  }
0xa5: {  	s7 =	smov.u32 s6  }
0xa6: {  	p1 =	sne.s32 s6, $0x9000;
	s6 =	sadd.s32 $0x400, s6;
	_ =	swait.ge [sflag:s1], $0x2800  }
0xa7: {  	s7 =	sshra.s32 s7, $0x2;
	[sflag:s1] =	ssyncset.done $0x0  }
0xa8: {  	s8 =	sadd.s32 $0x4000, s7;
	[sflag:s1] =	ssyncadd.s32 $0xFFFFD800  }
0xa9: {  	[spmem:s2] =	stream.indirect.scatter.add.f32 [tilespmem:s30], [sflag:$0x3], $0x80, s8, s29, $0xb8;
	[tilespmem:$0x1F080] =	vst v63  }
0xaa: {  	_ =	swait.ge [sflag:s26], $0x2800  }
0xab: {  	[sflag:s26] =	ssyncset.done $0x0  }
0xac: {  	s8 =	sadd.s32 $0x1900, s7;
	[sflag:s26] =	ssyncadd.s32 $0xFFFFD800  }
0xad: {  	[tilespmem:s30], [sflag:$0x1] =	stream.indirect.gather [hbm4b:s4+s29], $0x80, s8, s29, $0xb8;
	[tilespmem:$0x1F080] =	vst v63  }
0xae: {  	_ =	swait.ge [sflag:s31], $0x2800  }
0xaf: {  	[sflag:s31] =	ssyncset.done $0x0  }
.Ltmp2:
0xb0: {  	s8 =	sadd.s32 $0x4080, s7;
	[sflag:s31] =	ssyncadd.s32 $0xFFFFD800;
	(pc) =	sbr.rel @p1 .LBB2_6-.Ltmp2, $4  }
0xb1: {  	[spmem:s2] =	stream.indirect.scatter.add.f32 [tilespmem:s0], [sflag:$0x3], $0x80, s8, s29, $0xb8;
	[tilespmem:$0x1F080] =	vst v63  }
0xb2: {  	_ =	swait.ge [sflag:s26], $0x2800  }
0xb3: {  	[sflag:s26] =	ssyncset.done $0x0  }
0xb4: {  	s7 =	sadd.s32 $0x1980, s7;
	[sflag:s26] =	ssyncadd.s32 $0xFFFFD800  }
0xb5: {  	[tilespmem:s0], [sflag:$0x2] =	stream.indirect.gather [hbm4b:s4+s29], $0x80, s7, s29, $0xb8;
	[tilespmem:$0x1F080] =	vst v63  }
0xb6: {  	_ =	swait.ge [sflag:s1], $0x2800  }
0xb7: {  	[sflag:s1] =	ssyncset.done $0x0  }
0xb8: {  	s6 =	simm.s32 $0x6500;
	[sflag:s1] =	ssyncadd.s32 $0xFFFFD800  }
0xb9: {  	[spmem:s2] =	stream.indirect.scatter.add.f32 [tilespmem:s30], [sflag:$0x3], $0x80, s6, s29, $0xb8;
	[tilespmem:$0x1F080] =	vst v63  }
0xba: {  	_ =	swait.ge [sflag:s26], $0x2800  }
0xbb: {  	[sflag:s26] =	ssyncset.done $0x0  }
0xbc: {  	s8 =	simm.s32 $0x3E00;
	[sflag:s26] =	ssyncadd.s32 $0xFFFFD800  }
0xbd: {  	[tilespmem:s30], [sflag:$0x1] =	stream.indirect.gather [hbm4b:s4+s29], $0x80, s8, s29, $0xb8;
	[tilespmem:$0x1F080] =	vst v63  }
0xbe: {  	_ =	swait.ge [sflag:s31], $0x2800  }
0xbf: {  	[sflag:s31] =	ssyncset.done $0x0  }
0xc0: {  	s7 =	simm.s32 $0x6580;
	[sflag:s31] =	ssyncadd.s32 $0xFFFFD800  }
0xc1: {  	[spmem:s2] =	stream.indirect.scatter.add.f32 [tilespmem:s0], [sflag:$0x3], $0x80, s7, s29, $0xb8;
	[tilespmem:$0x1F080] =	vst v63  }
0xc2: {  	_ =	swait.ge [sflag:s26], $0x2800  }
0xc3: {  	[sflag:s26] =	ssyncset.done $0x0  }
0xc4: {  	[sflag:s26] =	ssyncadd.s32 $0xFFFFD800  }
0xc5: {  	_ =	swait.ge [sflag:s1], $0x2800  }
0xc6: {  	[sflag:s1] =	ssyncset.done $0x0  }
0xc7: {  	s8 =	simm.s32 $0x6600;
	[sflag:s1] =	ssyncadd.s32 $0xFFFFD800  }
0xc8: {  	[spmem:s2] =	stream.indirect.scatter.add.f32 [tilespmem:s30], [sflag:$0x3], $0x80, s8, s29, $0xb8;
	[tilespmem:$0x1F080] =	vst v63  }
0xc9: {  	_ =	swait.ge [sflag:s26], $0x2800  }
0xca: {  	[sflag:s26] =	ssyncset.done $0x0  }
0xcb: {  	[sflag:s26] =	ssyncadd.s32 $0xFFFFD800  }
0xcc: {  	s6 =	sshrl.u32 @p0 s13, $0x3;
	s7 =	simm.s32 @p0 $0x1FC3;
	[bflag:$0x0] =	sbarrier.arrive $0xFFFF  }
0xcd: {  	[hbm:s24], [sflag:s7] =	dma.local @p0 [spmem:s6], $0x2080  }
0xce: {  	s6 =	simm.s32 @p0 $0x3  }
0xcf: {  	s3 =	sadd.s32 $0x1, s3;
	s7 =	stileid.u32;
	_ =	swait.ge @p0 [sflag:s6], $0x2080  }
0xd0: {  	p1 =	sne.s32 s3, s25;
	s7 =	sshll.u32 @!p0 s7, $0x6;
	[sflag:s6] =	ssyncset.done @p0 $0x0  }
0xd1: {  	[sflag:s6] =	ssyncadd.s32 @p0 $0xFFFFDF80;
	s6 =	sor.u32 @!p0 $0x1C03, s7;
	s7 =	sshrl.u32 @!p0 s5, $0x3  }
0xd2: {  	[hbm:s21], [sflag:s6] =	dma.local @!p0 [spmem:s7], $0x2780  }
.Ltmp3:
0xd3: {  	_ = 	snop;
	(pc) =	sbr.rel @p1 .LBB2_1-.Ltmp3, $4  }
0xd4: {  	s6 =	simm.s32 @!p0 $0x3  }
0xd5: {  	_ =	swait.ge @!p0 [sflag:s6], $0x2780  }
0xd6: {  	[sflag:s6] =	ssyncset.done @!p0 $0x0  }
0xd7: {  	[sflag:s6] =	ssyncadd.s32 @!p0 $0xFFFFD880  }
0xd8: {  	_ =	sfence.sel $0x180000  }
0xd9: {  	[bflag:$0x0] =	sbarrier.arrive $0xFFFF  }
0xda: {  	_ =	strace $0x9000004A  }
0xdb: {  	s0 =	stileid.u32;
	[bflag:$0x2] =	sbarrier.arrive $0xFFFF  }
0xdc: {  	p0 =	sne.s32 s0, $0x0;
	s0 =	rddreg [dreg:$0x3]  }
0xdd: {  	s0 =	sadd.s32 @!p0 $0x100000, s0  }
0xde: {  	[sflag:s0] =	ssyncadd.tile.s32 @!p0 $0x1;
	_ =	shalt  }
.Lfunc_end2:
_tile_overlayer_lowered:
.L_overlay_start_2:
0xdf: {  	(tag) =	ssettag $0x2  }
0xe0: {  	s0 =	rddreg [dreg:$0x0];
	s2 =	stileid.u32  }
0xe1: {  	s1 =	rddreg [dreg:$0x1];
	p0 =	sne.s32 s2, $0x0  }
0xe2: {  	s3 =	rddreg [dreg:$0x2];
	[bflag:$0x3] =	sbarrier.arrive $0xFFFF;
	s2 =	simm.s32 @!p0 $0x1C03  }
0xe3: {  	[timem:s3], [sflag:s2] =	dma.local @!p0 [hbm:s0], s1  }
0xe4: {  	s0 =	simm.s32 @!p0 $0x3  }
0xe5: {  	_ =	swait.ge @!p0 [sflag:s0], s1  }
0xe6: {  	s1 =	ssub.s32 @!p0 $0x0, s1;
	[sflag:s0] =	ssyncset.done @!p0 $0x0  }
0xe7: {  	[sflag:s0] =	ssyncadd.s32 @!p0 s1  }
0xe8: {  	[bflag:$0x3] =	sbarrier.arrive $0xFFFF  }
0xe9: {  	_ =	shalt  }

// kernel: kernel.8.cloned.1.call-start
scs
__scs_entry_jumppad:
0x0: {  	(pc) =	sbr.rel $0x88, $3  }
0x1: {  	(tag) =	ssettag $0x0;
	lr =	simm.s32 $0x1  }
0x2: {  	[smem:$0x3F98] =	sst lr;
	_ =	strace $0xD0000000  }
0x3: {  	_ = 	snop  }
0x4: {  	_ = 	snop  }
0x5: {  	_ = 	snop  }
0x6: {  	_ = 	snop  }
0x7: {  	_ = 	snop  }
__scs_overlays_trampoline_lowered:
0x8: {  	[smem:$0x3FA7] =	sst s0  }
0x9: {  	[smem:$0x3FA8] =	sst s1  }
0xa: {  	[smem:$0x3FA9] =	sst s2  }
0xb: {  	[smem:$0x3FAA] =	sst s3  }
0xc: {  	[smem:$0x3FAB] =	sst s4  }
0xd: {  	[smem:$0x3FAC] =	sst s5  }
0xe: {  	[smem:$0x3FAD] =	sst s6  }
0xf: {  	[smem:$0x3FAE] =	sst s7  }
0x10: {  	[smem:$0x3FAF] =	sst s8  }
0x11: {  	[smem:$0x3FB0] =	sst s9;
	s0 =	simm.s32 @!p0 $0x0  }
0x12: {  	s1 =	sld [smem:$0x3F96];
	s0 =	simm.s32 @p0 $0x1  }
0x13: {  	[smem:$0x3FB1] =	sst s0;
	s0 =	simm.s32 @!p1 $0x0  }
0x14: {  	s2 =	sld [smem:$0x3F95];
	s0 =	simm.s32 @p1 $0x1  }
0x15: {  	[smem:$0x3FB2] =	sst s0;
	s0 =	simm.s32 @!p2 $0x0  }
0x16: {  	s3 =	sld [smem:$0x3FDB];
	s0 =	simm.s32 @p2 $0x1  }
0x17: {  	s4 =	simm.s32 $0x1BF5;
	[smem:$0x3FB4] =	sst s0  }
0x18: {  	s0 =	sld [smem:$0x3F97];
	_ =	swait.ge [sflag:s4], $0x0  }
0x19: {  	s7 =	sld [smem:$0x3F98]  }
0x1a: {  	s8 =	sadd.s32 $0xFFFFE003, lr  }
0x1b: {  	s9 =	sadd.s32 $0xFFFFFEF7, lr;
	s5 =	simm.s32 $0xFFFFFFFF;
	p2 =	slt.u32 s8, $0xFFFFF086  }
0x1c: {  	p1 =	slt.u32 s9, $0xF7A;
	s5 =	simm.s32 @!p2 $0x0  }
0x1d: {  	s5 =	simm.s32 @p1 $0x1;
	p0 =	seq.s32 s7, s2  }
0x1e: {  	s7 =	smul.u32 @!p0 $0xF7A, s2;
	p2 =	seq.s32 @!p0 s5, $0x0  }
0x1f: {  	s9 =	smul.u32 $0xF7A, s1;
	s8 =	simm.s32 @!p0 $0x1BF5;
	p2 =	por !p2, p0  }
0x20: {  	[sflag:s8] =	ssyncset.s32 @!p0 $0xFFFFF086;
	s6 =	sadd.s32 @!p0 s3, s7;
	s7 =	simm.s32 @!p0 $0x108  }
0x21: {  	s3 =	sadd.s32 s3, s9;
	s6 =	sadd.s32 @!p0 $0x88, s6;
	s7 =	simm.s32 @p2 $0x1082  }
0x22: {  	[simem:s7], [sflag:s8] =	dma.local @!p0 [hbm:s6], $0xF7A  }
0x23: {  	s9 =	sor.u32 $0xD0000000, s2;
	s6 =	simm.s32 $0x108;
	_ =	swait.ge @!p0 [sflag:s8], $0x0  }
0x24: {  	s3 =	sadd.s32 $0x88, s3;
	s6 =	simm.s32 @!p1 $0x1082;
	[sflag:s4] =	ssyncset.s32 $0xFFFFF086  }
0x25: {  	[simem:s6], [sflag:s4] =	dma.local [hbm:s3], $0xF7A  }
0x26: {  	[smem:$0x3F98] =	sst s1;
	(tag) =	ssettag s2;
	_ =	strace s9  }
0x27: {  	s1 =	sld [smem:$0x3FA8]  }
0x28: {  	s2 =	sld [smem:$0x3FA9]  }
0x29: {  	s4 =	sld [smem:$0x3FAB]  }
0x2a: {  	p0 =	seq.s32 s5, $0x0;
	s5 =	sld [smem:$0x3FAC]  }
0x2b: {  	s6 =	sld [smem:$0x3FAD]  }
0x2c: {  	s7 =	sld [smem:$0x3FAE]  }
0x2d: {  	s3 =	simm.s32 $0x108;
	s8 =	sld [smem:$0x3FAF]  }
0x2e: {  	s3 =	simm.s32 @!p0 $0x1082;
	s9 =	sld [smem:$0x3FB0]  }
0x2f: {  	lr =	sadd.s32 s0, s3;
	s0 =	sld [smem:$0x3FA7]  }
0x30: {  	s3 =	sld [smem:$0x3FAA]  }
0x31: {  	[smem:$0x3FB3] =	sst s10  }
0x32: {  	s10 =	sld [smem:$0x3FB1];
	_ =	sdelay $0x3  }
0x33: {  	p0 =	seq.s32 s10, $0x1;
	s10 =	sld [smem:$0x3FB3];
	_ =	sdelay $0x3  }
0x34: {  	[smem:$0x3FB3] =	sst s10  }
0x35: {  	s10 =	sld [smem:$0x3FB2];
	_ =	sdelay $0x3  }
0x36: {  	p1 =	seq.s32 s10, $0x1;
	s10 =	sld [smem:$0x3FB3];
	_ =	sdelay $0x3  }
0x37: {  	[smem:$0x3FB3] =	sst s10  }
0x38: {  	s10 =	sld [smem:$0x3FB4]  }
0x39: {  	_ = 	snop;
	(pc) =	sbr.ind lr, $3  }
0x3a: {  	_ = 	snop  }
0x3b: {  	_ = 	snop  }
0x3c: {  	p2 =	seq.s32 s10, $0x1;
	s10 =	sld [smem:$0x3FB3]  }
0x3d: {  	_ =	shalt  }
0x3e: {  	_ =	shalt  }
0x3f: {  	_ =	shalt  }
0x40: {  	_ =	shalt  }
0x41: {  	_ =	shalt  }
0x42: {  	_ =	shalt  }
0x43: {  	_ =	shalt  }
0x44: {  	_ =	shalt  }
0x45: {  	_ =	shalt  }
0x46: {  	_ =	shalt  }
0x47: {  	_ =	shalt  }
0x48: {  	_ =	shalt  }
0x49: {  	_ =	shalt  }
0x4a: {  	_ =	shalt  }
0x4b: {  	_ =	shalt  }
0x4c: {  	_ =	shalt  }
0x4d: {  	_ =	shalt  }
0x4e: {  	_ =	shalt  }
0x4f: {  	_ =	shalt  }
0x50: {  	_ =	shalt  }
0x51: {  	_ =	shalt  }
0x52: {  	_ =	shalt  }
0x53: {  	_ =	shalt  }
0x54: {  	_ =	shalt  }
0x55: {  	_ =	shalt  }
0x56: {  	_ =	shalt  }
0x57: {  	_ =	shalt  }
0x58: {  	_ =	shalt  }
0x59: {  	_ =	shalt  }
0x5a: {  	_ =	shalt  }
0x5b: {  	_ =	shalt  }
0x5c: {  	_ =	shalt  }
0x5d: {  	_ =	shalt  }
0x5e: {  	_ =	shalt  }
0x5f: {  	_ =	shalt  }
0x60: {  	_ =	shalt  }
0x61: {  	_ =	shalt  }
0x62: {  	_ =	shalt  }
0x63: {  	_ =	shalt  }
0x64: {  	_ =	shalt  }
0x65: {  	_ =	shalt  }
0x66: {  	_ =	shalt  }
0x67: {  	_ =	shalt  }
0x68: {  	_ =	shalt  }
0x69: {  	_ =	shalt  }
0x6a: {  	_ =	shalt  }
0x6b: {  	_ =	shalt  }
0x6c: {  	_ =	shalt  }
0x6d: {  	_ =	shalt  }
0x6e: {  	_ =	shalt  }
0x6f: {  	_ =	shalt  }
0x70: {  	_ =	shalt  }
0x71: {  	_ =	shalt  }
0x72: {  	_ =	shalt  }
0x73: {  	_ =	shalt  }
0x74: {  	_ =	shalt  }
0x75: {  	_ =	shalt  }
0x76: {  	_ =	shalt  }
0x77: {  	_ =	shalt  }
0x78: {  	_ =	shalt  }
0x79: {  	_ =	shalt  }
0x7a: {  	_ =	shalt  }
0x7b: {  	_ =	shalt  }
0x7c: {  	_ =	shalt  }
0x7d: {  	_ =	shalt  }
0x7e: {  	_ =	shalt  }
0x7f: {  	_ =	shalt  }
0x80: {  	_ =	shalt  }
0x81: {  	_ =	shalt  }
0x82: {  	_ =	shalt  }
0x83: {  	_ =	shalt  }
0x84: {  	_ =	shalt  }
0x85: {  	_ =	shalt  }
0x86: {  	_ =	shalt  }
0x87: {  	_ =	shalt  }
.Lfunc_end0:
.L_simem_size_0:
called_computation_lowered:
.L_overlay_start_0:
0x88: {  	s2 =	sld [smem:$0x3FD9]  }
0x89: {  	s3 =	sld [smem:$0x3FFE];
	_ =	sdelay $0x1  }
0x8a: {  	s1 =	srdreg.scid  }
0x8b: {  	s0 =	sand.u32 $0x1, s1  }
0x8c: {  	s17 =	sshll.u32 s0, $0xA;
	s2 =	sadd.s32 s3, s2  }
0x8d: {  	s2 =	sadd.s32 s2, s17  }
0x8e: {  	[smem:$0x3FBF] =	sst s2  }
0x8f: {  	_ = 	snop  }
0x90: {  	s2 =	sld [smem:$0x3FC9];
	(tm) =	ssettm $0x1  }
0x91: {  	s18 =	sld [smem:$0x3FFB];
	_ =	sdelay $0x3  }
0x92: {  	_ =	strace s18  }
0x93: {  	s3 =	sld [smem:$0x3FFC];
	_ =	sdelay $0x3  }
0x94: {  	_ =	strace s3  }
0x95: {  	s3 =	sld [smem:$0x3FFD];
	_ =	sdelay $0x3  }
0x96: {  	_ =	strace s3  }
0x97: {  	_ =	strace $0x8FFFFFFF  }
0x98: {  	s19 =	sld [smem:$0x3FDB];
	_ =	sdelay $0x1  }
0x99: {  	s4 =	simm.s32 $_scs_section_size  }
0x9a: {  	s5 =	simm.s32 $_size__tile_overlayer_lowered;
	s6 =	simm.s32 $_tile_overlayer_lowered  }
0x9b: {  	s22 =	simm.s32 $0x1BFF;
	s21 =	sshll.u32 s6, $0x1;
	s3 =	sadd.s32 s4, s19  }
0x9c: {  	s7 =	simm.s32 $0x0;
	s20 =	sshll.u32 s5, $0x1;
	s5 =	sadd.s32 s21, s3  }
0x9d: {  	[timem:s7], [sflag:s22] =	dma.local [hbm:s5], s20  }
0x9e: {  	_ =	swait.ge [sflag:s22], s20  }
0x9f: {  	s4 =	ssub.s32 $0x0, s20;
	[sflag:s22] =	ssyncset.done $0x0  }
0xa0: {  	[sflag:s22] =	ssyncadd.s32 s4;
	_ =	sdelay $0x1  }
0xa1: {  	s23 =	simm.s32 $0x1B8B  }
0xa2: {  	_ =	swait.ge [sflag:s23], $0x1  }
0xa3: {  	[sflag:s23] =	ssyncset.done $0x0  }
0xa4: {  	s25 =	simm.s32 $0x1B8E;
	s24 =	sld [smem:$0x3FFE];
	[sflag:s23] =	ssyncadd.s32 $0xFFFFFFFF  }
0xa5: {  	s26 =	simm.s32 $execute0_lowered;
	[smem:$0x3FD2] =	sst s25  }
0xa6: {  	s5 =	sshll.u32 s26, $0x1;
	_ =	strace $0x80000046;
	[dreg:$0x1] =	wrdreg $0xFFFFFFFF  }
0xa7: {  	s28 =	simm.s32 $_size_execute0_lowered;
	s3 =	sadd.s32 s3, s5;
	[dreg:$0x0] =	wrdreg $0x0  }
0xa8: {  	s5 =	sshll.u32 s28, $0x1;
	[dreg:$0x2] =	wrdreg s3  }
0xa9: {  	[dreg:$0x3] =	wrdreg s5  }
0xaa: {  	[dreg:$0x4] =	wrdreg $0xC0  }
0xab: {  	_ =	task [dreg:s7], $0x5FFFF  }
0xac: {  	[dreg:$0x1] =	wrdreg $0xFFFFFFFF  }
0xad: {  	[dreg:$0x0] =	wrdreg $0x60  }
0xae: {  	[dreg:$0x2] =	wrdreg s2  }
0xaf: {  	[dreg:$0x3] =	wrdreg s24  }
0xb0: {  	[dreg:$0x4] =	wrdreg $0x128000  }
0xb1: {  	[dreg:$0x5] =	wrdreg $0x1C8000  }
0xb2: {  	[dreg:$0x6] =	wrdreg $0x9  }
0xb3: {  	_ =	task.clear_ibuf [dreg:s7], $0x7FFFF;
	_ =	strace $0x90000046  }
0xb4: {  	s29 =	simm.s32 $0x9;
	_ =	strace $0x80000048  }
0xb5: {  	_ =	swait.ge [sflag:s29], $0x1  }
0xb6: {  	[sflag:s29] =	ssyncadd.s32 $0xFFFFFFFF  }
0xb7: {  	_ =	strace $0x90000048  }
0xb8: {  	_ =	sfence  }
0xb9: {  	s30 =	sld [smem:$0x0];
	_ =	sdelay $0x2  }
0xba: {  	s31 =	sshll.u32 s1, $0xD;
	s1 =	sshrl.u32 s1, $0x2  }
0xbb: {  	s3 =	sand.u32 $0x4000, s31;
	s1 =	sadd.s32 s1, s30  }
0xbc: {  	s0 =	sor.u32 s3, s0;
	s1 =	sshll.u32 s1, $0x11  }
0xbd: {  	s0 =	sor.u32 s1, s0  }
0xbe: {  	s0 =	sadd.s32 $0x8F2B, s0  }
0xbf: {  	[sflag:s0] =	ssyncadd.remote.s32 $0x1  }
0xc0: {  	_ =	sfence.sel $0xFFFF  }
0xc1: {  	[dreg:$0x0] =	wrdreg $0xFFFFFFFF;
	(pc) =	sbr.abs _section_cstart, $3  }
0xc2: {  	[dreg:$0x1] =	wrdreg $0xFFFFFFFF  }
0xc3: {  	_ =	task.clear_ibuf [dreg:s7], $0x2FFFF;
	_ =	strace $0x9FFFFFFF  }
0xc4: {  	(tm) =	ssettm $0x7FFFFFFF  }
0xc5: {  	_ =	shalt  }
tec
execute0_lowered:
.L_overlay_start_1:
0x0: {  	(tag) =	ssettag $0x1  }
0x1: {  	s1 =	rddreg [dreg:$0x0]  }
0x2: {  	s2 =	rddreg [dreg:$0x1]  }
0x3: {  	s0 =	srdreg.scid;
	s3 =	rddreg [dreg:$0x2]  }
0x4: {  	s19 =	stileid.u32;
	s4 =	rddreg [dreg:$0x3];
	s5 =	simm.s32 $0x0  }
0x5: {  	s28 =	simm.s32 $0x12000;
	s30 =	simm.s32 $0x80;
	s6 =	smul.u32 $0x5000, s19  }
0x6: {  	s31 =	simm.s32 $0xC000;
	s29 =	simm.s32 $0xE000;
	s10 =	smul.u32 $0x280, s19  }
0x7: {  	s0 =	sand.u32 $0x1, s0;
	[smem:$0x7FF] =	sst s5;
	s12 =	smul.u32 $0xA000, s19  }
0x8: {  	s9 =	sadd.s32 $0x2A000, s2;
	p1 =	seq.s32 s19, $0xF;
	s7 =	smul.u32 $0x50000, s0  }
0x9: {  	_ =	strace $0x80000047;
	s17 =	ssub.s32 $0x2, s0;
	s26 =	smul.u32 $0x9C400, s0  }
0xa: {  	p0 =	sne.s32 s0, $0x0;
	p2 =	seq.s32 s0, $0x0;
	s11 =	sshrl.u32 s17, $0x1  }
0xb: {  	s18 =	sadd.s32 $0x80, s10;
	s14 =	sadd.s32 $0x100, s10;
	s21 =	sadd.s32 $0x180, s10  }
0xc: {  	s10 =	sadd.s32 $0x200, s10;
	s7 =	sadd.s32 s6, s7;
	s6 =	sshrl.u32 s6, $0x3  }
0xd: {  	s13 =	ssub.s32 s17, s11;
	s15 =	sshll.u32 s18, $0x6;
	s16 =	sshll.u32 s14, $0x6  }
0xe: {  	s22 =	sshll.u32 s21, $0x6;
	s17 =	smul.u32 $0x2800, s19;
	s23 =	sshll.u32 s10, $0x6  }
0xf: {  	s18 =	sshll.u32 s18, $0x4;
	s14 =	sshll.u32 s14, $0x4;
	s15 =	sadd.s32 s15, s3  }
0x10: {  	s10 =	sshll.u32 s10, $0x4;
	s20 =	sadd.s32 s16, s3;
	[dreg:$0x5] =	wrdreg s15  }
0x11: {  	s7 =	sshrl.u32 s7, $0x3;
	s16 =	sadd.s32 s22, s3;
	[dreg:$0x6] =	wrdreg s20  }
0x12: {  	s8 =	sadd.s32 s6, s2;
	s24 =	sadd.s32 s23, s3;
	[dreg:$0x7] =	wrdreg s16  }
0x13: {  	s6 =	sadd.s32 s12, s3;
	s25 =	sadd.s32 s18, s4;
	[dreg:$0x8] =	wrdreg s24  }
0x14: {  	s14 =	sadd.s32 s14, s4;
	s10 =	sadd.s32 s10, s4;
	[dreg:$0x9] =	wrdreg s25  }
0x15: {  	s7 =	sadd.s32 s7, s2;
	s2 =	sadd.s32 $0x20200, s2;
	[dreg:$0xa] =	wrdreg s14  }
0x16: {  	s11 =	sadd.s32 s17, s4;
	s15 =	sshll.u32 s21, $0x4;
	[dreg:$0xc] =	wrdreg s10  }
0x17: {  	s20 =	sadd.s32 s12, s26;
	s21 =	smul.u32 $0x27100, s0;
	s22 =	sadd.s32 $0x16200, s8  }
0x18: {  	s25 =	sshrl.u32 s26, $0x3;
	s0 =	simm.s32 $0x10000;
	s18 =	sadd.s32 s15, s4  }
0x19: {  	s7 =	sadd.s32 $0x2200, s7;
	[dreg:$0xe] =	wrdreg s22;
	s23 =	sshrl.u32 s20, $0x3  }
0x1a: {  	s8 =	sadd.s32 s9, s25;
	s22 =	smax.u32 s13, $0x1;
	[dreg:$0xb] =	wrdreg s18  }
0x1b: {  	[dreg:$0xd] =	wrdreg s7;
	s7 =	sadd.s32 s9, s23;
	s24 =	sadd.s32 s17, s21  }
0x1c: {  	s26 =	sshrl.u32 s21, $0x3;
	s20 =	sadd.s32 $0x12C00, s8;
	s23 =	simm.s32 $0xA000  }
0x1d: {  	s8 =	simm.s32 $0x3;
	[dreg:$0xf] =	wrdreg s7;
	s7 =	sshrl.u32 s24, $0x3  }
0x1e: {  	s9 =	simm.s32 $0x4;
	s7 =	sadd.s32 s2, s7;
	s2 =	sadd.s32 s2, s26  }
0x1f: {  	s26 =	simm.s32 $0x5;
	[dreg:$0x10] =	wrdreg s7;
	s7 =	sadd.s32 $0x96000, s3  }
0x20: {  	s21 =	sadd.s32 $0x4B00, s2;
	s2 =	sadd.s32 $0x25800, s4;
	s24 =	sshrl.u32 @p1 s7, $0x3  }
0x21: {  	v0 =	vimm.f32 $0.0e+00;
	v1 =	vimm.f32 $1.000000000e+00;
	s25 =	sshrl.u32 @p1 s2, $0x3;
	s2 =	simm.s32 $0x1;
	s7 =	simm.s32 $0x2  }
.LBB2_1:
0x22: {  	s12 =	simm.s32 $0x100;
	s10 =	simm.s32 $0x0  }
.LBB2_2:
0x23: {  	p3 =	sne.s32 s12, $0x7F00;
	[tilespmem:s10+$0xA030] =	vst v0;
	s13 =	smov.u32 s12;
	s12 =	sadd.s32 $0x100, s12  }
.Ltmp0:
0x24: {  	[tilespmem:s10+$0xA020] =	vst v0;
	(pc) =	sbr.rel @p3 .LBB2_2-.Ltmp0, $3  }
0x25: {  	[tilespmem:s10+$0xA000] =	vst v0  }
0x26: {  	[tilespmem:s10+$0xA010] =	vst v0;
	_ =	sdelay $0x1  }
0x27: {  	s10 =	sshra.s32 s13, $0x2  }
0x28: {  	[tilespmem:s10+$0xA030] =	vst v0  }
0x29: {  	[tilespmem:s10+$0xA020] =	vst v0  }
0x2a: {  	[tilespmem:s10+$0xA000] =	vst v0  }
0x2b: {  	[tilespmem:s10+$0xA010] =	vst v0  }
0x2c: {  	[spmem:s6] =	stream.linear.scatter [tilespmem:s23], [sflag:$0x5], $0x2000, $0x38;
	[tilespmem:$0x1F000] =	vst v63  }
0x2d: {  	_ =	swait.ge [sflag:s26], $0x2000  }
0x2e: {  	[sflag:s26] =	ssyncset.done $0x0  }
0x2f: {  	s16 =	rddreg [dreg:$0x5];
	[sflag:s26] =	ssyncadd.s32 $0xFFFFE000  }
0x30: {  	[spmem:s16] =	stream.linear.scatter [tilespmem:s23], [sflag:$0x5], $0x2000, $0x38;
	[tilespmem:$0x1F000] =	vst v63  }
0x31: {  	_ =	swait.ge [sflag:s26], $0x2000  }
0x32: {  	[sflag:s26] =	ssyncset.done $0x0  }
0x33: {  	s17 =	rddreg [dreg:$0x6];
	[sflag:s26] =	ssyncadd.s32 $0xFFFFE000  }
0x34: {  	[spmem:s17] =	stream.linear.scatter [tilespmem:s23], [sflag:$0x5], $0x2000, $0x38;
	[tilespmem:$0x1F000] =	vst v63  }
0x35: {  	_ =	swait.ge [sflag:s26], $0x2000  }
0x36: {  	[sflag:s26] =	ssyncset.done $0x0  }
0x37: {  	s18 =	rddreg [dreg:$0x7];
	[sflag:s26] =	ssyncadd.s32 $0xFFFFE000  }
0x38: {  	[spmem:s18] =	stream.linear.scatter [tilespmem:s23], [sflag:$0x5], $0x2000, $0x38;
	[tilespmem:$0x1F000] =	vst v63  }
0x39: {  	_ =	swait.ge [sflag:s26], $0x2000  }
0x3a: {  	[sflag:s26] =	ssyncset.done $0x0  }
0x3b: {  	s19 =	rddreg [dreg:$0x8];
	[sflag:s26] =	ssyncadd.s32 $0xFFFFE000  }
0x3c: {  	[spmem:s19] =	stream.linear.scatter [tilespmem:s23], [sflag:$0x5], $0x2000, $0x38;
	[tilespmem:$0x1F000] =	vst v63  }
0x3d: {  	_ =	swait.ge [sflag:s26], $0x2000  }
0x3e: {  	[sflag:s26] =	ssyncset.done $0x0  }
0x3f: {  	s10 =	simm.s32 $0x40;
	s12 =	simm.s32 $0x0;
	[sflag:s26] =	ssyncadd.s32 $0xFFFFE000  }
.LBB2_4:
0x40: {  	p3 =	sne.s32 s10, $0x1FC0;
	[tilespmem:s12+$0x12000] =	vst v0;
	s12 =	smov.u32 s10;
	s10 =	sadd.s32 $0x40, s10  }
.Ltmp1:
0x41: {  	(pc) =	sbr.rel @p3 .LBB2_4-.Ltmp1, $2  }
0x42: {  	_ =	sdelay $0x2  }
0x43: {  	s12 =	sshra.s32 s12, $0x2  }
0x44: {  	[tilespmem:s12+$0x12000] =	vst v0  }
0x45: {  	[spmem:s11] =	stream.linear.scatter [tilespmem:s28], [sflag:$0x5], $0x800, $0x38;
	[tilespmem:$0x1F000] =	vst v63  }
0x46: {  	_ =	swait.ge [sflag:s26], $0x800  }
0x47: {  	[sflag:s26] =	ssyncset.done $0x0  }
0x48: {  	s10 =	rddreg [dreg:$0x9];
	[sflag:s26] =	ssyncadd.s32 $0xFFFFF800  }
0x49: {  	[spmem:s10] =	stream.linear.scatter [tilespmem:s28], [sflag:$0x5], $0x800, $0x38;
	[tilespmem:$0x1F000] =	vst v63  }
0x4a: {  	_ =	swait.ge [sflag:s26], $0x800  }
0x4b: {  	[sflag:s26] =	ssyncset.done $0x0  }
0x4c: {  	s17 =	rddreg [dreg:$0xa];
	[sflag:s26] =	ssyncadd.s32 $0xFFFFF800  }
0x4d: {  	[spmem:s17] =	stream.linear.scatter [tilespmem:s28], [sflag:$0x5], $0x800, $0x38;
	[tilespmem:$0x1F000] =	vst v63  }
0x4e: {  	_ =	swait.ge [sflag:s26], $0x800  }
0x4f: {  	[sflag:s26] =	ssyncset.done $0x0  }
0x50: {  	s18 =	rddreg [dreg:$0xb];
	[sflag:s26] =	ssyncadd.s32 $0xFFFFF800  }
0x51: {  	[spmem:s18] =	stream.linear.scatter [tilespmem:s28], [sflag:$0x5], $0x800, $0x38;
	[tilespmem:$0x1F000] =	vst v63  }
0x52: {  	_ =	swait.ge [sflag:s26], $0x800  }
0x53: {  	[sflag:s26] =	ssyncset.done $0x0  }
0x54: {  	s19 =	rddreg [dreg:$0xc];
	[sflag:s26] =	ssyncadd.s32 $0xFFFFF800  }
0x55: {  	[spmem:s19] =	stream.linear.scatter [tilespmem:s28], [sflag:$0x5], $0x800, $0x38;
	[tilespmem:$0x1F000] =	vst v63  }
0x56: {  	_ =	swait.ge [sflag:s26], $0x800  }
0x57: {  	[sflag:s26] =	ssyncset.done $0x0  }
0x58: {  	s12 =	simm.s32 $0x0;
	s10 =	simm.s32 $0x40;
	[sflag:s26] =	ssyncadd.s32 $0xFFFFF800  }
.LBB2_6:
0x59: {  	p3 =	sne.s32 s10, $0x1FC0;
	[tilespmem:s12+$0x12000] =	vst v1;
	s12 =	smov.u32 s10;
	s10 =	sadd.s32 $0x40, s10  }
.Ltmp2:
0x5a: {  	(pc) =	sbr.rel @p3 .LBB2_6-.Ltmp2, $2  }
0x5b: {  	_ =	sdelay $0x2  }
0x5c: {  	s12 =	sshra.s32 s12, $0x2  }
0x5d: {  	[tilespmem:s12+$0x12000] =	vst v1;
	s10 =	simm.s32 $0x0;
	s13 =	rddreg [dreg:$0xd]  }
0x5e: {  	[tilespmem:s10], [sflag:$0x5] =	stream.linear.gather [hbm4b:s13+s10], $0x5000, $0x38;
	[tilespmem:$0x1F000] =	vst v63  }
0x5f: {  	_ =	swait.ge [sflag:s26], $0x5000  }
0x60: {  	[sflag:s26] =	ssyncset.done $0x0  }
0x61: {  	s13 =	simm.s32 $0x5000;
	s14 =	rddreg [dreg:$0xe];
	[sflag:s26] =	ssyncadd.s32 $0xFFFFB000  }
0x62: {  	[tilespmem:s13], [sflag:$0x5] =	stream.linear.gather [hbm4b:s14+s10], $0x5000, $0x38;
	[tilespmem:$0x1F000] =	vst v63  }
0x63: {  	_ =	swait.ge [sflag:s26], $0x5000  }
0x64: {  	[sflag:s26] =	ssyncset.done $0x0  }
0x65: {  	[sflag:s26] =	ssyncadd.s32 $0xFFFFB000  }
0x66: {  	[bflag:$0x0] =	sbarrier.arrive $0xFFFF  }
0x67: {  	[tilespmem:s23], [sflag:$0x1] =	stream.indirect.gather [hbm4b:s1+s30], $0x40, s10, s30, $0xb8;
	[tilespmem:$0x1F000] =	vst v63  }
0x68: {  	_ = 	snop  }
0x69: {  	[tilespmem:s31], [sflag:$0x2] =	stream.indirect.gather [hbm4b:s1+s30], $0x40, s30, s30, $0xb8;
	[tilespmem:$0x1F000] =	vst v63  }
0x6a: {  	s15 =	simm.s32 $0x100  }
0x6b: {  	[tilespmem:s29], [sflag:$0x3] =	stream.indirect.gather [hbm4b:s1+s30], $0x40, s15, s30, $0xb8;
	[tilespmem:$0x1F000] =	vst v63  }
0x6c: {  	s16 =	simm.s32 $0x180  }
0x6d: {  	[tilespmem:s0], [sflag:$0x4] =	stream.indirect.gather [hbm4b:s1+s30], $0x40, s16, s30, $0xb8;
	[tilespmem:$0x1F000] =	vst v63  }
0x6e: {  	_ =	swait.ge [sflag:s2], $0x2000  }
0x6f: {  	[sflag:s2] =	ssyncset.done $0x0  }
0x70: {  	s14 =	simm.s32 $0x5000;
	[sflag:s2] =	ssyncadd.s32 $0xFFFFE000  }
0x71: {  	[spmem:s3] =	stream.indirect.scatter.add.f32 [tilespmem:s23], [sflag:$0x5], $0x40, s14, s30, $0xb8;
	[tilespmem:$0x1F000] =	vst v63  }
0x72: {  	_ =	swait.ge [sflag:s26], $0x2000  }
0x73: {  	s12 =	simm.s32 @!p0 $0x80;
	[sflag:s26] =	ssyncset.done $0x0  }
0x74: {  	s13 =	simm.s32 @!p0 $0x12000;
	s10 =	simm.s32 @!p0 $0x5;
	[sflag:s26] =	ssyncadd.s32 $0xFFFFE000  }
0x75: {  	[spmem:s4] =	stream.indirect.scatter.add.f32 @!p0 [tilespmem:s13], [sflag:$0x5], $0x10, s14, s12, $0xb8;
	[tilespmem:$0x1F000] =	vst v63  }
0x76: {  	_ =	swait.ge @!p0 [sflag:s10], $0x800  }
0x77: {  	[sflag:s10] =	ssyncset.done @!p0 $0x0  }
0x78: {  	s17 =	simm.s32 $0x200;
	[sflag:s10] =	ssyncadd.s32 @!p0 $0xFFFFF800  }
0x79: {  	[tilespmem:s23], [sflag:$0x1] =	stream.indirect.gather [hbm4b:s1+s30], $0x40, s17, s30, $0xb8;
	[tilespmem:$0x1F000] =	vst v63  }
0x7a: {  	_ =	swait.ge [sflag:s7], $0x2000  }
0x7b: {  	[sflag:s7] =	ssyncset.done $0x0  }
0x7c: {  	s17 =	simm.s32 $0x5080;
	[sflag:s7] =	ssyncadd.s32 $0xFFFFE000  }
0x7d: {  	[spmem:s3] =	stream.indirect.scatter.add.f32 [tilespmem:s31], [sflag:$0x5], $0x40, s17, s30, $0xb8;
	[tilespmem:$0x1F000] =	vst v63  }
0x7e: {  	_ =	swait.ge [sflag:s26], $0x2000  }
0x7f: {  	s15 =	simm.s32 @!p2 $0x80;
	[sflag:s26] =	ssyncset.done $0x0  }
0x80: {  	s16 =	simm.s32 @!p2 $0x12000;
	s14 =	simm.s32 @!p2 $0x5;
	[sflag:s26] =	ssyncadd.s32 $0xFFFFE000  }
0x81: {  	[spmem:s4] =	stream.indirect.scatter.add.f32 @!p2 [tilespmem:s16], [sflag:$0x5], $0x10, s17, s15, $0xb8;
	[tilespmem:$0x1F000] =	vst v63  }
0x82: {  	_ =	swait.ge @!p2 [sflag:s14], $0x800  }
0x83: {  	[sflag:s14] =	ssyncset.done @!p2 $0x0  }
0x84: {  	s18 =	simm.s32 $0x280;
	[sflag:s14] =	ssyncadd.s32 @!p2 $0xFFFFF800  }
0x85: {  	[tilespmem:s31], [sflag:$0x2] =	stream.indirect.gather [hbm4b:s1+s30], $0x40, s18, s30, $0xb8;
	[tilespmem:$0x1F000] =	vst v63  }
0x86: {  	_ =	swait.ge [sflag:s8], $0x2000  }
0x87: {  	[sflag:s8] =	ssyncset.done $0x0  }
0x88: {  	s17 =	simm.s32 $0x5100;
	[sflag:s8] =	ssyncadd.s32 $0xFFFFE000  }
0x89: {  	[spmem:s3] =	stream.indirect.scatter.add.f32 [tilespmem:s29], [sflag:$0x5], $0x40, s17, s30, $0xb8;
	[tilespmem:$0x1F000] =	vst v63  }
0x8a: {  	_ =	swait.ge [sflag:s26], $0x2000  }
0x8b: {  	[sflag:s26] =	ssyncset.done $0x0  }
0x8c: {  	[sflag:s26] =	ssyncadd.s32 $0xFFFFE000  }
0x8d: {  	[spmem:s4] =	stream.indirect.scatter.add.f32 @!p0 [tilespmem:s13], [sflag:$0x5], $0x10, s17, s12, $0xb8;
	[tilespmem:$0x1F000] =	vst v63  }
0x8e: {  	_ =	swait.ge @!p0 [sflag:s10], $0x800  }
0x8f: {  	[sflag:s10] =	ssyncset.done @!p0 $0x0  }
0x90: {  	s19 =	simm.s32 $0x300;
	[sflag:s10] =	ssyncadd.s32 @!p0 $0xFFFFF800  }
0x91: {  	[tilespmem:s29], [sflag:$0x3] =	stream.indirect.gather [hbm4b:s1+s30], $0x40, s19, s30, $0xb8;
	[tilespmem:$0x1F000] =	vst v63  }
0x92: {  	_ =	swait.ge [sflag:s9], $0x2000  }
0x93: {  	[sflag:s9] =	ssyncset.done $0x0  }
0x94: {  	s17 =	simm.s32 $0x5180;
	[sflag:s9] =	ssyncadd.s32 $0xFFFFE000  }
0x95: {  	[spmem:s3] =	stream.indirect.scatter.add.f32 [tilespmem:s0], [sflag:$0x5], $0x40, s17, s30, $0xb8;
	[tilespmem:$0x1F000] =	vst v63  }
0x96: {  	_ =	swait.ge [sflag:s26], $0x2000  }
0x97: {  	[sflag:s26] =	ssyncset.done $0x0  }
0x98: {  	[sflag:s26] =	ssyncadd.s32 $0xFFFFE000  }
0x99: {  	[spmem:s4] =	stream.indirect.scatter.add.f32 @!p2 [tilespmem:s16], [sflag:$0x5], $0x10, s17, s15, $0xb8;
	[tilespmem:$0x1F000] =	vst v63  }
0x9a: {  	_ =	swait.ge @!p2 [sflag:s14], $0x800  }
0x9b: {  	[sflag:s14] =	ssyncset.done @!p2 $0x0  }
0x9c: {  	s18 =	simm.s32 $0x380;
	s17 =	simm.s32 $0x800;
	[sflag:s14] =	ssyncadd.s32 @!p2 $0xFFFFF800  }
.LBB2_8:
0x9d: {  	[tilespmem:s0], [sflag:$0x4] =	stream.indirect.gather [hbm4b:s1+s30], $0x40, s18, s30, $0xb8;
	[tilespmem:$0x1F000] =	vst v63  }
0x9e: {  	s18 =	smov.u32 s17;
	s17 =	sadd.s32 $0x800, s17;
	_ =	swait.ge [sflag:s2], $0x2000  }
0x9f: {  	s18 =	sshra.s32 s18, $0x2;
	p3 =	sne.s32 s17, $0x13800;
	[sflag:s2] =	ssyncset.done $0x0  }
0xa0: {  	s19 =	sadd.s32 $0x5000, s18;
	[sflag:s2] =	ssyncadd.s32 $0xFFFFE000  }
0xa1: {  	[spmem:s3] =	stream.indirect.scatter.add.f32 [tilespmem:s23], [sflag:$0x5], $0x40, s19, s30, $0xb8;
	[tilespmem:$0x1F000] =	vst v63  }
0xa2: {  	_ =	swait.ge [sflag:s26], $0x2000  }
0xa3: {  	[sflag:s26] =	ssyncset.done $0x0  }
0xa4: {  	[sflag:s26] =	ssyncadd.s32 $0xFFFFE000  }
0xa5: {  	[spmem:s4] =	stream.indirect.scatter.add.f32 @!p0 [tilespmem:s13], [sflag:$0x5], $0x10, s19, s12, $0xb8;
	[tilespmem:$0x1F000] =	vst v63  }
0xa6: {  	_ =	swait.ge @!p0 [sflag:s10], $0x800  }
0xa7: {  	[sflag:s10] =	ssyncset.done @!p0 $0x0  }
0xa8: {  	s19 =	sadd.s32 $0x200, s18;
	[sflag:s10] =	ssyncadd.s32 @!p0 $0xFFFFF800  }
0xa9: {  	[tilespmem:s23], [sflag:$0x1] =	stream.indirect.gather [hbm4b:s1+s30], $0x40, s19, s30, $0xb8;
	[tilespmem:$0x1F000] =	vst v63  }
0xaa: {  	_ =	swait.ge [sflag:s7], $0x2000  }
0xab: {  	[sflag:s7] =	ssyncset.done $0x0  }
0xac: {  	s19 =	sadd.s32 $0x5080, s18;
	[sflag:s7] =	ssyncadd.s32 $0xFFFFE000  }
0xad: {  	[spmem:s3] =	stream.indirect.scatter.add.f32 [tilespmem:s31], [sflag:$0x5], $0x40, s19, s30, $0xb8;
	[tilespmem:$0x1F000] =	vst v63  }
0xae: {  	_ =	swait.ge [sflag:s26], $0x2000  }
0xaf: {  	[sflag:s26] =	ssyncset.done $0x0  }
0xb0: {  	[sflag:s26] =	ssyncadd.s32 $0xFFFFE000  }
0xb1: {  	[spmem:s4] =	stream.indirect.scatter.add.f32 @!p2 [tilespmem:s16], [sflag:$0x5], $0x10, s19, s15, $0xb8;
	[tilespmem:$0x1F000] =	vst v63  }
0xb2: {  	_ =	swait.ge @!p2 [sflag:s14], $0x800  }
0xb3: {  	[sflag:s14] =	ssyncset.done @!p2 $0x0  }
0xb4: {  	s19 =	sadd.s32 $0x280, s18;
	[sflag:s14] =	ssyncadd.s32 @!p2 $0xFFFFF800  }
0xb5: {  	[tilespmem:s31], [sflag:$0x2] =	stream.indirect.gather [hbm4b:s1+s30], $0x40, s19, s30, $0xb8;
	[tilespmem:$0x1F000] =	vst v63  }
0xb6: {  	_ =	swait.ge [sflag:s8], $0x2000  }
0xb7: {  	[sflag:s8] =	ssyncset.done $0x0  }
0xb8: {  	s19 =	sadd.s32 $0x5100, s18;
	[sflag:s8] =	ssyncadd.s32 $0xFFFFE000  }
0xb9: {  	[spmem:s3] =	stream.indirect.scatter.add.f32 [tilespmem:s29], [sflag:$0x5], $0x40, s19, s30, $0xb8;
	[tilespmem:$0x1F000] =	vst v63  }
0xba: {  	_ =	swait.ge [sflag:s26], $0x2000  }
0xbb: {  	[sflag:s26] =	ssyncset.done $0x0  }
0xbc: {  	[sflag:s26] =	ssyncadd.s32 $0xFFFFE000  }
0xbd: {  	[spmem:s4] =	stream.indirect.scatter.add.f32 @!p0 [tilespmem:s13], [sflag:$0x5], $0x10, s19, s12, $0xb8;
	[tilespmem:$0x1F000] =	vst v63  }
0xbe: {  	_ =	swait.ge @!p0 [sflag:s10], $0x800  }
0xbf: {  	[sflag:s10] =	ssyncset.done @!p0 $0x0  }
0xc0: {  	s19 =	sadd.s32 $0x300, s18;
	[sflag:s10] =	ssyncadd.s32 @!p0 $0xFFFFF800  }
0xc1: {  	[tilespmem:s29], [sflag:$0x3] =	stream.indirect.gather [hbm4b:s1+s30], $0x40, s19, s30, $0xb8;
	[tilespmem:$0x1F000] =	vst v63  }
0xc2: {  	_ =	swait.ge [sflag:s9], $0x2000  }
0xc3: {  	[sflag:s9] =	ssyncset.done $0x0  }
0xc4: {  	s19 =	sadd.s32 $0x5180, s18;
	[sflag:s9] =	ssyncadd.s32 $0xFFFFE000  }
0xc5: {  	[spmem:s3] =	stream.indirect.scatter.add.f32 [tilespmem:s0], [sflag:$0x5], $0x40, s19, s30, $0xb8;
	[tilespmem:$0x1F000] =	vst v63  }
0xc6: {  	_ =	swait.ge [sflag:s26], $0x2000  }
0xc7: {  	[sflag:s26] =	ssyncset.done $0x0  }
.Ltmp3:
0xc8: {  	[sflag:s26] =	ssyncadd.s32 $0xFFFFE000;
	(pc) =	sbr.rel @p3 .LBB2_8-.Ltmp3, $4  }
0xc9: {  	[spmem:s4] =	stream.indirect.scatter.add.f32 @!p2 [tilespmem:s16], [sflag:$0x5], $0x10, s19, s15, $0xb8;
	[tilespmem:$0x1F000] =	vst v63  }
0xca: {  	_ =	swait.ge @!p2 [sflag:s14], $0x800  }
0xcb: {  	[sflag:s14] =	ssyncset.done @!p2 $0x0  }
0xcc: {  	s18 =	sadd.s32 $0x380, s18;
	[sflag:s14] =	ssyncadd.s32 @!p2 $0xFFFFF800  }
0xcd: {  	[tilespmem:s0], [sflag:$0x4] =	stream.indirect.gather [hbm4b:s1+s30], $0x40, s18, s30, $0xb8;
	[tilespmem:$0x1F000] =	vst v63  }
0xce: {  	_ =	swait.ge [sflag:s2], $0x2000  }
0xcf: {  	[sflag:s2] =	ssyncset.done $0x0  }
0xd0: {  	s14 =	simm.s32 $0x9E00;
	[sflag:s2] =	ssyncadd.s32 $0xFFFFE000  }
0xd1: {  	[spmem:s3] =	stream.indirect.scatter.add.f32 [tilespmem:s23], [sflag:$0x5], $0x40, s14, s30, $0xb8;
	[tilespmem:$0x1F000] =	vst v63  }
0xd2: {  	_ =	swait.ge [sflag:s26], $0x2000  }
0xd3: {  	[sflag:s26] =	ssyncset.done $0x0  }
0xd4: {  	s14 =	simm.s32 @p0 $0x2;
	[sflag:s26] =	ssyncadd.s32 $0xFFFFE000  }
0xd5: {  	_ =	swait.ge @p0 [sflag:s14], $0x2000  }
0xd6: {  	s15 =	simm.s32 @p0 $0x9E80;
	[sflag:s14] =	ssyncset.done @p0 $0x0  }
0xd7: {  	s16 =	simm.s32 @p0 $0xC000;
	[sflag:s14] =	ssyncadd.s32 @p0 $0xFFFFE000;
	s14 =	simm.s32 @p0 $0x80  }
0xd8: {  	[spmem:s3] =	stream.indirect.scatter.add.f32 @p0 [tilespmem:s16], [sflag:$0x5], $0x40, s15, s14, $0xb8;
	[tilespmem:$0x1F000] =	vst v63  }
0xd9: {  	s16 =	simm.s32 @p0 $0x5  }
0xda: {  	_ =	swait.ge @p0 [sflag:s16], $0x2000  }
0xdb: {  	[sflag:s16] =	ssyncset.done @p0 $0x0  }
0xdc: {  	s17 =	simm.s32 @p0 $0x12000;
	[sflag:s16] =	ssyncadd.s32 @p0 $0xFFFFE000  }
0xdd: {  	[spmem:s4] =	stream.indirect.scatter.add.f32 @p0 [tilespmem:s17], [sflag:$0x5], $0x10, s15, s14, $0xb8;
	[tilespmem:$0x1F000] =	vst v63  }
0xde: {  	_ =	swait.ge @p0 [sflag:s16], $0x800  }
0xdf: {  	[sflag:s16] =	ssyncset.done @p0 $0x0  }
0xe0: {  	s15 =	simm.s32 @p0 $0x3;
	[sflag:s16] =	ssyncadd.s32 @p0 $0xFFFFF800  }
0xe1: {  	_ =	swait.ge @p0 [sflag:s15], $0x2000  }
0xe2: {  	[sflag:s15] =	ssyncset.done @p0 $0x0  }
0xe3: {  	s18 =	simm.s32 @p0 $0xE000;
	[sflag:s15] =	ssyncadd.s32 @p0 $0xFFFFE000;
	s15 =	simm.s32 @p0 $0x9F00  }
0xe4: {  	[spmem:s3] =	stream.indirect.scatter.add.f32 @p0 [tilespmem:s18], [sflag:$0x5], $0x40, s15, s14, $0xb8;
	[tilespmem:$0x1F000] =	vst v63  }
0xe5: {  	_ =	swait.ge @p0 [sflag:s16], $0x2000  }
0xe6: {  	[sflag:s16] =	ssyncset.done @p0 $0x0  }
0xe7: {  	s15 =	simm.s32 @p0 $0x4;
	[sflag:s16] =	ssyncadd.s32 @p0 $0xFFFFE000  }
0xe8: {  	_ =	swait.ge @p0 [sflag:s15], $0x2000  }
0xe9: {  	[sflag:s15] =	ssyncset.done @p0 $0x0  }
0xea: {  	s18 =	simm.s32 @p0 $0x10000;
	[sflag:s15] =	ssyncadd.s32 @p0 $0xFFFFE000;
	s15 =	simm.s32 @p0 $0x9F80  }
0xeb: {  	[spmem:s3] =	stream.indirect.scatter.add.f32 @p0 [tilespmem:s18], [sflag:$0x5], $0x40, s15, s14, $0xb8;
	[tilespmem:$0x1F000] =	vst v63  }
0xec: {  	_ =	swait.ge @p0 [sflag:s16], $0x2000  }
0xed: {  	[sflag:s16] =	ssyncset.done @p0 $0x0  }
0xee: {  	[sflag:s16] =	ssyncadd.s32 @p0 $0xFFFFE000  }
0xef: {  	[spmem:s4] =	stream.indirect.scatter.add.f32 @p0 [tilespmem:s17], [sflag:$0x5], $0x10, s15, s14, $0xb8;
	[tilespmem:$0x1F000] =	vst v63  }
0xf0: {  	_ =	swait.ge @p0 [sflag:s16], $0x800  }
0xf1: {  	[sflag:s16] =	ssyncset.done @p0 $0x0  }
0xf2: {  	s14 =	simm.s32 @!p0 $0x9E00;
	[sflag:s16] =	ssyncadd.s32 @p0 $0xFFFFF800  }
0xf3: {  	[spmem:s4] =	stream.indirect.scatter.add.f32 @!p0 [tilespmem:s13], [sflag:$0x5], $0x10, s14, s12, $0xb8;
	[tilespmem:$0x1F000] =	vst v63  }
0xf4: {  	_ =	swait.ge @!p0 [sflag:s10], $0x800  }
0xf5: {  	[sflag:s10] =	ssyncset.done @!p0 $0x0  }
0xf6: {  	s14 =	simm.s32 @!p0 $0x2;
	[sflag:s10] =	ssyncadd.s32 @!p0 $0xFFFFF800  }
0xf7: {  	_ =	swait.ge @!p0 [sflag:s14], $0x2000  }
0xf8: {  	[sflag:s14] =	ssyncset.done @!p0 $0x0  }
0xf9: {  	s15 =	simm.s32 @!p0 $0xC000;
	[sflag:s14] =	ssyncadd.s32 @!p0 $0xFFFFE000;
	s14 =	simm.s32 @!p0 $0x9E80  }
0xfa: {  	[spmem:s3] =	stream.indirect.scatter.add.f32 @!p0 [tilespmem:s15], [sflag:$0x5], $0x40, s14, s12, $0xb8;
	[tilespmem:$0x1F000] =	vst v63  }
0xfb: {  	_ =	swait.ge @!p0 [sflag:s10], $0x2000  }
0xfc: {  	[sflag:s10] =	ssyncset.done @!p0 $0x0  }
0xfd: {  	s14 =	simm.s32 @!p0 $0x3;
	[sflag:s10] =	ssyncadd.s32 @!p0 $0xFFFFE000  }
0xfe: {  	_ =	swait.ge @!p0 [sflag:s14], $0x2000  }
0xff: {  	[sflag:s14] =	ssyncset.done @!p0 $0x0  }
0x100: {  	s15 =	simm.s32 @!p0 $0xE000;
	[sflag:s14] =	ssyncadd.s32 @!p0 $0xFFFFE000;
	s14 =	simm.s32 @!p0 $0x9F00  }
0x101: {  	[spmem:s3] =	stream.indirect.scatter.add.f32 @!p0 [tilespmem:s15], [sflag:$0x5], $0x40, s14, s12, $0xb8;
	[tilespmem:$0x1F000] =	vst v63  }
0x102: {  	_ =	swait.ge @!p0 [sflag:s10], $0x2000  }
0x103: {  	[sflag:s10] =	ssyncset.done @!p0 $0x0  }
0x104: {  	[sflag:s10] =	ssyncadd.s32 @!p0 $0xFFFFE000  }
0x105: {  	[spmem:s4] =	stream.indirect.scatter.add.f32 @!p0 [tilespmem:s13], [sflag:$0x5], $0x10, s14, s12, $0xb8;
	[tilespmem:$0x1F000] =	vst v63  }
0x106: {  	_ =	swait.ge @!p0 [sflag:s10], $0x800  }
0x107: {  	[sflag:s10] =	ssyncset.done @!p0 $0x0  }
0x108: {  	s13 =	simm.s32 @!p0 $0x4;
	[sflag:s10] =	ssyncadd.s32 @!p0 $0xFFFFF800  }
0x109: {  	_ =	swait.ge @!p0 [sflag:s13], $0x2000  }
0x10a: {  	[sflag:s13] =	ssyncset.done @!p0 $0x0  }
0x10b: {  	s14 =	simm.s32 @!p0 $0x10000;
	[sflag:s13] =	ssyncadd.s32 @!p0 $0xFFFFE000;
	s13 =	simm.s32 @!p0 $0x9F80  }
0x10c: {  	[spmem:s3] =	stream.indirect.scatter.add.f32 @!p0 [tilespmem:s14], [sflag:$0x5], $0x40, s13, s12, $0xb8;
	[tilespmem:$0x1F000] =	vst v63  }
0x10d: {  	_ =	swait.ge @!p0 [sflag:s10], $0x2000  }
0x10e: {  	[sflag:s10] =	ssyncset.done @!p0 $0x0  }
0x10f: {  	[sflag:s10] =	ssyncadd.s32 @!p0 $0xFFFFE000  }
0x110: {  	s12 =	simm.s32 @p1 $0x5;
	s10 =	simm.s32 @p1 $0x1FC5;
	[bflag:$0x0] =	sbarrier.arrive $0xFFFF  }
0x111: {  	[hbm:s20], [sflag:s10] =	dma.local @p1 [spmem:s24], $0xC80  }
0x112: {  	_ =	swait.ge @p1 [sflag:s12], $0xC80  }
0x113: {  	[sflag:s12] =	ssyncset.done @p1 $0x0  }
0x114: {  	[sflag:s12] =	ssyncadd.s32 @p1 $0xFFFFF380  }
0x115: {  	[hbm:s21], [sflag:s10] =	dma.local @p1 [spmem:s25], $0x320  }
0x116: {  	s10 =	stileid.u32  }
0x117: {  	_ =	swait.ge @p1 [sflag:s12], $0x320;
	s10 =	sshll.u32 @!p1 s10, $0x6  }
0x118: {  	[sflag:s12] =	ssyncset.done @p1 $0x0;
	s10 =	sor.u32 @!p1 $0x1C05, s10  }
0x119: {  	s13 =	rddreg [dreg:$0xf];
	[sflag:s12] =	ssyncadd.s32 @p1 $0xFFFFFCE0;
	s12 =	sshrl.u32 @!p1 s6, $0x3  }
0x11a: {  	[hbm:s13], [sflag:s10] =	dma.local @!p1 [spmem:s12], $0x1400  }
0x11b: {  	s12 =	simm.s32 @!p1 $0x5  }
0x11c: {  	s5 =	sadd.s32 $0x1, s5;
	_ =	swait.ge @!p1 [sflag:s12], $0x1400  }
0x11d: {  	p3 =	sne.s32 s5, s22;
	s13 =	sshrl.u32 @!p1 s11, $0x3;
	[sflag:s12] =	ssyncset.done @!p1 $0x0  }
.Ltmp4:
0x11e: {  	s14 =	rddreg [dreg:$0x10];
	[sflag:s12] =	ssyncadd.s32 @!p1 $0xFFFFEC00;
	(pc) =	sbr.rel @p3 .LBB2_1-.Ltmp4, $4  }
0x11f: {  	[hbm:s14], [sflag:s10] =	dma.local @!p1 [spmem:s13], $0x500  }
0x120: {  	_ =	swait.ge @!p1 [sflag:s12], $0x500  }
0x121: {  	[sflag:s12] =	ssyncset.done @!p1 $0x0  }
0x122: {  	[sflag:s12] =	ssyncadd.s32 @!p1 $0xFFFFFB00  }
0x123: {  	_ =	sfence.sel $0x180000  }
0x124: {  	[bflag:$0x0] =	sbarrier.arrive $0xFFFF  }
0x125: {  	_ =	strace $0x90000047  }
0x126: {  	s0 =	stileid.u32;
	[bflag:$0x2] =	sbarrier.arrive $0xFFFF  }
0x127: {  	p0 =	sne.s32 s0, $0x0;
	s0 =	rddreg [dreg:$0x4]  }
0x128: {  	s0 =	sadd.s32 @!p0 $0x100000, s0  }
0x129: {  	[sflag:s0] =	ssyncadd.tile.s32 @!p0 $0x1;
	_ =	shalt  }
.Lfunc_end2:
_tile_overlayer_lowered:
.L_overlay_start_2:
0x12a: {  	(tag) =	ssettag $0x2  }
0x12b: {  	s0 =	rddreg [dreg:$0x0];
	s2 =	stileid.u32  }
0x12c: {  	s1 =	rddreg [dreg:$0x1];
	p0 =	sne.s32 s2, $0x0  }
0x12d: {  	s3 =	rddreg [dreg:$0x2];
	[bflag:$0x3] =	sbarrier.arrive $0xFFFF;
	s2 =	simm.s32 @!p0 $0x1C05  }
0x12e: {  	[timem:s3], [sflag:s2] =	dma.local @!p0 [hbm:s0], s1  }
0x12f: {  	s0 =	simm.s32 @!p0 $0x5  }
0x130: {  	_ =	swait.ge @!p0 [sflag:s0], s1  }
0x131: {  	s1 =	ssub.s32 @!p0 $0x0, s1;
	[sflag:s0] =	ssyncset.done @!p0 $0x0  }
0x132: {  	[sflag:s0] =	ssyncadd.s32 @!p0 s1  }
0x133: {  	[bflag:$0x3] =	sbarrier.arrive $0xFFFF  }
0x134: {  	_ =	shalt  }

</sc_bundles>
